<compile_context>
chip_gen: v7x
topology: tpu7x:2x2x1
jax: 0.10.2.dev20260603
libtpu: 0.0.44.dev20260713+nightly
codegen_flags: <defaults>
</compile_context>

<pallas_src>
import dataclasses
import functools

import jax
import jax.numpy as jnp
from jax import lax
from jax.experimental import pallas as pl
from jax.experimental.pallas import tpu as pltpu
from jax.experimental.pallas import tpu_sc as plsc

B, N, S = 8, 4096, 1024
C1, C2 = 256, 512
O1, O2 = 256, 256
EPS_BN = 1e-5
NB = 512
NBLK = N // NB
NB2 = 2048
NBLK2 = N // NB2
CNT = float(B * N)
M = B * N
NWORK = 32
PPW = M // NWORK
WIN = 64
NWIN = PPW // WIN


def _g_kernel(f2_ref, w1b_ref, g_ref):
    g_ref[0] = jax.lax.dot_general(
        f2_ref[0], w1b_ref[...], (((1,), (1,)), ((), ())),
        preferred_element_type=jnp.float32)


def _knn_kernel(p1_ref, p2_ref, idx_ref, w_ref):
    p1 = p1_ref[0]
    p2 = p2_ref[0]
    d = jnp.zeros((NB, S), jnp.float32)
    for j in range(3):
        t = p1[:, j][:, None] - p2[:, j][None, :]
        d = d + t * t
    iota = jax.lax.broadcasted_iota(jnp.int32, (NB, S), 1)
    key = jax.lax.bitcast_convert_type(
        (jax.lax.bitcast_convert_type(d, jnp.int32) & -1024) | iota,
        jnp.float32)
    m1 = jnp.full((NB, 128), 3.0e38, jnp.float32)
    m2 = m1
    m3 = m1
    for c in range(8):
        x = key[:, c * 128:(c + 1) * 128]
        hi = jnp.maximum(m1, x)
        m1 = jnp.minimum(m1, x)
        hi2 = jnp.maximum(m2, hi)
        m2 = jnp.minimum(m2, hi)
        m3 = jnp.minimum(m3, hi2)
    ks = []
    for r in range(3):
        k = jnp.min(m1, axis=1, keepdims=True)
        ks.append(k)
        if r < 2:
            sel = (m1 == k)
            m1 = jnp.where(sel, m2, m1)
            m2 = jnp.where(sel, m3, m2)
    recips = []
    gidxs = []
    boff = pl.program_id(0) * S
    for k in ks:
        ki = jax.lax.bitcast_convert_type(k, jnp.int32)
        dk = jax.lax.bitcast_convert_type(ki & -1024, jnp.float32)
        recips.append(1.0 / (dk + 1e-8))
        gidxs.append((ki & 1023) + boff)
    wsum = recips[0] + recips[1] + recips[2]
    idx_ref[0] = jnp.concatenate(
        gidxs + [jnp.zeros((NB, 1), jnp.int32)], axis=1)
    w_ref[0] = jnp.concatenate(
        [recips[0] / wsum, recips[1] / wsum, recips[2] / wsum,
         jnp.zeros((NB, 1), jnp.float32)], axis=1)


def _sc_interp(g2, iflat, wflat, out,
               ia0, ia1, wa0, wa1, iv0, iv1, r0a, r1a, r2a,
               r0b, r1b, r2b, ov, sema, semb):
    wid = lax.axis_index("s") * 2 + lax.axis_index("c")
    iota16 = jax.lax.iota(jnp.int32, 16)
    rows_a = (r0a, r1a, r2a)
    rows_b = (r0b, r1b, r2b)

    def prefetch(wi, iall, ivbuf, wall, rows, sem):
        base = wid * PPW + wi * WIN
        pltpu.sync_copy(iflat.at[pl.ds(base * 4, WIN * 4)], iall)
        pltpu.sync_copy(wflat.at[pl.ds(base * 4, WIN * 4)], wall)
        for k in range(3):
            for j in range(WIN // 16):
                ivbuf[pl.ds(j * 16, 16)] = plsc.load_gather(
                    iall, [(iota16 + 16 * j) * 4 + k])
            pltpu.async_copy(g2.at[ivbuf], rows[k], sem)

    def compute(wi, wall, ivbuf, rows, sem):
        for k in range(3):
            pltpu.make_async_copy(g2.at[ivbuf], rows[k], sem).wait()

        @pl.loop(0, WIN)
        def _(i):
            s0 = plsc.load_gather(wall, [jnp.broadcast_to(4 * i, (16,))])
            s1 = plsc.load_gather(wall, [jnp.broadcast_to(4 * i + 1, (16,))])
            s2 = plsc.load_gather(wall, [jnp.broadcast_to(4 * i + 2, (16,))])
            for c in range(O1 // 16):
                cs = pl.ds(c * 16, 16)
                ov[i, cs] = (s0 * rows[0][i, cs] + s1 * rows[1][i, cs]
                             + s2 * rows[2][i, cs])

        base = wid * PPW + wi * WIN
        pltpu.sync_copy(ov, out.at[pl.ds(base, WIN)])

    prefetch(0, ia0, iv0, wa0, rows_a, sema)

    @pl.loop(0, NWIN // 2)
    def _(t):
        prefetch(2 * t + 1, ia1, iv1, wa1, rows_b, semb)
        compute(2 * t, wa0, iv0, rows_a, sema)

        @pl.when(t < NWIN // 2 - 1)
        def _():
            prefetch(2 * t + 2, ia0, iv0, wa0, rows_a, sema)

        compute(2 * t + 1, wa1, iv1, rows_b, semb)


def _combine_kernel(i_ref, f1_ref, w1a_ref, h1_ref, st_ref):
    h1 = i_ref[0] + jax.lax.dot_general(
        f1_ref[0], w1a_ref[...], (((1,), (1,)), ((), ())),
        preferred_element_type=jnp.float32)
    h1_ref[0] = h1
    part = jnp.concatenate([jnp.sum(h1, axis=0)[None, :],
                            jnp.sum(h1 * h1, axis=0)[None, :]], axis=0)
    first = (pl.program_id(0) == 0) & (pl.program_id(1) == 0)

    @pl.when(first)
    def _():
        st_ref[...] = part

    @pl.when(jnp.logical_not(first))
    def _():
        st_ref[...] += part


def _bn_affine_in_kernel(st_ref, g_ref, b_ref):
    mean = st_ref[0:1, :] * (1.0 / CNT)
    var = jnp.maximum(st_ref[1:2, :] * (1.0 / CNT) - mean * mean, 0.0)
    scale = g_ref[...] * jax.lax.rsqrt(var + EPS_BN)
    shift = b_ref[...] - mean * scale
    return scale, shift


def _layer2_kernel(h1_ref, st1_ref, g_ref, b_ref, w2_ref, h2_ref, st_ref):
    scale, shift = _bn_affine_in_kernel(st1_ref, g_ref, b_ref)
    x = jnp.maximum(h1_ref[0] * scale + shift, 0.0)
    h2 = jax.lax.dot_general(
        x, w2_ref[...], (((1,), (1,)), ((), ())),
        preferred_element_type=jnp.float32)
    h2_ref[0] = h2
    part = jnp.concatenate([jnp.sum(h2, axis=0)[None, :],
                            jnp.sum(h2 * h2, axis=0)[None, :]], axis=0)
    first = (pl.program_id(0) == 0) & (pl.program_id(1) == 0)

    @pl.when(first)
    def _():
        st_ref[...] = part

    @pl.when(jnp.logical_not(first))
    def _():
        st_ref[...] += part


def _final_kernel(h2_ref, st2_ref, g_ref, b_ref, o_ref):
    scale, shift = _bn_affine_in_kernel(st2_ref, g_ref, b_ref)
    o_ref[0] = jnp.maximum(h2_ref[0] * scale + shift, 0.0)


@jax.jit
def _run(point_1, point_2, point_feat_1, point_feat_2, W1, g1, b1, W2, g2, b2):
    W1a = W1[:, :C1]
    W1b = W1[:, C1:]
    g1r = g1.reshape(1, O1)
    b1r = b1.reshape(1, O1)
    g2r = g2.reshape(1, O2)
    b2r = b2.reshape(1, O2)

    G = pl.pallas_call(
        _g_kernel,
        grid=(B,),
        in_specs=[
            pl.BlockSpec((1, S, C2), lambda b: (b, 0, 0)),
            pl.BlockSpec((O1, C2), lambda b: (0, 0)),
        ],
        out_specs=pl.BlockSpec((1, S, O1), lambda b: (b, 0, 0)),
        out_shape=jax.ShapeDtypeStruct((B, S, O1), jnp.float32),
    )(point_feat_2, W1b)

    idx4, w4 = pl.pallas_call(
        _knn_kernel,
        grid=(B, NBLK),
        in_specs=[
            pl.BlockSpec((1, NB, 3), lambda b, i: (b, i, 0)),
            pl.BlockSpec((1, S, 3), lambda b, i: (b, 0, 0)),
        ],
        out_specs=[
            pl.BlockSpec((1, NB, 4), lambda b, i: (b, i, 0)),
            pl.BlockSpec((1, NB, 4), lambda b, i: (b, i, 0)),
        ],
        out_shape=[
            jax.ShapeDtypeStruct((B, N, 4), jnp.int32),
            jax.ShapeDtypeStruct((B, N, 4), jnp.float32),
        ],
    )(point_1, point_2)

    g2f = G.reshape(B * S, O1)

    cp = pltpu.CompilerParams()
    if "needs_layout_passes" in pltpu.CompilerParams.__dataclass_fields__:
        cp = dataclasses.replace(cp, needs_layout_passes=False)
    sc_interp = functools.partial(
        pl.kernel,
        out_type=jax.ShapeDtypeStruct((M, O1), jnp.float32),
        compiler_params=cp,
        mesh=plsc.VectorSubcoreMesh(core_axis_name="c", subcore_axis_name="s"),
        scratch_types=[
            pltpu.VMEM((WIN * 4,), jnp.int32),
            pltpu.VMEM((WIN * 4,), jnp.int32),
            pltpu.VMEM((WIN * 4,), jnp.float32),
            pltpu.VMEM((WIN * 4,), jnp.float32),
            pltpu.VMEM((WIN,), jnp.int32),
            pltpu.VMEM((WIN,), jnp.int32),
            pltpu.VMEM((WIN, O1), jnp.float32),
            pltpu.VMEM((WIN, O1), jnp.float32),
            pltpu.VMEM((WIN, O1), jnp.float32),
            pltpu.VMEM((WIN, O1), jnp.float32),
            pltpu.VMEM((WIN, O1), jnp.float32),
            pltpu.VMEM((WIN, O1), jnp.float32),
            pltpu.VMEM((WIN, O1), jnp.float32),
            pltpu.SemaphoreType.DMA,
            pltpu.SemaphoreType.DMA,
        ],
    )(_sc_interp)

    interp = sc_interp(g2f, idx4.reshape(M * 4), w4.reshape(M * 4))
    interp = interp.reshape(B, N, O1)

    h1, st1 = pl.pallas_call(
        _combine_kernel,
        grid=(B, NBLK2),
        in_specs=[
            pl.BlockSpec((1, NB2, O1), lambda b, i: (b, i, 0)),
            pl.BlockSpec((1, NB2, C1), lambda b, i: (b, i, 0)),
            pl.BlockSpec((O1, C1), lambda b, i: (0, 0)),
        ],
        out_specs=[
            pl.BlockSpec((1, NB2, O1), lambda b, i: (b, i, 0)),
            pl.BlockSpec((2, O1), lambda b, i: (0, 0)),
        ],
        out_shape=[
            jax.ShapeDtypeStruct((B, N, O1), jnp.float32),
            jax.ShapeDtypeStruct((2, O1), jnp.float32),
        ],
    )(interp, point_feat_1, W1a)

    h2, st2 = pl.pallas_call(
        _layer2_kernel,
        grid=(B, NBLK2),
        in_specs=[
            pl.BlockSpec((1, NB2, O1), lambda b, i: (b, i, 0)),
            pl.BlockSpec((2, O1), lambda b, i: (0, 0)),
            pl.BlockSpec((1, O1), lambda b, i: (0, 0)),
            pl.BlockSpec((1, O1), lambda b, i: (0, 0)),
            pl.BlockSpec((O2, O1), lambda b, i: (0, 0)),
        ],
        out_specs=[
            pl.BlockSpec((1, NB2, O2), lambda b, i: (b, i, 0)),
            pl.BlockSpec((2, O2), lambda b, i: (0, 0)),
        ],
        out_shape=[
            jax.ShapeDtypeStruct((B, N, O2), jnp.float32),
            jax.ShapeDtypeStruct((2, O2), jnp.float32),
        ],
    )(h1, st1, g1r, b1r, W2)

    out = pl.pallas_call(
        _final_kernel,
        grid=(B, NBLK2),
        in_specs=[
            pl.BlockSpec((1, NB2, O2), lambda b, i: (b, i, 0)),
            pl.BlockSpec((2, O2), lambda b, i: (0, 0)),
            pl.BlockSpec((1, O2), lambda b, i: (0, 0)),
            pl.BlockSpec((1, O2), lambda b, i: (0, 0)),
        ],
        out_specs=pl.BlockSpec((1, NB2, O2), lambda b, i: (b, i, 0)),
        out_shape=jax.ShapeDtypeStruct((B, N, O2), jnp.float32),
    )(h2, st2, g2r, b2r)

    return out


def kernel(point_1, point_2, point_feat_1, point_feat_2, W1, g1, b1, W2, g2, b2):
    return _run(point_1, point_2, point_feat_1, point_feat_2,
                W1, g1, b1, W2, g2, b2)

# --- scband reference (transcript-rebuilt; emitter-appended) ---
"""Pipeline reference for scband-feature-propagation-28097676051192 (READ-ONLY COPY).

The authoritative reference and input builder live on the scoring server;
editing this copy changes nothing except your own understanding.
"""

import jax, jax.numpy as jnp
import numpy as np

B, N, S = 8, 4096, 1024
C1, C2 = 256, 512
IN_CH = C1 + C2
OUT = [256, 256]
EPS_BN = 1e-5


def setup_inputs(seed: int = 0) -> dict:
    key = jax.random.key(seed)
    ks = jax.random.split(key, 12)
    inp = {
        'point_1': jax.random.normal(ks[0], (B, N, 3), dtype=jnp.float32),
        'point_2': jax.random.normal(ks[1], (B, S, 3), dtype=jnp.float32),
        'point_feat_1': jax.random.normal(ks[2], (B, N, C1), dtype=jnp.float32),
        'point_feat_2': jax.random.normal(ks[3], (B, S, C2), dtype=jnp.float32),
        'W1': jax.random.normal(ks[4], (OUT[0], IN_CH), dtype=jnp.float32) * (1.0 / np.sqrt(IN_CH)),
        'g1': jnp.ones((OUT[0],), dtype=jnp.float32),
        'b1': jnp.zeros((OUT[0],), dtype=jnp.float32),
        'W2': jax.random.normal(ks[5], (OUT[1], OUT[0]), dtype=jnp.float32) * (1.0 / np.sqrt(OUT[0])),
        'g2': jnp.ones((OUT[1],), dtype=jnp.float32),
        'b2': jnp.zeros((OUT[1],), dtype=jnp.float32),
    }
    return inp


def _bn_train(x, g, b):
    # x: [B, C, N]; BatchNorm1d training-mode batch stats over (B, N)
    mean = jnp.mean(x, axis=(0, 2), keepdims=True)
    var = jnp.mean((x - mean) ** 2, axis=(0, 2), keepdims=True)
    xn = (x - mean) / jnp.sqrt(var + EPS_BN)
    return xn * g[None, :, None] + b[None, :, None]


def reference(point_1, point_2, point_feat_1, point_feat_2, W1, g1, b1, W2, g2, b2):
    # knn_points(point_1, point_2, norm=2, K=3, return_sorted=True) -> squared L2 dists
    d = jnp.sum((point_1[:, :, None, :] - point_2[:, None, :, :]) ** 2, axis=-1)  # [B, N, S]
    neg_d, nn_idx = jax.lax.top_k(-d, 3)  # sorted ascending in dist
    dist = -neg_d  # [B, N, 3]
    dist_recip = 1.0 / (dist + 1e-08)
    weight = dist_recip / jnp.sum(dist_recip, axis=2, keepdims=True)
    # knn_gather: [B, S, C2] gathered by [B, N, 3] -> [B, N, 3, C2]
    gathered = jax.vmap(lambda f, i: f[i])(point_feat_2, nn_idx)
    interp = jnp.sum(gathered * weight[..., None], axis=2)  # [B, N, C2]
    feat = jnp.concatenate([point_feat_1, interp], axis=2)  # [B, N, C1+C2]
    x = jnp.transpose(feat, (0, 2, 1))  # [B, C, N]
    # layer 1: conv1d k=1 (no bias) + BN + ReLU
    x = jnp.einsum('oi,bin->bon', W1, x)
    x = jax.nn.relu(_bn_train(x, g1, b1))
    # layer 2
    x = jnp.einsum('oi,bin->bon', W2, x)
    x = jax.nn.relu(_bn_train(x, g2, b2))
    return jnp.transpose(x, (0, 2, 1))  # [B, N, OUT[-1]]

if __name__ == "__main__":
    import jax
    _d = setup_inputs()
    print(jax.jit(kernel)(*tuple(_d.values())))

</pallas_src>

<mosaic_0001>
#map = affine_map<(d0, d1) -> (0, 0)>
#map1 = affine_map<(d0, d1) -> (0)>
module attributes {stable_mosaic.version = 14 : i64} {
  func.func @_sc_interp(%arg0: i32, %arg1: i32, %arg2: memref<8192x256xf32, #tpu.memory_space<hbm>>, %arg3: memref<131072xi32, #tpu.memory_space<hbm>>, %arg4: memref<131072xf32, #tpu.memory_space<hbm>>, %arg5: memref<32768x256xf32, #tpu.memory_space<hbm>>, %arg6: memref<256xi32, #tpu.memory_space<vmem>>, %arg7: memref<256xi32, #tpu.memory_space<vmem>>, %arg8: memref<256xf32, #tpu.memory_space<vmem>>, %arg9: memref<256xf32, #tpu.memory_space<vmem>>, %arg10: memref<64xi32, #tpu.memory_space<vmem>>, %arg11: memref<64xi32, #tpu.memory_space<vmem>>, %arg12: memref<64x256xf32, #tpu.memory_space<vmem>>, %arg13: memref<64x256xf32, #tpu.memory_space<vmem>>, %arg14: memref<64x256xf32, #tpu.memory_space<vmem>>, %arg15: memref<64x256xf32, #tpu.memory_space<vmem>>, %arg16: memref<64x256xf32, #tpu.memory_space<vmem>>, %arg17: memref<64x256xf32, #tpu.memory_space<vmem>>, %arg18: memref<64x256xf32, #tpu.memory_space<vmem>>, %arg19: memref<!tpu.dma_semaphore, #tpu.memory_space<semaphore_mem>>, %arg20: memref<!tpu.dma_semaphore, #tpu.memory_space<semaphore_mem>>) attributes {dimension_semantics = [#tpu.dimension_semantics<core_parallel>, #tpu.dimension_semantics<subcore_parallel>], iteration_bounds = array<i64: 2, 16>, scalar_prefetch = 0 : i64, scratch_operands = 15 : i64, tpu.core_type = #tpu.core_type<sc_vector_subcore>, window_params = [{transform_indices = #map}, {transform_indices = #map1}, {transform_indices = #map1}, {transform_indices = #map}]} {
    %mul3A = arith.constant 2 : i32
    %mul3A_0 = arith.muli %arg1, %mul3A : i32
    %add3A = arith.addi %mul3A_0, %arg0 : i32
    %iota3A = tpu.iota {dimensions = array<i32: 0>} : vector<16xi32>
    %mul3A_1 = arith.constant 1024 : i32
    %mul3A_2 = arith.muli %add3A, %mul3A_1 : i32
    %add3A_3 = arith.constant 0 : i32
    %add3A_4 = arith.addi %mul3A_2, %add3A_3 : i32
    %mul3A_5 = arith.constant 4 : i32
    %mul3A_6 = arith.muli %add3A_4, %mul3A_5 : i32
    "tpu.region"() ({
      %run_scoped3A = tpu.sem_alloc : memref<!tpu.dma_semaphore, #tpu.memory_space<semaphore_mem>>
      %dma_start3A_163 = tpu.memref_slice %arg3[%mul3A_6] : memref<131072xi32, #tpu.memory_space<hbm>> -> memref<256xi32, #tpu.memory_space<hbm>>
      %dma_start3A_164 = tpu.memref_slice %arg3[%mul3A_6] : memref<131072xi32, #tpu.memory_space<hbm>> -> memref<256xi32, #tpu.memory_space<hbm>>
      tpu.enqueue_dma source(%dma_start3A_164 : memref<256xi32, #tpu.memory_space<hbm>>) target(%arg6 : memref<256xi32, #tpu.memory_space<vmem>>) target_semaphore(%run_scoped3A : memref<!tpu.dma_semaphore, #tpu.memory_space<semaphore_mem>>)
      %dma_wait3A = tpu.memref_slice %arg3[%mul3A_6] : memref<131072xi32, #tpu.memory_space<hbm>> -> memref<256xi32, #tpu.memory_space<hbm>>
      %dma_wait3A_165 = tpu.memref_slice %arg3[%mul3A_6] : memref<131072xi32, #tpu.memory_space<hbm>> -> memref<256xi32, #tpu.memory_space<hbm>>
      tpu.wait_dma2 semaphore(%run_scoped3A : memref<!tpu.dma_semaphore, #tpu.memory_space<semaphore_mem>>) src(%dma_wait3A_165 : memref<256xi32, #tpu.memory_space<hbm>>) dst(%arg6 : memref<256xi32, #tpu.memory_space<vmem>>)
      tpu.yield
    }) : () -> ()
    %mul3A_7 = arith.constant 4 : i32
    %mul3A_8 = arith.muli %add3A_4, %mul3A_7 : i32
    "tpu.region"() ({
      %run_scoped3A = tpu.sem_alloc : memref<!tpu.dma_semaphore, #tpu.memory_space<semaphore_mem>>
      %dma_start3A_163 = tpu.memref_slice %arg4[%mul3A_8] : memref<131072xf32, #tpu.memory_space<hbm>> -> memref<256xf32, #tpu.memory_space<hbm>>
      %dma_start3A_164 = tpu.memref_slice %arg4[%mul3A_8] : memref<131072xf32, #tpu.memory_space<hbm>> -> memref<256xf32, #tpu.memory_space<hbm>>
      tpu.enqueue_dma source(%dma_start3A_164 : memref<256xf32, #tpu.memory_space<hbm>>) target(%arg8 : memref<256xf32, #tpu.memory_space<vmem>>) target_semaphore(%run_scoped3A : memref<!tpu.dma_semaphore, #tpu.memory_space<semaphore_mem>>)
      %dma_wait3A = tpu.memref_slice %arg4[%mul3A_8] : memref<131072xf32, #tpu.memory_space<hbm>> -> memref<256xf32, #tpu.memory_space<hbm>>
      %dma_wait3A_165 = tpu.memref_slice %arg4[%mul3A_8] : memref<131072xf32, #tpu.memory_space<hbm>> -> memref<256xf32, #tpu.memory_space<hbm>>
      tpu.wait_dma2 semaphore(%run_scoped3A : memref<!tpu.dma_semaphore, #tpu.memory_space<semaphore_mem>>) src(%dma_wait3A_165 : memref<256xf32, #tpu.memory_space<hbm>>) dst(%arg8 : memref<256xf32, #tpu.memory_space<vmem>>)
      tpu.yield
    }) : () -> ()
    %add3A_9 = arith.constant 0 : i32
    %add3A_10 = vector.broadcast %add3A_9 : i32 to vector<16xi32>
    %add3A_11 = arith.addi %iota3A, %add3A_10 : vector<16xi32>
    %mul3A_12 = arith.constant 4 : i32
    %mul3A_13 = vector.broadcast %mul3A_12 : i32 to vector<16xi32>
    %mul3A_14 = arith.muli %add3A_11, %mul3A_13 : vector<16xi32>
    %add3A_15 = arith.constant 0 : i32
    %add3A_16 = vector.broadcast %add3A_15 : i32 to vector<16xi32>
    %add3A_17 = arith.addi %mul3A_14, %add3A_16 : vector<16xi32>
    %gather3A = tpu.vector_load_idx %arg6[%add3A_17] : memref<256xi32, #tpu.memory_space<vmem>>[vector<16xi32>], vector<16xi32>,
    %swap3A = arith.constant 0 : index
    %swap3A_18 = tpu.vector_load %arg10[%swap3A] {strides = array<i32>} : memref<64xi32, #tpu.memory_space<vmem>>, vector<16xi32>,
    tpu.vector_store %arg10[%swap3A], %gather3A {strides = array<i32>} : memref<64xi32, #tpu.memory_space<vmem>>, vector<16xi32>,
    %add3A_19 = arith.constant 16 : i32
    %add3A_20 = vector.broadcast %add3A_19 : i32 to vector<16xi32>
    %add3A_21 = arith.addi %iota3A, %add3A_20 : vector<16xi32>
    %mul3A_22 = arith.constant 4 : i32
    %mul3A_23 = vector.broadcast %mul3A_22 : i32 to vector<16xi32>
    %mul3A_24 = arith.muli %add3A_21, %mul3A_23 : vector<16xi32>
    %add3A_25 = arith.constant 0 : i32
    %add3A_26 = vector.broadcast %add3A_25 : i32 to vector<16xi32>
    %add3A_27 = arith.addi %mul3A_24, %add3A_26 : vector<16xi32>
    %gather3A_28 = tpu.vector_load_idx %arg6[%add3A_27] : memref<256xi32, #tpu.memory_space<vmem>>[vector<16xi32>], vector<16xi32>,
    %swap3A_29 = arith.constant 16 : index
    %swap3A_30 = tpu.vector_load %arg10[%swap3A_29] {strides = array<i32>} : memref<64xi32, #tpu.memory_space<vmem>>, vector<16xi32>,
    tpu.vector_store %arg10[%swap3A_29], %gather3A_28 {strides = array<i32>} : memref<64xi32, #tpu.memory_space<vmem>>, vector<16xi32>,
    %add3A_31 = arith.constant 32 : i32
    %add3A_32 = vector.broadcast %add3A_31 : i32 to vector<16xi32>
    %add3A_33 = arith.addi %iota3A, %add3A_32 : vector<16xi32>
    %mul3A_34 = arith.constant 4 : i32
    %mul3A_35 = vector.broadcast %mul3A_34 : i32 to vector<16xi32>
    %mul3A_36 = arith.muli %add3A_33, %mul3A_35 : vector<16xi32>
    %add3A_37 = arith.constant 0 : i32
    %add3A_38 = vector.broadcast %add3A_37 : i32 to vector<16xi32>
    %add3A_39 = arith.addi %mul3A_36, %add3A_38 : vector<16xi32>
    %gather3A_40 = tpu.vector_load_idx %arg6[%add3A_39] : memref<256xi32, #tpu.memory_space<vmem>>[vector<16xi32>], vector<16xi32>,
    %swap3A_41 = arith.constant 32 : index
    %swap3A_42 = tpu.vector_load %arg10[%swap3A_41] {strides = array<i32>} : memref<64xi32, #tpu.memory_space<vmem>>, vector<16xi32>,
    tpu.vector_store %arg10[%swap3A_41], %gather3A_40 {strides = array<i32>} : memref<64xi32, #tpu.memory_space<vmem>>, vector<16xi32>,
    %add3A_43 = arith.constant 48 : i32
    %add3A_44 = vector.broadcast %add3A_43 : i32 to vector<16xi32>
    %add3A_45 = arith.addi %iota3A, %add3A_44 : vector<16xi32>
    %mul3A_46 = arith.constant 4 : i32
    %mul3A_47 = vector.broadcast %mul3A_46 : i32 to vector<16xi32>
    %mul3A_48 = arith.muli %add3A_45, %mul3A_47 : vector<16xi32>
    %add3A_49 = arith.constant 0 : i32
    %add3A_50 = vector.broadcast %add3A_49 : i32 to vector<16xi32>
    %add3A_51 = arith.addi %mul3A_48, %add3A_50 : vector<16xi32>
    %gather3A_52 = tpu.vector_load_idx %arg6[%add3A_51] : memref<256xi32, #tpu.memory_space<vmem>>[vector<16xi32>], vector<16xi32>,
    %swap3A_53 = arith.constant 48 : index
    %swap3A_54 = tpu.vector_load %arg10[%swap3A_53] {strides = array<i32>} : memref<64xi32, #tpu.memory_space<vmem>>, vector<16xi32>,
    tpu.vector_store %arg10[%swap3A_53], %gather3A_52 {strides = array<i32>} : memref<64xi32, #tpu.memory_space<vmem>>, vector<16xi32>,
    %dma_start3A = arith.constant 0 : i32
    %dma_start3A_55 = arith.constant 0 : i32
    %dma_start3A_56 = tpu.memref_slice %arg2[%dma_start3A, %dma_start3A_55] : memref<8192x256xf32, #tpu.memory_space<hbm>> -> memref<8192x256xf32, #tpu.memory_space<hbm>>
    tpu.enqueue_indirect_dma source(%dma_start3A_56 : memref<8192x256xf32, #tpu.memory_space<hbm>>) target(%arg12 : memref<64x256xf32, #tpu.memory_space<vmem>>) offsets(%arg10 : memref<64xi32, #tpu.memory_space<vmem>>) semaphore(%arg19 : memref<!tpu.dma_semaphore, #tpu.memory_space<semaphore_mem>>)
    %add3A_57 = arith.constant 0 : i32
    %add3A_58 = vector.broadcast %add3A_57 : i32 to vector<16xi32>
    %add3A_59 = arith.addi %iota3A, %add3A_58 : vector<16xi32>
    %mul3A_60 = arith.constant 4 : i32
    %mul3A_61 = vector.broadcast %mul3A_60 : i32 to vector<16xi32>
    %mul3A_62 = arith.muli %add3A_59, %mul3A_61 : vector<16xi32>
    %add3A_63 = arith.constant 1 : i32
    %add3A_64 = vector.broadcast %add3A_63 : i32 to vector<16xi32>
    %add3A_65 = arith.addi %mul3A_62, %add3A_64 : vector<16xi32>
    %gather3A_66 = tpu.vector_load_idx %arg6[%add3A_65] : memref<256xi32, #tpu.memory_space<vmem>>[vector<16xi32>], vector<16xi32>,
    %swap3A_67 = arith.constant 0 : index
    %swap3A_68 = tpu.vector_load %arg10[%swap3A_67] {strides = array<i32>} : memref<64xi32, #tpu.memory_space<vmem>>, vector<16xi32>,
    tpu.vector_store %arg10[%swap3A_67], %gather3A_66 {strides = array<i32>} : memref<64xi32, #tpu.memory_space<vmem>>, vector<16xi32>,
    %add3A_69 = arith.constant 16 : i32
    %add3A_70 = vector.broadcast %add3A_69 : i32 to vector<16xi32>
    %add3A_71 = arith.addi %iota3A, %add3A_70 : vector<16xi32>
    %mul3A_72 = arith.constant 4 : i32
    %mul3A_73 = vector.broadcast %mul3A_72 : i32 to vector<16xi32>
    %mul3A_74 = arith.muli %add3A_71, %mul3A_73 : vector<16xi32>
    %add3A_75 = arith.constant 1 : i32
    %add3A_76 = vector.broadcast %add3A_75 : i32 to vector<16xi32>
    %add3A_77 = arith.addi %mul3A_74, %add3A_76 : vector<16xi32>
    %gather3A_78 = tpu.vector_load_idx %arg6[%add3A_77] : memref<256xi32, #tpu.memory_space<vmem>>[vector<16xi32>], vector<16xi32>,
    %swap3A_79 = arith.constant 16 : index
    %swap3A_80 = tpu.vector_load %arg10[%swap3A_79] {strides = array<i32>} : memref<64xi32, #tpu.memory_space<vmem>>, vector<16xi32>,
    tpu.vector_store %arg10[%swap3A_79], %gather3A_78 {strides = array<i32>} : memref<64xi32, #tpu.memory_space<vmem>>, vector<16xi32>,
    %add3A_81 = arith.constant 32 : i32
    %add3A_82 = vector.broadcast %add3A_81 : i32 to vector<16xi32>
    %add3A_83 = arith.addi %iota3A, %add3A_82 : vector<16xi32>
    %mul3A_84 = arith.constant 4 : i32
    %mul3A_85 = vector.broadcast %mul3A_84 : i32 to vector<16xi32>
    %mul3A_86 = arith.muli %add3A_83, %mul3A_85 : vector<16xi32>
    %add3A_87 = arith.constant 1 : i32
    %add3A_88 = vector.broadcast %add3A_87 : i32 to vector<16xi32>
    %add3A_89 = arith.addi %mul3A_86, %add3A_88 : vector<16xi32>
    %gather3A_90 = tpu.vector_load_idx %arg6[%add3A_89] : memref<256xi32, #tpu.memory_space<vmem>>[vector<16xi32>], vector<16xi32>,
    %swap3A_91 = arith.constant 32 : index
    %swap3A_92 = tpu.vector_load %arg10[%swap3A_91] {strides = array<i32>} : memref<64xi32, #tpu.memory_space<vmem>>, vector<16xi32>,
    tpu.vector_store %arg10[%swap3A_91], %gather3A_90 {strides = array<i32>} : memref<64xi32, #tpu.memory_space<vmem>>, vector<16xi32>,
    %add3A_93 = arith.constant 48 : i32
    %add3A_94 = vector.broadcast %add3A_93 : i32 to vector<16xi32>
    %add3A_95 = arith.addi %iota3A, %add3A_94 : vector<16xi32>
    %mul3A_96 = arith.constant 4 : i32
    %mul3A_97 = vector.broadcast %mul3A_96 : i32 to vector<16xi32>
    %mul3A_98 = arith.muli %add3A_95, %mul3A_97 : vector<16xi32>
    %add3A_99 = arith.constant 1 : i32
    %add3A_100 = vector.broadcast %add3A_99 : i32 to vector<16xi32>
    %add3A_101 = arith.addi %mul3A_98, %add3A_100 : vector<16xi32>
    %gather3A_102 = tpu.vector_load_idx %arg6[%add3A_101] : memref<256xi32, #tpu.memory_space<vmem>>[vector<16xi32>], vector<16xi32>,
    %swap3A_103 = arith.constant 48 : index
    %swap3A_104 = tpu.vector_load %arg10[%swap3A_103] {strides = array<i32>} : memref<64xi32, #tpu.memory_space<vmem>>, vector<16xi32>,
    tpu.vector_store %arg10[%swap3A_103], %gather3A_102 {strides = array<i32>} : memref<64xi32, #tpu.memory_space<vmem>>, vector<16xi32>,
    %dma_start3A_105 = arith.constant 0 : i32
    %dma_start3A_106 = arith.constant 0 : i32
    %dma_start3A_107 = tpu.memref_slice %arg2[%dma_start3A_105, %dma_start3A_106] : memref<8192x256xf32, #tpu.memory_space<hbm>> -> memref<8192x256xf32, #tpu.memory_space<hbm>>
    tpu.enqueue_indirect_dma source(%dma_start3A_107 : memref<8192x256xf32, #tpu.memory_space<hbm>>) target(%arg13 : memref<64x256xf32, #tpu.memory_space<vmem>>) offsets(%arg10 : memref<64xi32, #tpu.memory_space<vmem>>) semaphore(%arg19 : memref<!tpu.dma_semaphore, #tpu.memory_space<semaphore_mem>>)
    %add3A_108 = arith.constant 0 : i32
    %add3A_109 = vector.broadcast %add3A_108 : i32 to vector<16xi32>
    %add3A_110 = arith.addi %iota3A, %add3A_109 : vector<16xi32>
    %mul3A_111 = arith.constant 4 : i32
    %mul3A_112 = vector.broadcast %mul3A_111 : i32 to vector<16xi32>
    %mul3A_113 = arith.muli %add3A_110, %mul3A_112 : vector<16xi32>
    %add3A_114 = arith.constant 2 : i32
    %add3A_115 = vector.broadcast %add3A_114 : i32 to vector<16xi32>
    %add3A_116 = arith.addi %mul3A_113, %add3A_115 : vector<16xi32>
    %gather3A_117 = tpu.vector_load_idx %arg6[%add3A_116] : memref<256xi32, #tpu.memory_space<vmem>>[vector<16xi32>], vector<16xi32>,
    %swap3A_118 = arith.constant 0 : index
    %swap3A_119 = tpu.vector_load %arg10[%swap3A_118] {strides = array<i32>} : memref<64xi32, #tpu.memory_space<vmem>>, vector<16xi32>,
    tpu.vector_store %arg10[%swap3A_118], %gather3A_117 {strides = array<i32>} : memref<64xi32, #tpu.memory_space<vmem>>, vector<16xi32>,
    %add3A_120 = arith.constant 16 : i32
    %add3A_121 = vector.broadcast %add3A_120 : i32 to vector<16xi32>
    %add3A_122 = arith.addi %iota3A, %add3A_121 : vector<16xi32>
    %mul3A_123 = arith.constant 4 : i32
    %mul3A_124 = vector.broadcast %mul3A_123 : i32 to vector<16xi32>
    %mul3A_125 = arith.muli %add3A_122, %mul3A_124 : vector<16xi32>
    %add3A_126 = arith.constant 2 : i32
    %add3A_127 = vector.broadcast %add3A_126 : i32 to vector<16xi32>
    %add3A_128 = arith.addi %mul3A_125, %add3A_127 : vector<16xi32>
    %gather3A_129 = tpu.vector_load_idx %arg6[%add3A_128] : memref<256xi32, #tpu.memory_space<vmem>>[vector<16xi32>], vector<16xi32>,
    %swap3A_130 = arith.constant 16 : index
    %swap3A_131 = tpu.vector_load %arg10[%swap3A_130] {strides = array<i32>} : memref<64xi32, #tpu.memory_space<vmem>>, vector<16xi32>,
    tpu.vector_store %arg10[%swap3A_130], %gather3A_129 {strides = array<i32>} : memref<64xi32, #tpu.memory_space<vmem>>, vector<16xi32>,
    %add3A_132 = arith.constant 32 : i32
    %add3A_133 = vector.broadcast %add3A_132 : i32 to vector<16xi32>
    %add3A_134 = arith.addi %iota3A, %add3A_133 : vector<16xi32>
    %mul3A_135 = arith.constant 4 : i32
    %mul3A_136 = vector.broadcast %mul3A_135 : i32 to vector<16xi32>
    %mul3A_137 = arith.muli %add3A_134, %mul3A_136 : vector<16xi32>
    %add3A_138 = arith.constant 2 : i32
    %add3A_139 = vector.broadcast %add3A_138 : i32 to vector<16xi32>
    %add3A_140 = arith.addi %mul3A_137, %add3A_139 : vector<16xi32>
    %gather3A_141 = tpu.vector_load_idx %arg6[%add3A_140] : memref<256xi32, #tpu.memory_space<vmem>>[vector<16xi32>], vector<16xi32>,
    %swap3A_142 = arith.constant 32 : index
    %swap3A_143 = tpu.vector_load %arg10[%swap3A_142] {strides = array<i32>} : memref<64xi32, #tpu.memory_space<vmem>>, vector<16xi32>,
    tpu.vector_store %arg10[%swap3A_142], %gather3A_141 {strides = array<i32>} : memref<64xi32, #tpu.memory_space<vmem>>, vector<16xi32>,
    %add3A_144 = arith.constant 48 : i32
    %add3A_145 = vector.broadcast %add3A_144 : i32 to vector<16xi32>
    %add3A_146 = arith.addi %iota3A, %add3A_145 : vector<16xi32>
    %mul3A_147 = arith.constant 4 : i32
    %mul3A_148 = vector.broadcast %mul3A_147 : i32 to vector<16xi32>
    %mul3A_149 = arith.muli %add3A_146, %mul3A_148 : vector<16xi32>
    %add3A_150 = arith.constant 2 : i32
    %add3A_151 = vector.broadcast %add3A_150 : i32 to vector<16xi32>
    %add3A_152 = arith.addi %mul3A_149, %add3A_151 : vector<16xi32>
    %gather3A_153 = tpu.vector_load_idx %arg6[%add3A_152] : memref<256xi32, #tpu.memory_space<vmem>>[vector<16xi32>], vector<16xi32>,
    %swap3A_154 = arith.constant 48 : index
    %swap3A_155 = tpu.vector_load %arg10[%swap3A_154] {strides = array<i32>} : memref<64xi32, #tpu.memory_space<vmem>>, vector<16xi32>,
    tpu.vector_store %arg10[%swap3A_154], %gather3A_153 {strides = array<i32>} : memref<64xi32, #tpu.memory_space<vmem>>, vector<16xi32>,
    %dma_start3A_156 = arith.constant 0 : i32
    %dma_start3A_157 = arith.constant 0 : i32
    %dma_start3A_158 = tpu.memref_slice %arg2[%dma_start3A_156, %dma_start3A_157] : memref<8192x256xf32, #tpu.memory_space<hbm>> -> memref<8192x256xf32, #tpu.memory_space<hbm>>
    tpu.enqueue_indirect_dma source(%dma_start3A_158 : memref<8192x256xf32, #tpu.memory_space<hbm>>) target(%arg14 : memref<64x256xf32, #tpu.memory_space<vmem>>) offsets(%arg10 : memref<64xi32, #tpu.memory_space<vmem>>) semaphore(%arg19 : memref<!tpu.dma_semaphore, #tpu.memory_space<semaphore_mem>>)
    %scan3A = arith.constant 0 : i32
    %scan3A_159 = arith.constant 8 : i32
    %scan3A_160 = arith.addi %scan3A, %scan3A_159 : i32
    %scan3A_161 = arith.constant 1 : i32
    scf.for %scan3A_163 = %scan3A to %scan3A_160 step %scan3A_161  : i32 {
      %mul3A_164 = arith.constant 1 : i32
      %mul3A_165 = arith.muli %scan3A_163, %mul3A_164 : i32
      %add3A_166 = arith.constant 0 : i32
      %add3A_167 = arith.addi %add3A_166, %mul3A_165 : i32
      %mul3A_168 = arith.constant 2 : i32
      %mul3A_169 = arith.muli %mul3A_168, %add3A_167 : i32
      %add3A_170 = arith.constant 1 : i32
      %add3A_171 = arith.addi %mul3A_169, %add3A_170 : i32
      %mul3A_172 = arith.constant 1024 : i32
      %mul3A_173 = arith.muli %add3A, %mul3A_172 : i32
      %mul3A_174 = arith.constant 64 : i32
      %mul3A_175 = arith.muli %add3A_171, %mul3A_174 : i32
      %add3A_176 = arith.addi %mul3A_173, %mul3A_175 : i32
      %mul3A_177 = arith.constant 4 : i32
      %mul3A_178 = arith.muli %add3A_176, %mul3A_177 : i32
      "tpu.region"() ({
        %run_scoped3A = tpu.sem_alloc : memref<!tpu.dma_semaphore, #tpu.memory_space<semaphore_mem>>
        %dma_start3A_379 = tpu.memref_slice %arg3[%mul3A_178] : memref<131072xi32, #tpu.memory_space<hbm>> -> memref<256xi32, #tpu.memory_space<hbm>>
        %dma_start3A_380 = tpu.memref_slice %arg3[%mul3A_178] : memref<131072xi32, #tpu.memory_space<hbm>> -> memref<256xi32, #tpu.memory_space<hbm>>
        tpu.enqueue_dma source(%dma_start3A_380 : memref<256xi32, #tpu.memory_space<hbm>>) target(%arg7 : memref<256xi32, #tpu.memory_space<vmem>>) target_semaphore(%run_scoped3A : memref<!tpu.dma_semaphore, #tpu.memory_space<semaphore_mem>>)
        %dma_wait3A_381 = tpu.memref_slice %arg3[%mul3A_178] : memref<131072xi32, #tpu.memory_space<hbm>> -> memref<256xi32, #tpu.memory_space<hbm>>
        %dma_wait3A_382 = tpu.memref_slice %arg3[%mul3A_178] : memref<131072xi32, #tpu.memory_space<hbm>> -> memref<256xi32, #tpu.memory_space<hbm>>
        tpu.wait_dma2 semaphore(%run_scoped3A : memref<!tpu.dma_semaphore, #tpu.memory_space<semaphore_mem>>) src(%dma_wait3A_382 : memref<256xi32, #tpu.memory_space<hbm>>) dst(%arg7 : memref<256xi32, #tpu.memory_space<vmem>>)
        tpu.yield
      }) : () -> ()
      %mul3A_179 = arith.constant 4 : i32
      %mul3A_180 = arith.muli %add3A_176, %mul3A_179 : i32
      "tpu.region"() ({
        %run_scoped3A = tpu.sem_alloc : memref<!tpu.dma_semaphore, #tpu.memory_space<semaphore_mem>>
        %dma_start3A_379 = tpu.memref_slice %arg4[%mul3A_180] : memref<131072xf32, #tpu.memory_space<hbm>> -> memref<256xf32, #tpu.memory_space<hbm>>
        %dma_start3A_380 = tpu.memref_slice %arg4[%mul3A_180] : memref<131072xf32, #tpu.memory_space<hbm>> -> memref<256xf32, #tpu.memory_space<hbm>>
        tpu.enqueue_dma source(%dma_start3A_380 : memref<256xf32, #tpu.memory_space<hbm>>) target(%arg9 : memref<256xf32, #tpu.memory_space<vmem>>) target_semaphore(%run_scoped3A : memref<!tpu.dma_semaphore, #tpu.memory_space<semaphore_mem>>)
        %dma_wait3A_381 = tpu.memref_slice %arg4[%mul3A_180] : memref<131072xf32, #tpu.memory_space<hbm>> -> memref<256xf32, #tpu.memory_space<hbm>>
        %dma_wait3A_382 = tpu.memref_slice %arg4[%mul3A_180] : memref<131072xf32, #tpu.memory_space<hbm>> -> memref<256xf32, #tpu.memory_space<hbm>>
        tpu.wait_dma2 semaphore(%run_scoped3A : memref<!tpu.dma_semaphore, #tpu.memory_space<semaphore_mem>>) src(%dma_wait3A_382 : memref<256xf32, #tpu.memory_space<hbm>>) dst(%arg9 : memref<256xf32, #tpu.memory_space<vmem>>)
        tpu.yield
      }) : () -> ()
      %add3A_181 = arith.constant 0 : i32
      %add3A_182 = vector.broadcast %add3A_181 : i32 to vector<16xi32>
      %add3A_183 = arith.addi %iota3A, %add3A_182 : vector<16xi32>
      %mul3A_184 = arith.constant 4 : i32
      %mul3A_185 = vector.broadcast %mul3A_184 : i32 to vector<16xi32>
      %mul3A_186 = arith.muli %add3A_183, %mul3A_185 : vector<16xi32>
      %add3A_187 = arith.constant 0 : i32
      %add3A_188 = vector.broadcast %add3A_187 : i32 to vector<16xi32>
      %add3A_189 = arith.addi %mul3A_186, %add3A_188 : vector<16xi32>
      %gather3A_190 = tpu.vector_load_idx %arg7[%add3A_189] : memref<256xi32, #tpu.memory_space<vmem>>[vector<16xi32>], vector<16xi32>,
      %swap3A_191 = arith.constant 0 : index
      %swap3A_192 = tpu.vector_load %arg11[%swap3A_191] {strides = array<i32>} : memref<64xi32, #tpu.memory_space<vmem>>, vector<16xi32>,
      tpu.vector_store %arg11[%swap3A_191], %gather3A_190 {strides = array<i32>} : memref<64xi32, #tpu.memory_space<vmem>>, vector<16xi32>,
      %add3A_193 = arith.constant 16 : i32
      %add3A_194 = vector.broadcast %add3A_193 : i32 to vector<16xi32>
      %add3A_195 = arith.addi %iota3A, %add3A_194 : vector<16xi32>
      %mul3A_196 = arith.constant 4 : i32
      %mul3A_197 = vector.broadcast %mul3A_196 : i32 to vector<16xi32>
      %mul3A_198 = arith.muli %add3A_195, %mul3A_197 : vector<16xi32>
      %add3A_199 = arith.constant 0 : i32
      %add3A_200 = vector.broadcast %add3A_199 : i32 to vector<16xi32>
      %add3A_201 = arith.addi %mul3A_198, %add3A_200 : vector<16xi32>
      %gather3A_202 = tpu.vector_load_idx %arg7[%add3A_201] : memref<256xi32, #tpu.memory_space<vmem>>[vector<16xi32>], vector<16xi32>,
      %swap3A_203 = arith.constant 16 : index
      %swap3A_204 = tpu.vector_load %arg11[%swap3A_203] {strides = array<i32>} : memref<64xi32, #tpu.memory_space<vmem>>, vector<16xi32>,
      tpu.vector_store %arg11[%swap3A_203], %gather3A_202 {strides = array<i32>} : memref<64xi32, #tpu.memory_space<vmem>>, vector<16xi32>,
      %add3A_205 = arith.constant 32 : i32
      %add3A_206 = vector.broadcast %add3A_205 : i32 to vector<16xi32>
      %add3A_207 = arith.addi %iota3A, %add3A_206 : vector<16xi32>
      %mul3A_208 = arith.constant 4 : i32
      %mul3A_209 = vector.broadcast %mul3A_208 : i32 to vector<16xi32>
      %mul3A_210 = arith.muli %add3A_207, %mul3A_209 : vector<16xi32>
      %add3A_211 = arith.constant 0 : i32
      %add3A_212 = vector.broadcast %add3A_211 : i32 to vector<16xi32>
      %add3A_213 = arith.addi %mul3A_210, %add3A_212 : vector<16xi32>
      %gather3A_214 = tpu.vector_load_idx %arg7[%add3A_213] : memref<256xi32, #tpu.memory_space<vmem>>[vector<16xi32>], vector<16xi32>,
      %swap3A_215 = arith.constant 32 : index
      %swap3A_216 = tpu.vector_load %arg11[%swap3A_215] {strides = array<i32>} : memref<64xi32, #tpu.memory_space<vmem>>, vector<16xi32>,
      tpu.vector_store %arg11[%swap3A_215], %gather3A_214 {strides = array<i32>} : memref<64xi32, #tpu.memory_space<vmem>>, vector<16xi32>,
      %add3A_217 = arith.constant 48 : i32
      %add3A_218 = vector.broadcast %add3A_217 : i32 to vector<16xi32>
      %add3A_219 = arith.addi %iota3A, %add3A_218 : vector<16xi32>
      %mul3A_220 = arith.constant 4 : i32
      %mul3A_221 = vector.broadcast %mul3A_220 : i32 to vector<16xi32>
      %mul3A_222 = arith.muli %add3A_219, %mul3A_221 : vector<16xi32>
      %add3A_223 = arith.constant 0 : i32
      %add3A_224 = vector.broadcast %add3A_223 : i32 to vector<16xi32>
      %add3A_225 = arith.addi %mul3A_222, %add3A_224 : vector<16xi32>
      %gather3A_226 = tpu.vector_load_idx %arg7[%add3A_225] : memref<256xi32, #tpu.memory_space<vmem>>[vector<16xi32>], vector<16xi32>,
      %swap3A_227 = arith.constant 48 : index
      %swap3A_228 = tpu.vector_load %arg11[%swap3A_227] {strides = array<i32>} : memref<64xi32, #tpu.memory_space<vmem>>, vector<16xi32>,
      tpu.vector_store %arg11[%swap3A_227], %gather3A_226 {strides = array<i32>} : memref<64xi32, #tpu.memory_space<vmem>>, vector<16xi32>,
      %dma_start3A_229 = arith.constant 0 : i32
      %dma_start3A_230 = arith.constant 0 : i32
      %dma_start3A_231 = tpu.memref_slice %arg2[%dma_start3A_229, %dma_start3A_230] : memref<8192x256xf32, #tpu.memory_space<hbm>> -> memref<8192x256xf32, #tpu.memory_space<hbm>>
      tpu.enqueue_indirect_dma source(%dma_start3A_231 : memref<8192x256xf32, #tpu.memory_space<hbm>>) target(%arg15 : memref<64x256xf32, #tpu.memory_space<vmem>>) offsets(%arg11 : memref<64xi32, #tpu.memory_space<vmem>>) semaphore(%arg20 : memref<!tpu.dma_semaphore, #tpu.memory_space<semaphore_mem>>)
      %add3A_232 = arith.constant 0 : i32
      %add3A_233 = vector.broadcast %add3A_232 : i32 to vector<16xi32>
      %add3A_234 = arith.addi %iota3A, %add3A_233 : vector<16xi32>
      %mul3A_235 = arith.constant 4 : i32
      %mul3A_236 = vector.broadcast %mul3A_235 : i32 to vector<16xi32>
      %mul3A_237 = arith.muli %add3A_234, %mul3A_236 : vector<16xi32>
      %add3A_238 = arith.constant 1 : i32
      %add3A_239 = vector.broadcast %add3A_238 : i32 to vector<16xi32>
      %add3A_240 = arith.addi %mul3A_237, %add3A_239 : vector<16xi32>
      %gather3A_241 = tpu.vector_load_idx %arg7[%add3A_240] : memref<256xi32, #tpu.memory_space<vmem>>[vector<16xi32>], vector<16xi32>,
      %swap3A_242 = arith.constant 0 : index
      %swap3A_243 = tpu.vector_load %arg11[%swap3A_242] {strides = array<i32>} : memref<64xi32, #tpu.memory_space<vmem>>, vector<16xi32>,
      tpu.vector_store %arg11[%swap3A_242], %gather3A_241 {strides = array<i32>} : memref<64xi32, #tpu.memory_space<vmem>>, vector<16xi32>,
      %add3A_244 = arith.constant 16 : i32
      %add3A_245 = vector.broadcast %add3A_244 : i32 to vector<16xi32>
      %add3A_246 = arith.addi %iota3A, %add3A_245 : vector<16xi32>
      %mul3A_247 = arith.constant 4 : i32
      %mul3A_248 = vector.broadcast %mul3A_247 : i32 to vector<16xi32>
      %mul3A_249 = arith.muli %add3A_246, %mul3A_248 : vector<16xi32>
      %add3A_250 = arith.constant 1 : i32
      %add3A_251 = vector.broadcast %add3A_250 : i32 to vector<16xi32>
      %add3A_252 = arith.addi %mul3A_249, %add3A_251 : vector<16xi32>
      %gather3A_253 = tpu.vector_load_idx %arg7[%add3A_252] : memref<256xi32, #tpu.memory_space<vmem>>[vector<16xi32>], vector<16xi32>,
      %swap3A_254 = arith.constant 16 : index
      %swap3A_255 = tpu.vector_load %arg11[%swap3A_254] {strides = array<i32>} : memref<64xi32, #tpu.memory_space<vmem>>, vector<16xi32>,
      tpu.vector_store %arg11[%swap3A_254], %gather3A_253 {strides = array<i32>} : memref<64xi32, #tpu.memory_space<vmem>>, vector<16xi32>,
      %add3A_256 = arith.constant 32 : i32
      %add3A_257 = vector.broadcast %add3A_256 : i32 to vector<16xi32>
      %add3A_258 = arith.addi %iota3A, %add3A_257 : vector<16xi32>
      %mul3A_259 = arith.constant 4 : i32
      %mul3A_260 = vector.broadcast %mul3A_259 : i32 to vector<16xi32>
      %mul3A_261 = arith.muli %add3A_258, %mul3A_260 : vector<16xi32>
      %add3A_262 = arith.constant 1 : i32
      %add3A_263 = vector.broadcast %add3A_262 : i32 to vector<16xi32>
      %add3A_264 = arith.addi %mul3A_261, %add3A_263 : vector<16xi32>
      %gather3A_265 = tpu.vector_load_idx %arg7[%add3A_264] : memref<256xi32, #tpu.memory_space<vmem>>[vector<16xi32>], vector<16xi32>,
      %swap3A_266 = arith.constant 32 : index
      %swap3A_267 = tpu.vector_load %arg11[%swap3A_266] {strides = array<i32>} : memref<64xi32, #tpu.memory_space<vmem>>, vector<16xi32>,
      tpu.vector_store %arg11[%swap3A_266], %gather3A_265 {strides = array<i32>} : memref<64xi32, #tpu.memory_space<vmem>>, vector<16xi32>,
      %add3A_268 = arith.constant 48 : i32
      %add3A_269 = vector.broadcast %add3A_268 : i32 to vector<16xi32>
      %add3A_270 = arith.addi %iota3A, %add3A_269 : vector<16xi32>
      %mul3A_271 = arith.constant 4 : i32
      %mul3A_272 = vector.broadcast %mul3A_271 : i32 to vector<16xi32>
      %mul3A_273 = arith.muli %add3A_270, %mul3A_272 : vector<16xi32>
      %add3A_274 = arith.constant 1 : i32
      %add3A_275 = vector.broadcast %add3A_274 : i32 to vector<16xi32>
      %add3A_276 = arith.addi %mul3A_273, %add3A_275 : vector<16xi32>
      %gather3A_277 = tpu.vector_load_idx %arg7[%add3A_276] : memref<256xi32, #tpu.memory_space<vmem>>[vector<16xi32>], vector<16xi32>,
      %swap3A_278 = arith.constant 48 : index
      %swap3A_279 = tpu.vector_load %arg11[%swap3A_278] {strides = array<i32>} : memref<64xi32, #tpu.memory_space<vmem>>, vector<16xi32>,
      tpu.vector_store %arg11[%swap3A_278], %gather3A_277 {strides = array<i32>} : memref<64xi32, #tpu.memory_space<vmem>>, vector<16xi32>,
      %dma_start3A_280 = arith.constant 0 : i32
      %dma_start3A_281 = arith.constant 0 : i32
      %dma_start3A_282 = tpu.memref_slice %arg2[%dma_start3A_280, %dma_start3A_281] : memref<8192x256xf32, #tpu.memory_space<hbm>> -> memref<8192x256xf32, #tpu.memory_space<hbm>>
      tpu.enqueue_indirect_dma source(%dma_start3A_282 : memref<8192x256xf32, #tpu.memory_space<hbm>>) target(%arg16 : memref<64x256xf32, #tpu.memory_space<vmem>>) offsets(%arg11 : memref<64xi32, #tpu.memory_space<vmem>>) semaphore(%arg20 : memref<!tpu.dma_semaphore, #tpu.memory_space<semaphore_mem>>)
      %add3A_283 = arith.constant 0 : i32
      %add3A_284 = vector.broadcast %add3A_283 : i32 to vector<16xi32>
      %add3A_285 = arith.addi %iota3A, %add3A_284 : vector<16xi32>
      %mul3A_286 = arith.constant 4 : i32
      %mul3A_287 = vector.broadcast %mul3A_286 : i32 to vector<16xi32>
      %mul3A_288 = arith.muli %add3A_285, %mul3A_287 : vector<16xi32>
      %add3A_289 = arith.constant 2 : i32
      %add3A_290 = vector.broadcast %add3A_289 : i32 to vector<16xi32>
      %add3A_291 = arith.addi %mul3A_288, %add3A_290 : vector<16xi32>
      %gather3A_292 = tpu.vector_load_idx %arg7[%add3A_291] : memref<256xi32, #tpu.memory_space<vmem>>[vector<16xi32>], vector<16xi32>,
      %swap3A_293 = arith.constant 0 : index
      %swap3A_294 = tpu.vector_load %arg11[%swap3A_293] {strides = array<i32>} : memref<64xi32, #tpu.memory_space<vmem>>, vector<16xi32>,
      tpu.vector_store %arg11[%swap3A_293], %gather3A_292 {strides = array<i32>} : memref<64xi32, #tpu.memory_space<vmem>>, vector<16xi32>,
      %add3A_295 = arith.constant 16 : i32
      %add3A_296 = vector.broadcast %add3A_295 : i32 to vector<16xi32>
      %add3A_297 = arith.addi %iota3A, %add3A_296 : vector<16xi32>
      %mul3A_298 = arith.constant 4 : i32
      %mul3A_299 = vector.broadcast %mul3A_298 : i32 to vector<16xi32>
      %mul3A_300 = arith.muli %add3A_297, %mul3A_299 : vector<16xi32>
      %add3A_301 = arith.constant 2 : i32
      %add3A_302 = vector.broadcast %add3A_301 : i32 to vector<16xi32>
      %add3A_303 = arith.addi %mul3A_300, %add3A_302 : vector<16xi32>
      %gather3A_304 = tpu.vector_load_idx %arg7[%add3A_303] : memref<256xi32, #tpu.memory_space<vmem>>[vector<16xi32>], vector<16xi32>,
      %swap3A_305 = arith.constant 16 : index
      %swap3A_306 = tpu.vector_load %arg11[%swap3A_305] {strides = array<i32>} : memref<64xi32, #tpu.memory_space<vmem>>, vector<16xi32>,
      tpu.vector_store %arg11[%swap3A_305], %gather3A_304 {strides = array<i32>} : memref<64xi32, #tpu.memory_space<vmem>>, vector<16xi32>,
      %add3A_307 = arith.constant 32 : i32
      %add3A_308 = vector.broadcast %add3A_307 : i32 to vector<16xi32>
      %add3A_309 = arith.addi %iota3A, %add3A_308 : vector<16xi32>
      %mul3A_310 = arith.constant 4 : i32
      %mul3A_311 = vector.broadcast %mul3A_310 : i32 to vector<16xi32>
      %mul3A_312 = arith.muli %add3A_309, %mul3A_311 : vector<16xi32>
      %add3A_313 = arith.constant 2 : i32
      %add3A_314 = vector.broadcast %add3A_313 : i32 to vector<16xi32>
      %add3A_315 = arith.addi %mul3A_312, %add3A_314 : vector<16xi32>
      %gather3A_316 = tpu.vector_load_idx %arg7[%add3A_315] : memref<256xi32, #tpu.memory_space<vmem>>[vector<16xi32>], vector<16xi32>,
      %swap3A_317 = arith.constant 32 : index
      %swap3A_318 = tpu.vector_load %arg11[%swap3A_317] {strides = array<i32>} : memref<64xi32, #tpu.memory_space<vmem>>, vector<16xi32>,
      tpu.vector_store %arg11[%swap3A_317], %gather3A_316 {strides = array<i32>} : memref<64xi32, #tpu.memory_space<vmem>>, vector<16xi32>,
      %add3A_319 = arith.constant 48 : i32
      %add3A_320 = vector.broadcast %add3A_319 : i32 to vector<16xi32>
      %add3A_321 = arith.addi %iota3A, %add3A_320 : vector<16xi32>
      %mul3A_322 = arith.constant 4 : i32
      %mul3A_323 = vector.broadcast %mul3A_322 : i32 to vector<16xi32>
      %mul3A_324 = arith.muli %add3A_321, %mul3A_323 : vector<16xi32>
      %add3A_325 = arith.constant 2 : i32
      %add3A_326 = vector.broadcast %add3A_325 : i32 to vector<16xi32>
      %add3A_327 = arith.addi %mul3A_324, %add3A_326 : vector<16xi32>
      %gather3A_328 = tpu.vector_load_idx %arg7[%add3A_327] : memref<256xi32, #tpu.memory_space<vmem>>[vector<16xi32>], vector<16xi32>,
      %swap3A_329 = arith.constant 48 : index
      %swap3A_330 = tpu.vector_load %arg11[%swap3A_329] {strides = array<i32>} : memref<64xi32, #tpu.memory_space<vmem>>, vector<16xi32>,
      tpu.vector_store %arg11[%swap3A_329], %gather3A_328 {strides = array<i32>} : memref<64xi32, #tpu.memory_space<vmem>>, vector<16xi32>,
      %dma_start3A_331 = arith.constant 0 : i32
      %dma_start3A_332 = arith.constant 0 : i32
      %dma_start3A_333 = tpu.memref_slice %arg2[%dma_start3A_331, %dma_start3A_332] : memref<8192x256xf32, #tpu.memory_space<hbm>> -> memref<8192x256xf32, #tpu.memory_space<hbm>>
      tpu.enqueue_indirect_dma source(%dma_start3A_333 : memref<8192x256xf32, #tpu.memory_space<hbm>>) target(%arg17 : memref<64x256xf32, #tpu.memory_space<vmem>>) offsets(%arg11 : memref<64xi32, #tpu.memory_space<vmem>>) semaphore(%arg20 : memref<!tpu.dma_semaphore, #tpu.memory_space<semaphore_mem>>)
      %mul3A_334 = arith.constant 2 : i32
      %mul3A_335 = arith.muli %mul3A_334, %add3A_167 : i32
      %dma_wait3A = arith.constant 0 : i32
      %dma_wait3A_336 = arith.constant 0 : i32
      %dma_wait3A_337 = tpu.memref_slice %arg2[%dma_wait3A, %dma_wait3A_336] : memref<8192x256xf32, #tpu.memory_space<hbm>> -> memref<8192x256xf32, #tpu.memory_space<hbm>>
      tpu.wait_indirect_dma semaphore(%arg19 : memref<!tpu.dma_semaphore, #tpu.memory_space<semaphore_mem>>) src(%dma_wait3A_337 : memref<8192x256xf32, #tpu.memory_space<hbm>>) dst(%arg12 : memref<64x256xf32, #tpu.memory_space<vmem>>)
      %dma_wait3A_338 = arith.constant 0 : i32
      %dma_wait3A_339 = arith.constant 0 : i32
      %dma_wait3A_340 = tpu.memref_slice %arg2[%dma_wait3A_338, %dma_wait3A_339] : memref<8192x256xf32, #tpu.memory_space<hbm>> -> memref<8192x256xf32, #tpu.memory_space<hbm>>
      tpu.wait_indirect_dma semaphore(%arg19 : memref<!tpu.dma_semaphore, #tpu.memory_space<semaphore_mem>>) src(%dma_wait3A_340 : memref<8192x256xf32, #tpu.memory_space<hbm>>) dst(%arg13 : memref<64x256xf32, #tpu.memory_space<vmem>>)
      %dma_wait3A_341 = arith.constant 0 : i32
      %dma_wait3A_342 = arith.constant 0 : i32
      %dma_wait3A_343 = tpu.memref_slice %arg2[%dma_wait3A_341, %dma_wait3A_342] : memref<8192x256xf32, #tpu.memory_space<hbm>> -> memref<8192x256xf32, #tpu.memory_space<hbm>>
      tpu.wait_indirect_dma semaphore(%arg19 : memref<!tpu.dma_semaphore, #tpu.memory_space<semaphore_mem>>) src(%dma_wait3A_343 : memref<8192x256xf32, #tpu.memory_space<hbm>>) dst(%arg14 : memref<64x256xf32, #tpu.memory_space<vmem>>)
      %scan3A_344 = arith.constant 0 : i32
      %scan3A_345 = arith.constant 64 : i32
      %scan3A_346 = arith.addi %scan3A_344, %scan3A_345 : i32
      %scan3A_347 = arith.constant 1 : i32
      scf.for %scan3A_379 = %scan3A_344 to %scan3A_346 step %scan3A_347  : i32 {
        %mul3A_380 = arith.constant 1 : i32
        %mul3A_381 = arith.muli %scan3A_379, %mul3A_380 : i32
        %add3A_382 = arith.constant 0 : i32
        %add3A_383 = arith.addi %add3A_382, %mul3A_381 : i32
        %mul3A_384 = arith.constant 4 : i32
        %mul3A_385 = arith.muli %mul3A_384, %add3A_383 : i32
        %broadcast_in_dim3A = vector.broadcast %mul3A_385 : i32 to vector<16xi32>
        %gather3A_386 = tpu.vector_load_idx %arg8[%broadcast_in_dim3A] : memref<256xf32, #tpu.memory_space<vmem>>[vector<16xi32>], vector<16xf32>,
        %mul3A_387 = arith.constant 4 : i32
        %mul3A_388 = arith.muli %mul3A_387, %add3A_383 : i32
        %add3A_389 = arith.constant 1 : i32
        %add3A_390 = arith.addi %mul3A_388, %add3A_389 : i32
        %broadcast_in_dim3A_391 = vector.broadcast %add3A_390 : i32 to vector<16xi32>
        %gather3A_392 = tpu.vector_load_idx %arg8[%broadcast_in_dim3A_391] : memref<256xf32, #tpu.memory_space<vmem>>[vector<16xi32>], vector<16xf32>,
        %mul3A_393 = arith.constant 4 : i32
        %mul3A_394 = arith.muli %mul3A_393, %add3A_383 : i32
        %add3A_395 = arith.constant 2 : i32
        %add3A_396 = arith.addi %mul3A_394, %add3A_395 : i32
        %broadcast_in_dim3A_397 = vector.broadcast %add3A_396 : i32 to vector<16xi32>
        %gather3A_398 = tpu.vector_load_idx %arg8[%broadcast_in_dim3A_397] : memref<256xf32, #tpu.memory_space<vmem>>[vector<16xi32>], vector<16xf32>,
        %get3A = arith.index_cast %add3A_383 : i32 to index
        %get3A_399 = arith.constant 0 : index
        %get3A_400 = tpu.vector_load %arg12[%get3A, %get3A_399] {strides = array<i32>} : memref<64x256xf32, #tpu.memory_space<vmem>>, vector<16xf32>,
        %mul3A_401 = arith.mulf %gather3A_386, %get3A_400 : vector<16xf32>
        %get3A_402 = arith.index_cast %add3A_383 : i32 to index
        %get3A_403 = arith.constant 0 : index
        %get3A_404 = tpu.vector_load %arg13[%get3A_402, %get3A_403] {strides = array<i32>} : memref<64x256xf32, #tpu.memory_space<vmem>>, vector<16xf32>,
        %mul3A_405 = arith.mulf %gather3A_392, %get3A_404 : vector<16xf32>
        %add3A_406 = arith.addf %mul3A_401, %mul3A_405 : vector<16xf32>
        %get3A_407 = arith.index_cast %add3A_383 : i32 to index
        %get3A_408 = arith.constant 0 : index
        %get3A_409 = tpu.vector_load %arg14[%get3A_407, %get3A_408] {strides = array<i32>} : memref<64x256xf32, #tpu.memory_space<vmem>>, vector<16xf32>,
        %mul3A_410 = arith.mulf %gather3A_398, %get3A_409 : vector<16xf32>
        %add3A_411 = arith.addf %add3A_406, %mul3A_410 : vector<16xf32>
        %swap3A_412 = arith.index_cast %add3A_383 : i32 to index
        %swap3A_413 = arith.constant 0 : index
        %swap3A_414 = tpu.vector_load %arg18[%swap3A_412, %swap3A_413] {strides = array<i32>} : memref<64x256xf32, #tpu.memory_space<vmem>>, vector<16xf32>,
        tpu.vector_store %arg18[%swap3A_412, %swap3A_413], %add3A_411 {strides = array<i32>} : memref<64x256xf32, #tpu.memory_space<vmem>>, vector<16xf32>,
        %get3A_415 = arith.index_cast %add3A_383 : i32 to index
        %get3A_416 = arith.constant 16 : index
        %get3A_417 = tpu.vector_load %arg12[%get3A_415, %get3A_416] {strides = array<i32>} : memref<64x256xf32, #tpu.memory_space<vmem>>, vector<16xf32>,
        %mul3A_418 = arith.mulf %gather3A_386, %get3A_417 : vector<16xf32>
        %get3A_419 = arith.index_cast %add3A_383 : i32 to index
        %get3A_420 = arith.constant 16 : index
        %get3A_421 = tpu.vector_load %arg13[%get3A_419, %get3A_420] {strides = array<i32>} : memref<64x256xf32, #tpu.memory_space<vmem>>, vector<16xf32>,
        %mul3A_422 = arith.mulf %gather3A_392, %get3A_421 : vector<16xf32>
        %add3A_423 = arith.addf %mul3A_418, %mul3A_422 : vector<16xf32>
        %get3A_424 = arith.index_cast %add3A_383 : i32 to index
        %get3A_425 = arith.constant 16 : index
        %get3A_426 = tpu.vector_load %arg14[%get3A_424, %get3A_425] {strides = array<i32>} : memref<64x256xf32, #tpu.memory_space<vmem>>, vector<16xf32>,
        %mul3A_427 = arith.mulf %gather3A_398, %get3A_426 : vector<16xf32>
        %add3A_428 = arith.addf %add3A_423, %mul3A_427 : vector<16xf32>
        %swap3A_429 = arith.index_cast %add3A_383 : i32 to index
        %swap3A_430 = arith.constant 16 : index
        %swap3A_431 = tpu.vector_load %arg18[%swap3A_429, %swap3A_430] {strides = array<i32>} : memref<64x256xf32, #tpu.memory_space<vmem>>, vector<16xf32>,
        tpu.vector_store %arg18[%swap3A_429, %swap3A_430], %add3A_428 {strides = array<i32>} : memref<64x256xf32, #tpu.memory_space<vmem>>, vector<16xf32>,
        %get3A_432 = arith.index_cast %add3A_383 : i32 to index
        %get3A_433 = arith.constant 32 : index
        %get3A_434 = tpu.vector_load %arg12[%get3A_432, %get3A_433] {strides = array<i32>} : memref<64x256xf32, #tpu.memory_space<vmem>>, vector<16xf32>,
        %mul3A_435 = arith.mulf %gather3A_386, %get3A_434 : vector<16xf32>
        %get3A_436 = arith.index_cast %add3A_383 : i32 to index
        %get3A_437 = arith.constant 32 : index
        %get3A_438 = tpu.vector_load %arg13[%get3A_436, %get3A_437] {strides = array<i32>} : memref<64x256xf32, #tpu.memory_space<vmem>>, vector<16xf32>,
        %mul3A_439 = arith.mulf %gather3A_392, %get3A_438 : vector<16xf32>
        %add3A_440 = arith.addf %mul3A_435, %mul3A_439 : vector<16xf32>
        %get3A_441 = arith.index_cast %add3A_383 : i32 to index
        %get3A_442 = arith.constant 32 : index
        %get3A_443 = tpu.vector_load %arg14[%get3A_441, %get3A_442] {strides = array<i32>} : memref<64x256xf32, #tpu.memory_space<vmem>>, vector<16xf32>,
        %mul3A_444 = arith.mulf %gather3A_398, %get3A_443 : vector<16xf32>
        %add3A_445 = arith.addf %add3A_440, %mul3A_444 : vector<16xf32>
        %swap3A_446 = arith.index_cast %add3A_383 : i32 to index
        %swap3A_447 = arith.constant 32 : index
        %swap3A_448 = tpu.vector_load %arg18[%swap3A_446, %swap3A_447] {strides = array<i32>} : memref<64x256xf32, #tpu.memory_space<vmem>>, vector<16xf32>,
        tpu.vector_store %arg18[%swap3A_446, %swap3A_447], %add3A_445 {strides = array<i32>} : memref<64x256xf32, #tpu.memory_space<vmem>>, vector<16xf32>,
        %get3A_449 = arith.index_cast %add3A_383 : i32 to index
        %get3A_450 = arith.constant 48 : index
        %get3A_451 = tpu.vector_load %arg12[%get3A_449, %get3A_450] {strides = array<i32>} : memref<64x256xf32, #tpu.memory_space<vmem>>, vector<16xf32>,
        %mul3A_452 = arith.mulf %gather3A_386, %get3A_451 : vector<16xf32>
        %get3A_453 = arith.index_cast %add3A_383 : i32 to index
        %get3A_454 = arith.constant 48 : index
        %get3A_455 = tpu.vector_load %arg13[%get3A_453, %get3A_454] {strides = array<i32>} : memref<64x256xf32, #tpu.memory_space<vmem>>, vector<16xf32>,
        %mul3A_456 = arith.mulf %gather3A_392, %get3A_455 : vector<16xf32>
        %add3A_457 = arith.addf %mul3A_452, %mul3A_456 : vector<16xf32>
        %get3A_458 = arith.index_cast %add3A_383 : i32 to index
        %get3A_459 = arith.constant 48 : index
        %get3A_460 = tpu.vector_load %arg14[%get3A_458, %get3A_459] {strides = array<i32>} : memref<64x256xf32, #tpu.memory_space<vmem>>, vector<16xf32>,
        %mul3A_461 = arith.mulf %gather3A_398, %get3A_460 : vector<16xf32>
        %add3A_462 = arith.addf %add3A_457, %mul3A_461 : vector<16xf32>
        %swap3A_463 = arith.index_cast %add3A_383 : i32 to index
        %swap3A_464 = arith.constant 48 : index
        %swap3A_465 = tpu.vector_load %arg18[%swap3A_463, %swap3A_464] {strides = array<i32>} : memref<64x256xf32, #tpu.memory_space<vmem>>, vector<16xf32>,
        tpu.vector_store %arg18[%swap3A_463, %swap3A_464], %add3A_462 {strides = array<i32>} : memref<64x256xf32, #tpu.memory_space<vmem>>, vector<16xf32>,
        %get3A_466 = arith.index_cast %add3A_383 : i32 to index
        %get3A_467 = arith.constant 64 : index
        %get3A_468 = tpu.vector_load %arg12[%get3A_466, %get3A_467] {strides = array<i32>} : memref<64x256xf32, #tpu.memory_space<vmem>>, vector<16xf32>,
        %mul3A_469 = arith.mulf %gather3A_386, %get3A_468 : vector<16xf32>
        %get3A_470 = arith.index_cast %add3A_383 : i32 to index
        %get3A_471 = arith.constant 64 : index
        %get3A_472 = tpu.vector_load %arg13[%get3A_470, %get3A_471] {strides = array<i32>} : memref<64x256xf32, #tpu.memory_space<vmem>>, vector<16xf32>,
        %mul3A_473 = arith.mulf %gather3A_392, %get3A_472 : vector<16xf32>
        %add3A_474 = arith.addf %mul3A_469, %mul3A_473 : vector<16xf32>
        %get3A_475 = arith.index_cast %add3A_383 : i32 to index
        %get3A_476 = arith.constant 64 : index
        %get3A_477 = tpu.vector_load %arg14[%get3A_475, %get3A_476] {strides = array<i32>} : memref<64x256xf32, #tpu.memory_space<vmem>>, vector<16xf32>,
        %mul3A_478 = arith.mulf %gather3A_398, %get3A_477 : vector<16xf32>
        %add3A_479 = arith.addf %add3A_474, %mul3A_478 : vector<16xf32>
        %swap3A_480 = arith.index_cast %add3A_383 : i32 to index
        %swap3A_481 = arith.constant 64 : index
        %swap3A_482 = tpu.vector_load %arg18[%swap3A_480, %swap3A_481] {strides = array<i32>} : memref<64x256xf32, #tpu.memory_space<vmem>>, vector<16xf32>,
        tpu.vector_store %arg18[%swap3A_480, %swap3A_481], %add3A_479 {strides = array<i32>} : memref<64x256xf32, #tpu.memory_space<vmem>>, vector<16xf32>,
        %get3A_483 = arith.index_cast %add3A_383 : i32 to index
        %get3A_484 = arith.constant 80 : index
        %get3A_485 = tpu.vector_load %arg12[%get3A_483, %get3A_484] {strides = array<i32>} : memref<64x256xf32, #tpu.memory_space<vmem>>, vector<16xf32>,
        %mul3A_486 = arith.mulf %gather3A_386, %get3A_485 : vector<16xf32>
        %get3A_487 = arith.index_cast %add3A_383 : i32 to index
        %get3A_488 = arith.constant 80 : index
        %get3A_489 = tpu.vector_load %arg13[%get3A_487, %get3A_488] {strides = array<i32>} : memref<64x256xf32, #tpu.memory_space<vmem>>, vector<16xf32>,
        %mul3A_490 = arith.mulf %gather3A_392, %get3A_489 : vector<16xf32>
        %add3A_491 = arith.addf %mul3A_486, %mul3A_490 : vector<16xf32>
        %get3A_492 = arith.index_cast %add3A_383 : i32 to index
        %get3A_493 = arith.constant 80 : index
        %get3A_494 = tpu.vector_load %arg14[%get3A_492, %get3A_493] {strides = array<i32>} : memref<64x256xf32, #tpu.memory_space<vmem>>, vector<16xf32>,
        %mul3A_495 = arith.mulf %gather3A_398, %get3A_494 : vector<16xf32>
        %add3A_496 = arith.addf %add3A_491, %mul3A_495 : vector<16xf32>
        %swap3A_497 = arith.index_cast %add3A_383 : i32 to index
        %swap3A_498 = arith.constant 80 : index
        %swap3A_499 = tpu.vector_load %arg18[%swap3A_497, %swap3A_498] {strides = array<i32>} : memref<64x256xf32, #tpu.memory_space<vmem>>, vector<16xf32>,
        tpu.vector_store %arg18[%swap3A_497, %swap3A_498], %add3A_496 {strides = array<i32>} : memref<64x256xf32, #tpu.memory_space<vmem>>, vector<16xf32>,
        %get3A_500 = arith.index_cast %add3A_383 : i32 to index
        %get3A_501 = arith.constant 96 : index
        %get3A_502 = tpu.vector_load %arg12[%get3A_500, %get3A_501] {strides = array<i32>} : memref<64x256xf32, #tpu.memory_space<vmem>>, vector<16xf32>,
        %mul3A_503 = arith.mulf %gather3A_386, %get3A_502 : vector<16xf32>
        %get3A_504 = arith.index_cast %add3A_383 : i32 to index
        %get3A_505 = arith.constant 96 : index
        %get3A_506 = tpu.vector_load %arg13[%get3A_504, %get3A_505] {strides = array<i32>} : memref<64x256xf32, #tpu.memory_space<vmem>>, vector<16xf32>,
        %mul3A_507 = arith.mulf %gather3A_392, %get3A_506 : vector<16xf32>
        %add3A_508 = arith.addf %mul3A_503, %mul3A_507 : vector<16xf32>
        %get3A_509 = arith.index_cast %add3A_383 : i32 to index
        %get3A_510 = arith.constant 96 : index
        %get3A_511 = tpu.vector_load %arg14[%get3A_509, %get3A_510] {strides = array<i32>} : memref<64x256xf32, #tpu.memory_space<vmem>>, vector<16xf32>,
        %mul3A_512 = arith.mulf %gather3A_398, %get3A_511 : vector<16xf32>
        %add3A_513 = arith.addf %add3A_508, %mul3A_512 : vector<16xf32>
        %swap3A_514 = arith.index_cast %add3A_383 : i32 to index
        %swap3A_515 = arith.constant 96 : index
        %swap3A_516 = tpu.vector_load %arg18[%swap3A_514, %swap3A_515] {strides = array<i32>} : memref<64x256xf32, #tpu.memory_space<vmem>>, vector<16xf32>,
        tpu.vector_store %arg18[%swap3A_514, %swap3A_515], %add3A_513 {strides = array<i32>} : memref<64x256xf32, #tpu.memory_space<vmem>>, vector<16xf32>,
        %get3A_517 = arith.index_cast %add3A_383 : i32 to index
        %get3A_518 = arith.constant 112 : index
        %get3A_519 = tpu.vector_load %arg12[%get3A_517, %get3A_518] {strides = array<i32>} : memref<64x256xf32, #tpu.memory_space<vmem>>, vector<16xf32>,
        %mul3A_520 = arith.mulf %gather3A_386, %get3A_519 : vector<16xf32>
        %get3A_521 = arith.index_cast %add3A_383 : i32 to index
        %get3A_522 = arith.constant 112 : index
        %get3A_523 = tpu.vector_load %arg13[%get3A_521, %get3A_522] {strides = array<i32>} : memref<64x256xf32, #tpu.memory_space<vmem>>, vector<16xf32>,
        %mul3A_524 = arith.mulf %gather3A_392, %get3A_523 : vector<16xf32>
        %add3A_525 = arith.addf %mul3A_520, %mul3A_524 : vector<16xf32>
        %get3A_526 = arith.index_cast %add3A_383 : i32 to index
        %get3A_527 = arith.constant 112 : index
        %get3A_528 = tpu.vector_load %arg14[%get3A_526, %get3A_527] {strides = array<i32>} : memref<64x256xf32, #tpu.memory_space<vmem>>, vector<16xf32>,
        %mul3A_529 = arith.mulf %gather3A_398, %get3A_528 : vector<16xf32>
        %add3A_530 = arith.addf %add3A_525, %mul3A_529 : vector<16xf32>
        %swap3A_531 = arith.index_cast %add3A_383 : i32 to index
        %swap3A_532 = arith.constant 112 : index
        %swap3A_533 = tpu.vector_load %arg18[%swap3A_531, %swap3A_532] {strides = array<i32>} : memref<64x256xf32, #tpu.memory_space<vmem>>, vector<16xf32>,
        tpu.vector_store %arg18[%swap3A_531, %swap3A_532], %add3A_530 {strides = array<i32>} : memref<64x256xf32, #tpu.memory_space<vmem>>, vector<16xf32>,
        %get3A_534 = arith.index_cast %add3A_383 : i32 to index
        %get3A_535 = arith.constant 128 : index
        %get3A_536 = tpu.vector_load %arg12[%get3A_534, %get3A_535] {strides = array<i32>} : memref<64x256xf32, #tpu.memory_space<vmem>>, vector<16xf32>,
        %mul3A_537 = arith.mulf %gather3A_386, %get3A_536 : vector<16xf32>
        %get3A_538 = arith.index_cast %add3A_383 : i32 to index
        %get3A_539 = arith.constant 128 : index
        %get3A_540 = tpu.vector_load %arg13[%get3A_538, %get3A_539] {strides = array<i32>} : memref<64x256xf32, #tpu.memory_space<vmem>>, vector<16xf32>,
        %mul3A_541 = arith.mulf %gather3A_392, %get3A_540 : vector<16xf32>
        %add3A_542 = arith.addf %mul3A_537, %mul3A_541 : vector<16xf32>
        %get3A_543 = arith.index_cast %add3A_383 : i32 to index
        %get3A_544 = arith.constant 128 : index
        %get3A_545 = tpu.vector_load %arg14[%get3A_543, %get3A_544] {strides = array<i32>} : memref<64x256xf32, #tpu.memory_space<vmem>>, vector<16xf32>,
        %mul3A_546 = arith.mulf %gather3A_398, %get3A_545 : vector<16xf32>
        %add3A_547 = arith.addf %add3A_542, %mul3A_546 : vector<16xf32>
        %swap3A_548 = arith.index_cast %add3A_383 : i32 to index
        %swap3A_549 = arith.constant 128 : index
        %swap3A_550 = tpu.vector_load %arg18[%swap3A_548, %swap3A_549] {strides = array<i32>} : memref<64x256xf32, #tpu.memory_space<vmem>>, vector<16xf32>,
        tpu.vector_store %arg18[%swap3A_548, %swap3A_549], %add3A_547 {strides = array<i32>} : memref<64x256xf32, #tpu.memory_space<vmem>>, vector<16xf32>,
        %get3A_551 = arith.index_cast %add3A_383 : i32 to index
        %get3A_552 = arith.constant 144 : index
        %get3A_553 = tpu.vector_load %arg12[%get3A_551, %get3A_552] {strides = array<i32>} : memref<64x256xf32, #tpu.memory_space<vmem>>, vector<16xf32>,
        %mul3A_554 = arith.mulf %gather3A_386, %get3A_553 : vector<16xf32>
        %get3A_555 = arith.index_cast %add3A_383 : i32 to index
        %get3A_556 = arith.constant 144 : index
        %get3A_557 = tpu.vector_load %arg13[%get3A_555, %get3A_556] {strides = array<i32>} : memref<64x256xf32, #tpu.memory_space<vmem>>, vector<16xf32>,
        %mul3A_558 = arith.mulf %gather3A_392, %get3A_557 : vector<16xf32>
        %add3A_559 = arith.addf %mul3A_554, %mul3A_558 : vector<16xf32>
        %get3A_560 = arith.index_cast %add3A_383 : i32 to index
        %get3A_561 = arith.constant 144 : index
        %get3A_562 = tpu.vector_load %arg14[%get3A_560, %get3A_561] {strides = array<i32>} : memref<64x256xf32, #tpu.memory_space<vmem>>, vector<16xf32>,
        %mul3A_563 = arith.mulf %gather3A_398, %get3A_562 : vector<16xf32>
        %add3A_564 = arith.addf %add3A_559, %mul3A_563 : vector<16xf32>
        %swap3A_565 = arith.index_cast %add3A_383 : i32 to index
        %swap3A_566 = arith.constant 144 : index
        %swap3A_567 = tpu.vector_load %arg18[%swap3A_565, %swap3A_566] {strides = array<i32>} : memref<64x256xf32, #tpu.memory_space<vmem>>, vector<16xf32>,
        tpu.vector_store %arg18[%swap3A_565, %swap3A_566], %add3A_564 {strides = array<i32>} : memref<64x256xf32, #tpu.memory_space<vmem>>, vector<16xf32>,
        %get3A_568 = arith.index_cast %add3A_383 : i32 to index
        %get3A_569 = arith.constant 160 : index
        %get3A_570 = tpu.vector_load %arg12[%get3A_568, %get3A_569] {strides = array<i32>} : memref<64x256xf32, #tpu.memory_space<vmem>>, vector<16xf32>,
        %mul3A_571 = arith.mulf %gather3A_386, %get3A_570 : vector<16xf32>
        %get3A_572 = arith.index_cast %add3A_383 : i32 to index
        %get3A_573 = arith.constant 160 : index
        %get3A_574 = tpu.vector_load %arg13[%get3A_572, %get3A_573] {strides = array<i32>} : memref<64x256xf32, #tpu.memory_space<vmem>>, vector<16xf32>,
        %mul3A_575 = arith.mulf %gather3A_392, %get3A_574 : vector<16xf32>
        %add3A_576 = arith.addf %mul3A_571, %mul3A_575 : vector<16xf32>
        %get3A_577 = arith.index_cast %add3A_383 : i32 to index
        %get3A_578 = arith.constant 160 : index
        %get3A_579 = tpu.vector_load %arg14[%get3A_577, %get3A_578] {strides = array<i32>} : memref<64x256xf32, #tpu.memory_space<vmem>>, vector<16xf32>,
        %mul3A_580 = arith.mulf %gather3A_398, %get3A_579 : vector<16xf32>
        %add3A_581 = arith.addf %add3A_576, %mul3A_580 : vector<16xf32>
        %swap3A_582 = arith.index_cast %add3A_383 : i32 to index
        %swap3A_583 = arith.constant 160 : index
        %swap3A_584 = tpu.vector_load %arg18[%swap3A_582, %swap3A_583] {strides = array<i32>} : memref<64x256xf32, #tpu.memory_space<vmem>>, vector<16xf32>,
        tpu.vector_store %arg18[%swap3A_582, %swap3A_583], %add3A_581 {strides = array<i32>} : memref<64x256xf32, #tpu.memory_space<vmem>>, vector<16xf32>,
        %get3A_585 = arith.index_cast %add3A_383 : i32 to index
        %get3A_586 = arith.constant 176 : index
        %get3A_587 = tpu.vector_load %arg12[%get3A_585, %get3A_586] {strides = array<i32>} : memref<64x256xf32, #tpu.memory_space<vmem>>, vector<16xf32>,
        %mul3A_588 = arith.mulf %gather3A_386, %get3A_587 : vector<16xf32>
        %get3A_589 = arith.index_cast %add3A_383 : i32 to index
        %get3A_590 = arith.constant 176 : index
        %get3A_591 = tpu.vector_load %arg13[%get3A_589, %get3A_590] {strides = array<i32>} : memref<64x256xf32, #tpu.memory_space<vmem>>, vector<16xf32>,
        %mul3A_592 = arith.mulf %gather3A_392, %get3A_591 : vector<16xf32>
        %add3A_593 = arith.addf %mul3A_588, %mul3A_592 : vector<16xf32>
        %get3A_594 = arith.index_cast %add3A_383 : i32 to index
        %get3A_595 = arith.constant 176 : index
        %get3A_596 = tpu.vector_load %arg14[%get3A_594, %get3A_595] {strides = array<i32>} : memref<64x256xf32, #tpu.memory_space<vmem>>, vector<16xf32>,
        %mul3A_597 = arith.mulf %gather3A_398, %get3A_596 : vector<16xf32>
        %add3A_598 = arith.addf %add3A_593, %mul3A_597 : vector<16xf32>
        %swap3A_599 = arith.index_cast %add3A_383 : i32 to index
        %swap3A_600 = arith.constant 176 : index
        %swap3A_601 = tpu.vector_load %arg18[%swap3A_599, %swap3A_600] {strides = array<i32>} : memref<64x256xf32, #tpu.memory_space<vmem>>, vector<16xf32>,
        tpu.vector_store %arg18[%swap3A_599, %swap3A_600], %add3A_598 {strides = array<i32>} : memref<64x256xf32, #tpu.memory_space<vmem>>, vector<16xf32>,
        %get3A_602 = arith.index_cast %add3A_383 : i32 to index
        %get3A_603 = arith.constant 192 : index
        %get3A_604 = tpu.vector_load %arg12[%get3A_602, %get3A_603] {strides = array<i32>} : memref<64x256xf32, #tpu.memory_space<vmem>>, vector<16xf32>,
        %mul3A_605 = arith.mulf %gather3A_386, %get3A_604 : vector<16xf32>
        %get3A_606 = arith.index_cast %add3A_383 : i32 to index
        %get3A_607 = arith.constant 192 : index
        %get3A_608 = tpu.vector_load %arg13[%get3A_606, %get3A_607] {strides = array<i32>} : memref<64x256xf32, #tpu.memory_space<vmem>>, vector<16xf32>,
        %mul3A_609 = arith.mulf %gather3A_392, %get3A_608 : vector<16xf32>
        %add3A_610 = arith.addf %mul3A_605, %mul3A_609 : vector<16xf32>
        %get3A_611 = arith.index_cast %add3A_383 : i32 to index
        %get3A_612 = arith.constant 192 : index
        %get3A_613 = tpu.vector_load %arg14[%get3A_611, %get3A_612] {strides = array<i32>} : memref<64x256xf32, #tpu.memory_space<vmem>>, vector<16xf32>,
        %mul3A_614 = arith.mulf %gather3A_398, %get3A_613 : vector<16xf32>
        %add3A_615 = arith.addf %add3A_610, %mul3A_614 : vector<16xf32>
        %swap3A_616 = arith.index_cast %add3A_383 : i32 to index
        %swap3A_617 = arith.constant 192 : index
        %swap3A_618 = tpu.vector_load %arg18[%swap3A_616, %swap3A_617] {strides = array<i32>} : memref<64x256xf32, #tpu.memory_space<vmem>>, vector<16xf32>,
        tpu.vector_store %arg18[%swap3A_616, %swap3A_617], %add3A_615 {strides = array<i32>} : memref<64x256xf32, #tpu.memory_space<vmem>>, vector<16xf32>,
        %get3A_619 = arith.index_cast %add3A_383 : i32 to index
        %get3A_620 = arith.constant 208 : index
        %get3A_621 = tpu.vector_load %arg12[%get3A_619, %get3A_620] {strides = array<i32>} : memref<64x256xf32, #tpu.memory_space<vmem>>, vector<16xf32>,
        %mul3A_622 = arith.mulf %gather3A_386, %get3A_621 : vector<16xf32>
        %get3A_623 = arith.index_cast %add3A_383 : i32 to index
        %get3A_624 = arith.constant 208 : index
        %get3A_625 = tpu.vector_load %arg13[%get3A_623, %get3A_624] {strides = array<i32>} : memref<64x256xf32, #tpu.memory_space<vmem>>, vector<16xf32>,
        %mul3A_626 = arith.mulf %gather3A_392, %get3A_625 : vector<16xf32>
        %add3A_627 = arith.addf %mul3A_622, %mul3A_626 : vector<16xf32>
        %get3A_628 = arith.index_cast %add3A_383 : i32 to index
        %get3A_629 = arith.constant 208 : index
        %get3A_630 = tpu.vector_load %arg14[%get3A_628, %get3A_629] {strides = array<i32>} : memref<64x256xf32, #tpu.memory_space<vmem>>, vector<16xf32>,
        %mul3A_631 = arith.mulf %gather3A_398, %get3A_630 : vector<16xf32>
        %add3A_632 = arith.addf %add3A_627, %mul3A_631 : vector<16xf32>
        %swap3A_633 = arith.index_cast %add3A_383 : i32 to index
        %swap3A_634 = arith.constant 208 : index
        %swap3A_635 = tpu.vector_load %arg18[%swap3A_633, %swap3A_634] {strides = array<i32>} : memref<64x256xf32, #tpu.memory_space<vmem>>, vector<16xf32>,
        tpu.vector_store %arg18[%swap3A_633, %swap3A_634], %add3A_632 {strides = array<i32>} : memref<64x256xf32, #tpu.memory_space<vmem>>, vector<16xf32>,
        %get3A_636 = arith.index_cast %add3A_383 : i32 to index
        %get3A_637 = arith.constant 224 : index
        %get3A_638 = tpu.vector_load %arg12[%get3A_636, %get3A_637] {strides = array<i32>} : memref<64x256xf32, #tpu.memory_space<vmem>>, vector<16xf32>,
        %mul3A_639 = arith.mulf %gather3A_386, %get3A_638 : vector<16xf32>
        %get3A_640 = arith.index_cast %add3A_383 : i32 to index
        %get3A_641 = arith.constant 224 : index
        %get3A_642 = tpu.vector_load %arg13[%get3A_640, %get3A_641] {strides = array<i32>} : memref<64x256xf32, #tpu.memory_space<vmem>>, vector<16xf32>,
        %mul3A_643 = arith.mulf %gather3A_392, %get3A_642 : vector<16xf32>
        %add3A_644 = arith.addf %mul3A_639, %mul3A_643 : vector<16xf32>
        %get3A_645 = arith.index_cast %add3A_383 : i32 to index
        %get3A_646 = arith.constant 224 : index
        %get3A_647 = tpu.vector_load %arg14[%get3A_645, %get3A_646] {strides = array<i32>} : memref<64x256xf32, #tpu.memory_space<vmem>>, vector<16xf32>,
        %mul3A_648 = arith.mulf %gather3A_398, %get3A_647 : vector<16xf32>
        %add3A_649 = arith.addf %add3A_644, %mul3A_648 : vector<16xf32>
        %swap3A_650 = arith.index_cast %add3A_383 : i32 to index
        %swap3A_651 = arith.constant 224 : index
        %swap3A_652 = tpu.vector_load %arg18[%swap3A_650, %swap3A_651] {strides = array<i32>} : memref<64x256xf32, #tpu.memory_space<vmem>>, vector<16xf32>,
        tpu.vector_store %arg18[%swap3A_650, %swap3A_651], %add3A_649 {strides = array<i32>} : memref<64x256xf32, #tpu.memory_space<vmem>>, vector<16xf32>,
        %get3A_653 = arith.index_cast %add3A_383 : i32 to index
        %get3A_654 = arith.constant 240 : index
        %get3A_655 = tpu.vector_load %arg12[%get3A_653, %get3A_654] {strides = array<i32>} : memref<64x256xf32, #tpu.memory_space<vmem>>, vector<16xf32>,
        %mul3A_656 = arith.mulf %gather3A_386, %get3A_655 : vector<16xf32>
        %get3A_657 = arith.index_cast %add3A_383 : i32 to index
        %get3A_658 = arith.constant 240 : index
        %get3A_659 = tpu.vector_load %arg13[%get3A_657, %get3A_658] {strides = array<i32>} : memref<64x256xf32, #tpu.memory_space<vmem>>, vector<16xf32>,
        %mul3A_660 = arith.mulf %gather3A_392, %get3A_659 : vector<16xf32>
        %add3A_661 = arith.addf %mul3A_656, %mul3A_660 : vector<16xf32>
        %get3A_662 = arith.index_cast %add3A_383 : i32 to index
        %get3A_663 = arith.constant 240 : index
        %get3A_664 = tpu.vector_load %arg14[%get3A_662, %get3A_663] {strides = array<i32>} : memref<64x256xf32, #tpu.memory_space<vmem>>, vector<16xf32>,
        %mul3A_665 = arith.mulf %gather3A_398, %get3A_664 : vector<16xf32>
        %add3A_666 = arith.addf %add3A_661, %mul3A_665 : vector<16xf32>
        %swap3A_667 = arith.index_cast %add3A_383 : i32 to index
        %swap3A_668 = arith.constant 240 : index
        %swap3A_669 = tpu.vector_load %arg18[%swap3A_667, %swap3A_668] {strides = array<i32>} : memref<64x256xf32, #tpu.memory_space<vmem>>, vector<16xf32>,
        tpu.vector_store %arg18[%swap3A_667, %swap3A_668], %add3A_666 {strides = array<i32>} : memref<64x256xf32, #tpu.memory_space<vmem>>, vector<16xf32>,
      }
      %scan3A_348 = arith.constant 64 : i32
      %mul3A_349 = arith.constant 1024 : i32
      %mul3A_350 = arith.muli %add3A, %mul3A_349 : i32
      %mul3A_351 = arith.constant 64 : i32
      %mul3A_352 = arith.muli %mul3A_335, %mul3A_351 : i32
      %add3A_353 = arith.addi %mul3A_350, %mul3A_352 : i32
      "tpu.region"() ({
        %run_scoped3A = tpu.sem_alloc : memref<!tpu.dma_semaphore, #tpu.memory_space<semaphore_mem>>
        %dma_start3A_379 = arith.constant 0 : i32
        %dma_start3A_380 = tpu.memref_slice %arg5[%add3A_353, %dma_start3A_379] : memref<32768x256xf32, #tpu.memory_space<hbm>> -> memref<64x256xf32, #tpu.memory_space<hbm>>
        %dma_start3A_381 = arith.constant 0 : i32
        %dma_start3A_382 = tpu.memref_slice %arg5[%add3A_353, %dma_start3A_381] : memref<32768x256xf32, #tpu.memory_space<hbm>> -> memref<64x256xf32, #tpu.memory_space<hbm>>
        tpu.enqueue_dma source(%arg18 : memref<64x256xf32, #tpu.memory_space<vmem>>) target(%dma_start3A_382 : memref<64x256xf32, #tpu.memory_space<hbm>>) target_semaphore(%run_scoped3A : memref<!tpu.dma_semaphore, #tpu.memory_space<semaphore_mem>>)
        %dma_wait3A_383 = arith.constant 0 : i32
        %dma_wait3A_384 = tpu.memref_slice %arg5[%add3A_353, %dma_wait3A_383] : memref<32768x256xf32, #tpu.memory_space<hbm>> -> memref<64x256xf32, #tpu.memory_space<hbm>>
        %dma_wait3A_385 = arith.constant 0 : i32
        %dma_wait3A_386 = tpu.memref_slice %arg5[%add3A_353, %dma_wait3A_385] : memref<32768x256xf32, #tpu.memory_space<hbm>> -> memref<64x256xf32, #tpu.memory_space<hbm>>
        tpu.wait_dma2 semaphore(%run_scoped3A : memref<!tpu.dma_semaphore, #tpu.memory_space<semaphore_mem>>) src(%arg18 : memref<64x256xf32, #tpu.memory_space<vmem>>) dst(%dma_wait3A_386 : memref<64x256xf32, #tpu.memory_space<hbm>>)
        tpu.yield
      }) : () -> ()
      %lt3A = arith.constant 7 : i32
      %lt3A_354 = arith.cmpi slt, %add3A_167, %lt3A : i32
      %convert_element_type3A = arith.extui %lt3A_354 : i1 to i32
      %cond3A = arith.constant 0 : i32
      %cond3A_355 = arith.cmpi ne, %convert_element_type3A, %cond3A : i32
      scf.if %cond3A_355 {
        %mul3A_379 = arith.constant 2 : i32
        %mul3A_380 = arith.muli %mul3A_379, %add3A_167 : i32
        %add3A_381 = arith.constant 2 : i32
        %add3A_382 = arith.addi %mul3A_380, %add3A_381 : i32
        %mul3A_383 = arith.constant 1024 : i32
        %mul3A_384 = arith.muli %add3A, %mul3A_383 : i32
        %mul3A_385 = arith.constant 64 : i32
        %mul3A_386 = arith.muli %add3A_382, %mul3A_385 : i32
        %add3A_387 = arith.addi %mul3A_384, %mul3A_386 : i32
        %mul3A_388 = arith.constant 4 : i32
        %mul3A_389 = arith.muli %add3A_387, %mul3A_388 : i32
        "tpu.region"() ({
          %run_scoped3A = tpu.sem_alloc : memref<!tpu.dma_semaphore, #tpu.memory_space<semaphore_mem>>
          %dma_start3A_545 = tpu.memref_slice %arg3[%mul3A_389] : memref<131072xi32, #tpu.memory_space<hbm>> -> memref<256xi32, #tpu.memory_space<hbm>>
          %dma_start3A_546 = tpu.memref_slice %arg3[%mul3A_389] : memref<131072xi32, #tpu.memory_space<hbm>> -> memref<256xi32, #tpu.memory_space<hbm>>
          tpu.enqueue_dma source(%dma_start3A_546 : memref<256xi32, #tpu.memory_space<hbm>>) target(%arg6 : memref<256xi32, #tpu.memory_space<vmem>>) target_semaphore(%run_scoped3A : memref<!tpu.dma_semaphore, #tpu.memory_space<semaphore_mem>>)
          %dma_wait3A_547 = tpu.memref_slice %arg3[%mul3A_389] : memref<131072xi32, #tpu.memory_space<hbm>> -> memref<256xi32, #tpu.memory_space<hbm>>
          %dma_wait3A_548 = tpu.memref_slice %arg3[%mul3A_389] : memref<131072xi32, #tpu.memory_space<hbm>> -> memref<256xi32, #tpu.memory_space<hbm>>
          tpu.wait_dma2 semaphore(%run_scoped3A : memref<!tpu.dma_semaphore, #tpu.memory_space<semaphore_mem>>) src(%dma_wait3A_548 : memref<256xi32, #tpu.memory_space<hbm>>) dst(%arg6 : memref<256xi32, #tpu.memory_space<vmem>>)
          tpu.yield
        }) : () -> ()
        %mul3A_390 = arith.constant 4 : i32
        %mul3A_391 = arith.muli %add3A_387, %mul3A_390 : i32
        "tpu.region"() ({
          %run_scoped3A = tpu.sem_alloc : memref<!tpu.dma_semaphore, #tpu.memory_space<semaphore_mem>>
          %dma_start3A_545 = tpu.memref_slice %arg4[%mul3A_391] : memref<131072xf32, #tpu.memory_space<hbm>> -> memref<256xf32, #tpu.memory_space<hbm>>
          %dma_start3A_546 = tpu.memref_slice %arg4[%mul3A_391] : memref<131072xf32, #tpu.memory_space<hbm>> -> memref<256xf32, #tpu.memory_space<hbm>>
          tpu.enqueue_dma source(%dma_start3A_546 : memref<256xf32, #tpu.memory_space<hbm>>) target(%arg8 : memref<256xf32, #tpu.memory_space<vmem>>) target_semaphore(%run_scoped3A : memref<!tpu.dma_semaphore, #tpu.memory_space<semaphore_mem>>)
          %dma_wait3A_547 = tpu.memref_slice %arg4[%mul3A_391] : memref<131072xf32, #tpu.memory_space<hbm>> -> memref<256xf32, #tpu.memory_space<hbm>>
          %dma_wait3A_548 = tpu.memref_slice %arg4[%mul3A_391] : memref<131072xf32, #tpu.memory_space<hbm>> -> memref<256xf32, #tpu.memory_space<hbm>>
          tpu.wait_dma2 semaphore(%run_scoped3A : memref<!tpu.dma_semaphore, #tpu.memory_space<semaphore_mem>>) src(%dma_wait3A_548 : memref<256xf32, #tpu.memory_space<hbm>>) dst(%arg8 : memref<256xf32, #tpu.memory_space<vmem>>)
          tpu.yield
        }) : () -> ()
        %add3A_392 = arith.constant 0 : i32
        %add3A_393 = vector.broadcast %add3A_392 : i32 to vector<16xi32>
        %add3A_394 = arith.addi %iota3A, %add3A_393 : vector<16xi32>
        %mul3A_395 = arith.constant 4 : i32
        %mul3A_396 = vector.broadcast %mul3A_395 : i32 to vector<16xi32>
        %mul3A_397 = arith.muli %add3A_394, %mul3A_396 : vector<16xi32>
        %add3A_398 = arith.constant 0 : i32
        %add3A_399 = vector.broadcast %add3A_398 : i32 to vector<16xi32>
        %add3A_400 = arith.addi %mul3A_397, %add3A_399 : vector<16xi32>
        %gather3A_401 = tpu.vector_load_idx %arg6[%add3A_400] : memref<256xi32, #tpu.memory_space<vmem>>[vector<16xi32>], vector<16xi32>,
        %swap3A_402 = arith.constant 0 : index
        %swap3A_403 = tpu.vector_load %arg10[%swap3A_402] {strides = array<i32>} : memref<64xi32, #tpu.memory_space<vmem>>, vector<16xi32>,
        tpu.vector_store %arg10[%swap3A_402], %gather3A_401 {strides = array<i32>} : memref<64xi32, #tpu.memory_space<vmem>>, vector<16xi32>,
        %add3A_404 = arith.constant 16 : i32
        %add3A_405 = vector.broadcast %add3A_404 : i32 to vector<16xi32>
        %add3A_406 = arith.addi %iota3A, %add3A_405 : vector<16xi32>
        %mul3A_407 = arith.constant 4 : i32
        %mul3A_408 = vector.broadcast %mul3A_407 : i32 to vector<16xi32>
        %mul3A_409 = arith.muli %add3A_406, %mul3A_408 : vector<16xi32>
        %add3A_410 = arith.constant 0 : i32
        %add3A_411 = vector.broadcast %add3A_410 : i32 to vector<16xi32>
        %add3A_412 = arith.addi %mul3A_409, %add3A_411 : vector<16xi32>
        %gather3A_413 = tpu.vector_load_idx %arg6[%add3A_412] : memref<256xi32, #tpu.memory_space<vmem>>[vector<16xi32>], vector<16xi32>,
        %swap3A_414 = arith.constant 16 : index
        %swap3A_415 = tpu.vector_load %arg10[%swap3A_414] {strides = array<i32>} : memref<64xi32, #tpu.memory_space<vmem>>, vector<16xi32>,
        tpu.vector_store %arg10[%swap3A_414], %gather3A_413 {strides = array<i32>} : memref<64xi32, #tpu.memory_space<vmem>>, vector<16xi32>,
        %add3A_416 = arith.constant 32 : i32
        %add3A_417 = vector.broadcast %add3A_416 : i32 to vector<16xi32>
        %add3A_418 = arith.addi %iota3A, %add3A_417 : vector<16xi32>
        %mul3A_419 = arith.constant 4 : i32
        %mul3A_420 = vector.broadcast %mul3A_419 : i32 to vector<16xi32>
        %mul3A_421 = arith.muli %add3A_418, %mul3A_420 : vector<16xi32>
        %add3A_422 = arith.constant 0 : i32
        %add3A_423 = vector.broadcast %add3A_422 : i32 to vector<16xi32>
        %add3A_424 = arith.addi %mul3A_421, %add3A_423 : vector<16xi32>
        %gather3A_425 = tpu.vector_load_idx %arg6[%add3A_424] : memref<256xi32, #tpu.memory_space<vmem>>[vector<16xi32>], vector<16xi32>,
        %swap3A_426 = arith.constant 32 : index
        %swap3A_427 = tpu.vector_load %arg10[%swap3A_426] {strides = array<i32>} : memref<64xi32, #tpu.memory_space<vmem>>, vector<16xi32>,
        tpu.vector_store %arg10[%swap3A_426], %gather3A_425 {strides = array<i32>} : memref<64xi32, #tpu.memory_space<vmem>>, vector<16xi32>,
        %add3A_428 = arith.constant 48 : i32
        %add3A_429 = vector.broadcast %add3A_428 : i32 to vector<16xi32>
        %add3A_430 = arith.addi %iota3A, %add3A_429 : vector<16xi32>
        %mul3A_431 = arith.constant 4 : i32
        %mul3A_432 = vector.broadcast %mul3A_431 : i32 to vector<16xi32>
        %mul3A_433 = arith.muli %add3A_430, %mul3A_432 : vector<16xi32>
        %add3A_434 = arith.constant 0 : i32
        %add3A_435 = vector.broadcast %add3A_434 : i32 to vector<16xi32>
        %add3A_436 = arith.addi %mul3A_433, %add3A_435 : vector<16xi32>
        %gather3A_437 = tpu.vector_load_idx %arg6[%add3A_436] : memref<256xi32, #tpu.memory_space<vmem>>[vector<16xi32>], vector<16xi32>,
        %swap3A_438 = arith.constant 48 : index
        %swap3A_439 = tpu.vector_load %arg10[%swap3A_438] {strides = array<i32>} : memref<64xi32, #tpu.memory_space<vmem>>, vector<16xi32>,
        tpu.vector_store %arg10[%swap3A_438], %gather3A_437 {strides = array<i32>} : memref<64xi32, #tpu.memory_space<vmem>>, vector<16xi32>,
        %dma_start3A_440 = arith.constant 0 : i32
        %dma_start3A_441 = arith.constant 0 : i32
        %dma_start3A_442 = tpu.memref_slice %arg2[%dma_start3A_440, %dma_start3A_441] : memref<8192x256xf32, #tpu.memory_space<hbm>> -> memref<8192x256xf32, #tpu.memory_space<hbm>>
        tpu.enqueue_indirect_dma source(%dma_start3A_442 : memref<8192x256xf32, #tpu.memory_space<hbm>>) target(%arg12 : memref<64x256xf32, #tpu.memory_space<vmem>>) offsets(%arg10 : memref<64xi32, #tpu.memory_space<vmem>>) semaphore(%arg19 : memref<!tpu.dma_semaphore, #tpu.memory_space<semaphore_mem>>)
        %add3A_443 = arith.constant 0 : i32
        %add3A_444 = vector.broadcast %add3A_443 : i32 to vector<16xi32>
        %add3A_445 = arith.addi %iota3A, %add3A_444 : vector<16xi32>
        %mul3A_446 = arith.constant 4 : i32
        %mul3A_447 = vector.broadcast %mul3A_446 : i32 to vector<16xi32>
        %mul3A_448 = arith.muli %add3A_445, %mul3A_447 : vector<16xi32>
        %add3A_449 = arith.constant 1 : i32
        %add3A_450 = vector.broadcast %add3A_449 : i32 to vector<16xi32>
        %add3A_451 = arith.addi %mul3A_448, %add3A_450 : vector<16xi32>
        %gather3A_452 = tpu.vector_load_idx %arg6[%add3A_451] : memref<256xi32, #tpu.memory_space<vmem>>[vector<16xi32>], vector<16xi32>,
        %swap3A_453 = arith.constant 0 : index
        %swap3A_454 = tpu.vector_load %arg10[%swap3A_453] {strides = array<i32>} : memref<64xi32, #tpu.memory_space<vmem>>, vector<16xi32>,
        tpu.vector_store %arg10[%swap3A_453], %gather3A_452 {strides = array<i32>} : memref<64xi32, #tpu.memory_space<vmem>>, vector<16xi32>,
        %add3A_455 = arith.constant 16 : i32
        %add3A_456 = vector.broadcast %add3A_455 : i32 to vector<16xi32>
        %add3A_457 = arith.addi %iota3A, %add3A_456 : vector<16xi32>
        %mul3A_458 = arith.constant 4 : i32
        %mul3A_459 = vector.broadcast %mul3A_458 : i32 to vector<16xi32>
        %mul3A_460 = arith.muli %add3A_457, %mul3A_459 : vector<16xi32>
        %add3A_461 = arith.constant 1 : i32
        %add3A_462 = vector.broadcast %add3A_461 : i32 to vector<16xi32>
        %add3A_463 = arith.addi %mul3A_460, %add3A_462 : vector<16xi32>
        %gather3A_464 = tpu.vector_load_idx %arg6[%add3A_463] : memref<256xi32, #tpu.memory_space<vmem>>[vector<16xi32>], vector<16xi32>,
        %swap3A_465 = arith.constant 16 : index
        %swap3A_466 = tpu.vector_load %arg10[%swap3A_465] {strides = array<i32>} : memref<64xi32, #tpu.memory_space<vmem>>, vector<16xi32>,
        tpu.vector_store %arg10[%swap3A_465], %gather3A_464 {strides = array<i32>} : memref<64xi32, #tpu.memory_space<vmem>>, vector<16xi32>,
        %add3A_467 = arith.constant 32 : i32
        %add3A_468 = vector.broadcast %add3A_467 : i32 to vector<16xi32>
        %add3A_469 = arith.addi %iota3A, %add3A_468 : vector<16xi32>
        %mul3A_470 = arith.constant 4 : i32
        %mul3A_471 = vector.broadcast %mul3A_470 : i32 to vector<16xi32>
        %mul3A_472 = arith.muli %add3A_469, %mul3A_471 : vector<16xi32>
        %add3A_473 = arith.constant 1 : i32
        %add3A_474 = vector.broadcast %add3A_473 : i32 to vector<16xi32>
        %add3A_475 = arith.addi %mul3A_472, %add3A_474 : vector<16xi32>
        %gather3A_476 = tpu.vector_load_idx %arg6[%add3A_475] : memref<256xi32, #tpu.memory_space<vmem>>[vector<16xi32>], vector<16xi32>,
        %swap3A_477 = arith.constant 32 : index
        %swap3A_478 = tpu.vector_load %arg10[%swap3A_477] {strides = array<i32>} : memref<64xi32, #tpu.memory_space<vmem>>, vector<16xi32>,
        tpu.vector_store %arg10[%swap3A_477], %gather3A_476 {strides = array<i32>} : memref<64xi32, #tpu.memory_space<vmem>>, vector<16xi32>,
        %add3A_479 = arith.constant 48 : i32
        %add3A_480 = vector.broadcast %add3A_479 : i32 to vector<16xi32>
        %add3A_481 = arith.addi %iota3A, %add3A_480 : vector<16xi32>
        %mul3A_482 = arith.constant 4 : i32
        %mul3A_483 = vector.broadcast %mul3A_482 : i32 to vector<16xi32>
        %mul3A_484 = arith.muli %add3A_481, %mul3A_483 : vector<16xi32>
        %add3A_485 = arith.constant 1 : i32
        %add3A_486 = vector.broadcast %add3A_485 : i32 to vector<16xi32>
        %add3A_487 = arith.addi %mul3A_484, %add3A_486 : vector<16xi32>
        %gather3A_488 = tpu.vector_load_idx %arg6[%add3A_487] : memref<256xi32, #tpu.memory_space<vmem>>[vector<16xi32>], vector<16xi32>,
        %swap3A_489 = arith.constant 48 : index
        %swap3A_490 = tpu.vector_load %arg10[%swap3A_489] {strides = array<i32>} : memref<64xi32, #tpu.memory_space<vmem>>, vector<16xi32>,
        tpu.vector_store %arg10[%swap3A_489], %gather3A_488 {strides = array<i32>} : memref<64xi32, #tpu.memory_space<vmem>>, vector<16xi32>,
        %dma_start3A_491 = arith.constant 0 : i32
        %dma_start3A_492 = arith.constant 0 : i32
        %dma_start3A_493 = tpu.memref_slice %arg2[%dma_start3A_491, %dma_start3A_492] : memref<8192x256xf32, #tpu.memory_space<hbm>> -> memref<8192x256xf32, #tpu.memory_space<hbm>>
        tpu.enqueue_indirect_dma source(%dma_start3A_493 : memref<8192x256xf32, #tpu.memory_space<hbm>>) target(%arg13 : memref<64x256xf32, #tpu.memory_space<vmem>>) offsets(%arg10 : memref<64xi32, #tpu.memory_space<vmem>>) semaphore(%arg19 : memref<!tpu.dma_semaphore, #tpu.memory_space<semaphore_mem>>)
        %add3A_494 = arith.constant 0 : i32
        %add3A_495 = vector.broadcast %add3A_494 : i32 to vector<16xi32>
        %add3A_496 = arith.addi %iota3A, %add3A_495 : vector<16xi32>
        %mul3A_497 = arith.constant 4 : i32
        %mul3A_498 = vector.broadcast %mul3A_497 : i32 to vector<16xi32>
        %mul3A_499 = arith.muli %add3A_496, %mul3A_498 : vector<16xi32>
        %add3A_500 = arith.constant 2 : i32
        %add3A_501 = vector.broadcast %add3A_500 : i32 to vector<16xi32>
        %add3A_502 = arith.addi %mul3A_499, %add3A_501 : vector<16xi32>
        %gather3A_503 = tpu.vector_load_idx %arg6[%add3A_502] : memref<256xi32, #tpu.memory_space<vmem>>[vector<16xi32>], vector<16xi32>,
        %swap3A_504 = arith.constant 0 : index
        %swap3A_505 = tpu.vector_load %arg10[%swap3A_504] {strides = array<i32>} : memref<64xi32, #tpu.memory_space<vmem>>, vector<16xi32>,
        tpu.vector_store %arg10[%swap3A_504], %gather3A_503 {strides = array<i32>} : memref<64xi32, #tpu.memory_space<vmem>>, vector<16xi32>,
        %add3A_506 = arith.constant 16 : i32
        %add3A_507 = vector.broadcast %add3A_506 : i32 to vector<16xi32>
        %add3A_508 = arith.addi %iota3A, %add3A_507 : vector<16xi32>
        %mul3A_509 = arith.constant 4 : i32
        %mul3A_510 = vector.broadcast %mul3A_509 : i32 to vector<16xi32>
        %mul3A_511 = arith.muli %add3A_508, %mul3A_510 : vector<16xi32>
        %add3A_512 = arith.constant 2 : i32
        %add3A_513 = vector.broadcast %add3A_512 : i32 to vector<16xi32>
        %add3A_514 = arith.addi %mul3A_511, %add3A_513 : vector<16xi32>
        %gather3A_515 = tpu.vector_load_idx %arg6[%add3A_514] : memref<256xi32, #tpu.memory_space<vmem>>[vector<16xi32>], vector<16xi32>,
        %swap3A_516 = arith.constant 16 : index
        %swap3A_517 = tpu.vector_load %arg10[%swap3A_516] {strides = array<i32>} : memref<64xi32, #tpu.memory_space<vmem>>, vector<16xi32>,
        tpu.vector_store %arg10[%swap3A_516], %gather3A_515 {strides = array<i32>} : memref<64xi32, #tpu.memory_space<vmem>>, vector<16xi32>,
        %add3A_518 = arith.constant 32 : i32
        %add3A_519 = vector.broadcast %add3A_518 : i32 to vector<16xi32>
        %add3A_520 = arith.addi %iota3A, %add3A_519 : vector<16xi32>
        %mul3A_521 = arith.constant 4 : i32
        %mul3A_522 = vector.broadcast %mul3A_521 : i32 to vector<16xi32>
        %mul3A_523 = arith.muli %add3A_520, %mul3A_522 : vector<16xi32>
        %add3A_524 = arith.constant 2 : i32
        %add3A_525 = vector.broadcast %add3A_524 : i32 to vector<16xi32>
        %add3A_526 = arith.addi %mul3A_523, %add3A_525 : vector<16xi32>
        %gather3A_527 = tpu.vector_load_idx %arg6[%add3A_526] : memref<256xi32, #tpu.memory_space<vmem>>[vector<16xi32>], vector<16xi32>,
        %swap3A_528 = arith.constant 32 : index
        %swap3A_529 = tpu.vector_load %arg10[%swap3A_528] {strides = array<i32>} : memref<64xi32, #tpu.memory_space<vmem>>, vector<16xi32>,
        tpu.vector_store %arg10[%swap3A_528], %gather3A_527 {strides = array<i32>} : memref<64xi32, #tpu.memory_space<vmem>>, vector<16xi32>,
        %add3A_530 = arith.constant 48 : i32
        %add3A_531 = vector.broadcast %add3A_530 : i32 to vector<16xi32>
        %add3A_532 = arith.addi %iota3A, %add3A_531 : vector<16xi32>
        %mul3A_533 = arith.constant 4 : i32
        %mul3A_534 = vector.broadcast %mul3A_533 : i32 to vector<16xi32>
        %mul3A_535 = arith.muli %add3A_532, %mul3A_534 : vector<16xi32>
        %add3A_536 = arith.constant 2 : i32
        %add3A_537 = vector.broadcast %add3A_536 : i32 to vector<16xi32>
        %add3A_538 = arith.addi %mul3A_535, %add3A_537 : vector<16xi32>
        %gather3A_539 = tpu.vector_load_idx %arg6[%add3A_538] : memref<256xi32, #tpu.memory_space<vmem>>[vector<16xi32>], vector<16xi32>,
        %swap3A_540 = arith.constant 48 : index
        %swap3A_541 = tpu.vector_load %arg10[%swap3A_540] {strides = array<i32>} : memref<64xi32, #tpu.memory_space<vmem>>, vector<16xi32>,
        tpu.vector_store %arg10[%swap3A_540], %gather3A_539 {strides = array<i32>} : memref<64xi32, #tpu.memory_space<vmem>>, vector<16xi32>,
        %dma_start3A_542 = arith.constant 0 : i32
        %dma_start3A_543 = arith.constant 0 : i32
        %dma_start3A_544 = tpu.memref_slice %arg2[%dma_start3A_542, %dma_start3A_543] : memref<8192x256xf32, #tpu.memory_space<hbm>> -> memref<8192x256xf32, #tpu.memory_space<hbm>>
        tpu.enqueue_indirect_dma source(%dma_start3A_544 : memref<8192x256xf32, #tpu.memory_space<hbm>>) target(%arg14 : memref<64x256xf32, #tpu.memory_space<vmem>>) offsets(%arg10 : memref<64xi32, #tpu.memory_space<vmem>>) semaphore(%arg19 : memref<!tpu.dma_semaphore, #tpu.memory_space<semaphore_mem>>)
      } else {
      }
      %mul3A_356 = arith.constant 2 : i32
      %mul3A_357 = arith.muli %mul3A_356, %add3A_167 : i32
      %add3A_358 = arith.constant 1 : i32
      %add3A_359 = arith.addi %mul3A_357, %add3A_358 : i32
      %dma_wait3A_360 = arith.constant 0 : i32
      %dma_wait3A_361 = arith.constant 0 : i32
      %dma_wait3A_362 = tpu.memref_slice %arg2[%dma_wait3A_360, %dma_wait3A_361] : memref<8192x256xf32, #tpu.memory_space<hbm>> -> memref<8192x256xf32, #tpu.memory_space<hbm>>
      tpu.wait_indirect_dma semaphore(%arg20 : memref<!tpu.dma_semaphore, #tpu.memory_space<semaphore_mem>>) src(%dma_wait3A_362 : memref<8192x256xf32, #tpu.memory_space<hbm>>) dst(%arg15 : memref<64x256xf32, #tpu.memory_space<vmem>>)
      %dma_wait3A_363 = arith.constant 0 : i32
      %dma_wait3A_364 = arith.constant 0 : i32
      %dma_wait3A_365 = tpu.memref_slice %arg2[%dma_wait3A_363, %dma_wait3A_364] : memref<8192x256xf32, #tpu.memory_space<hbm>> -> memref<8192x256xf32, #tpu.memory_space<hbm>>
      tpu.wait_indirect_dma semaphore(%arg20 : memref<!tpu.dma_semaphore, #tpu.memory_space<semaphore_mem>>) src(%dma_wait3A_365 : memref<8192x256xf32, #tpu.memory_space<hbm>>) dst(%arg16 : memref<64x256xf32, #tpu.memory_space<vmem>>)
      %dma_wait3A_366 = arith.constant 0 : i32
      %dma_wait3A_367 = arith.constant 0 : i32
      %dma_wait3A_368 = tpu.memref_slice %arg2[%dma_wait3A_366, %dma_wait3A_367] : memref<8192x256xf32, #tpu.memory_space<hbm>> -> memref<8192x256xf32, #tpu.memory_space<hbm>>
      tpu.wait_indirect_dma semaphore(%arg20 : memref<!tpu.dma_semaphore, #tpu.memory_space<semaphore_mem>>) src(%dma_wait3A_368 : memref<8192x256xf32, #tpu.memory_space<hbm>>) dst(%arg17 : memref<64x256xf32, #tpu.memory_space<vmem>>)
      %scan3A_369 = arith.constant 0 : i32
      %scan3A_370 = arith.constant 64 : i32
      %scan3A_371 = arith.addi %scan3A_369, %scan3A_370 : i32
      %scan3A_372 = arith.constant 1 : i32
      scf.for %scan3A_379 = %scan3A_369 to %scan3A_371 step %scan3A_372  : i32 {
        %mul3A_380 = arith.constant 1 : i32
        %mul3A_381 = arith.muli %scan3A_379, %mul3A_380 : i32
        %add3A_382 = arith.constant 0 : i32
        %add3A_383 = arith.addi %add3A_382, %mul3A_381 : i32
        %mul3A_384 = arith.constant 4 : i32
        %mul3A_385 = arith.muli %mul3A_384, %add3A_383 : i32
        %broadcast_in_dim3A = vector.broadcast %mul3A_385 : i32 to vector<16xi32>
        %gather3A_386 = tpu.vector_load_idx %arg9[%broadcast_in_dim3A] : memref<256xf32, #tpu.memory_space<vmem>>[vector<16xi32>], vector<16xf32>,
        %mul3A_387 = arith.constant 4 : i32
        %mul3A_388 = arith.muli %mul3A_387, %add3A_383 : i32
        %add3A_389 = arith.constant 1 : i32
        %add3A_390 = arith.addi %mul3A_388, %add3A_389 : i32
        %broadcast_in_dim3A_391 = vector.broadcast %add3A_390 : i32 to vector<16xi32>
        %gather3A_392 = tpu.vector_load_idx %arg9[%broadcast_in_dim3A_391] : memref<256xf32, #tpu.memory_space<vmem>>[vector<16xi32>], vector<16xf32>,
        %mul3A_393 = arith.constant 4 : i32
        %mul3A_394 = arith.muli %mul3A_393, %add3A_383 : i32
        %add3A_395 = arith.constant 2 : i32
        %add3A_396 = arith.addi %mul3A_394, %add3A_395 : i32
        %broadcast_in_dim3A_397 = vector.broadcast %add3A_396 : i32 to vector<16xi32>
        %gather3A_398 = tpu.vector_load_idx %arg9[%broadcast_in_dim3A_397] : memref<256xf32, #tpu.memory_space<vmem>>[vector<16xi32>], vector<16xf32>,
        %get3A = arith.index_cast %add3A_383 : i32 to index
        %get3A_399 = arith.constant 0 : index
        %get3A_400 = tpu.vector_load %arg15[%get3A, %get3A_399] {strides = array<i32>} : memref<64x256xf32, #tpu.memory_space<vmem>>, vector<16xf32>,
        %mul3A_401 = arith.mulf %gather3A_386, %get3A_400 : vector<16xf32>
        %get3A_402 = arith.index_cast %add3A_383 : i32 to index
        %get3A_403 = arith.constant 0 : index
        %get3A_404 = tpu.vector_load %arg16[%get3A_402, %get3A_403] {strides = array<i32>} : memref<64x256xf32, #tpu.memory_space<vmem>>, vector<16xf32>,
        %mul3A_405 = arith.mulf %gather3A_392, %get3A_404 : vector<16xf32>
        %add3A_406 = arith.addf %mul3A_401, %mul3A_405 : vector<16xf32>
        %get3A_407 = arith.index_cast %add3A_383 : i32 to index
        %get3A_408 = arith.constant 0 : index
        %get3A_409 = tpu.vector_load %arg17[%get3A_407, %get3A_408] {strides = array<i32>} : memref<64x256xf32, #tpu.memory_space<vmem>>, vector<16xf32>,
        %mul3A_410 = arith.mulf %gather3A_398, %get3A_409 : vector<16xf32>
        %add3A_411 = arith.addf %add3A_406, %mul3A_410 : vector<16xf32>
        %swap3A_412 = arith.index_cast %add3A_383 : i32 to index
        %swap3A_413 = arith.constant 0 : index
        %swap3A_414 = tpu.vector_load %arg18[%swap3A_412, %swap3A_413] {strides = array<i32>} : memref<64x256xf32, #tpu.memory_space<vmem>>, vector<16xf32>,
        tpu.vector_store %arg18[%swap3A_412, %swap3A_413], %add3A_411 {strides = array<i32>} : memref<64x256xf32, #tpu.memory_space<vmem>>, vector<16xf32>,
        %get3A_415 = arith.index_cast %add3A_383 : i32 to index
        %get3A_416 = arith.constant 16 : index
        %get3A_417 = tpu.vector_load %arg15[%get3A_415, %get3A_416] {strides = array<i32>} : memref<64x256xf32, #tpu.memory_space<vmem>>, vector<16xf32>,
        %mul3A_418 = arith.mulf %gather3A_386, %get3A_417 : vector<16xf32>
        %get3A_419 = arith.index_cast %add3A_383 : i32 to index
        %get3A_420 = arith.constant 16 : index
        %get3A_421 = tpu.vector_load %arg16[%get3A_419, %get3A_420] {strides = array<i32>} : memref<64x256xf32, #tpu.memory_space<vmem>>, vector<16xf32>,
        %mul3A_422 = arith.mulf %gather3A_392, %get3A_421 : vector<16xf32>
        %add3A_423 = arith.addf %mul3A_418, %mul3A_422 : vector<16xf32>
        %get3A_424 = arith.index_cast %add3A_383 : i32 to index
        %get3A_425 = arith.constant 16 : index
        %get3A_426 = tpu.vector_load %arg17[%get3A_424, %get3A_425] {strides = array<i32>} : memref<64x256xf32, #tpu.memory_space<vmem>>, vector<16xf32>,
        %mul3A_427 = arith.mulf %gather3A_398, %get3A_426 : vector<16xf32>
        %add3A_428 = arith.addf %add3A_423, %mul3A_427 : vector<16xf32>
        %swap3A_429 = arith.index_cast %add3A_383 : i32 to index
        %swap3A_430 = arith.constant 16 : index
        %swap3A_431 = tpu.vector_load %arg18[%swap3A_429, %swap3A_430] {strides = array<i32>} : memref<64x256xf32, #tpu.memory_space<vmem>>, vector<16xf32>,
        tpu.vector_store %arg18[%swap3A_429, %swap3A_430], %add3A_428 {strides = array<i32>} : memref<64x256xf32, #tpu.memory_space<vmem>>, vector<16xf32>,
        %get3A_432 = arith.index_cast %add3A_383 : i32 to index
        %get3A_433 = arith.constant 32 : index
        %get3A_434 = tpu.vector_load %arg15[%get3A_432, %get3A_433] {strides = array<i32>} : memref<64x256xf32, #tpu.memory_space<vmem>>, vector<16xf32>,
        %mul3A_435 = arith.mulf %gather3A_386, %get3A_434 : vector<16xf32>
        %get3A_436 = arith.index_cast %add3A_383 : i32 to index
        %get3A_437 = arith.constant 32 : index
        %get3A_438 = tpu.vector_load %arg16[%get3A_436, %get3A_437] {strides = array<i32>} : memref<64x256xf32, #tpu.memory_space<vmem>>, vector<16xf32>,
        %mul3A_439 = arith.mulf %gather3A_392, %get3A_438 : vector<16xf32>
        %add3A_440 = arith.addf %mul3A_435, %mul3A_439 : vector<16xf32>
        %get3A_441 = arith.index_cast %add3A_383 : i32 to index
        %get3A_442 = arith.constant 32 : index
        %get3A_443 = tpu.vector_load %arg17[%get3A_441, %get3A_442] {strides = array<i32>} : memref<64x256xf32, #tpu.memory_space<vmem>>, vector<16xf32>,
        %mul3A_444 = arith.mulf %gather3A_398, %get3A_443 : vector<16xf32>
        %add3A_445 = arith.addf %add3A_440, %mul3A_444 : vector<16xf32>
        %swap3A_446 = arith.index_cast %add3A_383 : i32 to index
        %swap3A_447 = arith.constant 32 : index
        %swap3A_448 = tpu.vector_load %arg18[%swap3A_446, %swap3A_447] {strides = array<i32>} : memref<64x256xf32, #tpu.memory_space<vmem>>, vector<16xf32>,
        tpu.vector_store %arg18[%swap3A_446, %swap3A_447], %add3A_445 {strides = array<i32>} : memref<64x256xf32, #tpu.memory_space<vmem>>, vector<16xf32>,
        %get3A_449 = arith.index_cast %add3A_383 : i32 to index
        %get3A_450 = arith.constant 48 : index
        %get3A_451 = tpu.vector_load %arg15[%get3A_449, %get3A_450] {strides = array<i32>} : memref<64x256xf32, #tpu.memory_space<vmem>>, vector<16xf32>,
        %mul3A_452 = arith.mulf %gather3A_386, %get3A_451 : vector<16xf32>
        %get3A_453 = arith.index_cast %add3A_383 : i32 to index
        %get3A_454 = arith.constant 48 : index
        %get3A_455 = tpu.vector_load %arg16[%get3A_453, %get3A_454] {strides = array<i32>} : memref<64x256xf32, #tpu.memory_space<vmem>>, vector<16xf32>,
        %mul3A_456 = arith.mulf %gather3A_392, %get3A_455 : vector<16xf32>
        %add3A_457 = arith.addf %mul3A_452, %mul3A_456 : vector<16xf32>
        %get3A_458 = arith.index_cast %add3A_383 : i32 to index
        %get3A_459 = arith.constant 48 : index
        %get3A_460 = tpu.vector_load %arg17[%get3A_458, %get3A_459] {strides = array<i32>} : memref<64x256xf32, #tpu.memory_space<vmem>>, vector<16xf32>,
        %mul3A_461 = arith.mulf %gather3A_398, %get3A_460 : vector<16xf32>
        %add3A_462 = arith.addf %add3A_457, %mul3A_461 : vector<16xf32>
        %swap3A_463 = arith.index_cast %add3A_383 : i32 to index
        %swap3A_464 = arith.constant 48 : index
        %swap3A_465 = tpu.vector_load %arg18[%swap3A_463, %swap3A_464] {strides = array<i32>} : memref<64x256xf32, #tpu.memory_space<vmem>>, vector<16xf32>,
        tpu.vector_store %arg18[%swap3A_463, %swap3A_464], %add3A_462 {strides = array<i32>} : memref<64x256xf32, #tpu.memory_space<vmem>>, vector<16xf32>,
        %get3A_466 = arith.index_cast %add3A_383 : i32 to index
        %get3A_467 = arith.constant 64 : index
        %get3A_468 = tpu.vector_load %arg15[%get3A_466, %get3A_467] {strides = array<i32>} : memref<64x256xf32, #tpu.memory_space<vmem>>, vector<16xf32>,
        %mul3A_469 = arith.mulf %gather3A_386, %get3A_468 : vector<16xf32>
        %get3A_470 = arith.index_cast %add3A_383 : i32 to index
        %get3A_471 = arith.constant 64 : index
        %get3A_472 = tpu.vector_load %arg16[%get3A_470, %get3A_471] {strides = array<i32>} : memref<64x256xf32, #tpu.memory_space<vmem>>, vector<16xf32>,
        %mul3A_473 = arith.mulf %gather3A_392, %get3A_472 : vector<16xf32>
        %add3A_474 = arith.addf %mul3A_469, %mul3A_473 : vector<16xf32>
        %get3A_475 = arith.index_cast %add3A_383 : i32 to index
        %get3A_476 = arith.constant 64 : index
        %get3A_477 = tpu.vector_load %arg17[%get3A_475, %get3A_476] {strides = array<i32>} : memref<64x256xf32, #tpu.memory_space<vmem>>, vector<16xf32>,
        %mul3A_478 = arith.mulf %gather3A_398, %get3A_477 : vector<16xf32>
        %add3A_479 = arith.addf %add3A_474, %mul3A_478 : vector<16xf32>
        %swap3A_480 = arith.index_cast %add3A_383 : i32 to index
        %swap3A_481 = arith.constant 64 : index
        %swap3A_482 = tpu.vector_load %arg18[%swap3A_480, %swap3A_481] {strides = array<i32>} : memref<64x256xf32, #tpu.memory_space<vmem>>, vector<16xf32>,
        tpu.vector_store %arg18[%swap3A_480, %swap3A_481], %add3A_479 {strides = array<i32>} : memref<64x256xf32, #tpu.memory_space<vmem>>, vector<16xf32>,
        %get3A_483 = arith.index_cast %add3A_383 : i32 to index
        %get3A_484 = arith.constant 80 : index
        %get3A_485 = tpu.vector_load %arg15[%get3A_483, %get3A_484] {strides = array<i32>} : memref<64x256xf32, #tpu.memory_space<vmem>>, vector<16xf32>,
        %mul3A_486 = arith.mulf %gather3A_386, %get3A_485 : vector<16xf32>
        %get3A_487 = arith.index_cast %add3A_383 : i32 to index
        %get3A_488 = arith.constant 80 : index
        %get3A_489 = tpu.vector_load %arg16[%get3A_487, %get3A_488] {strides = array<i32>} : memref<64x256xf32, #tpu.memory_space<vmem>>, vector<16xf32>,
        %mul3A_490 = arith.mulf %gather3A_392, %get3A_489 : vector<16xf32>
        %add3A_491 = arith.addf %mul3A_486, %mul3A_490 : vector<16xf32>
        %get3A_492 = arith.index_cast %add3A_383 : i32 to index
        %get3A_493 = arith.constant 80 : index
        %get3A_494 = tpu.vector_load %arg17[%get3A_492, %get3A_493] {strides = array<i32>} : memref<64x256xf32, #tpu.memory_space<vmem>>, vector<16xf32>,
        %mul3A_495 = arith.mulf %gather3A_398, %get3A_494 : vector<16xf32>
        %add3A_496 = arith.addf %add3A_491, %mul3A_495 : vector<16xf32>
        %swap3A_497 = arith.index_cast %add3A_383 : i32 to index
        %swap3A_498 = arith.constant 80 : index
        %swap3A_499 = tpu.vector_load %arg18[%swap3A_497, %swap3A_498] {strides = array<i32>} : memref<64x256xf32, #tpu.memory_space<vmem>>, vector<16xf32>,
        tpu.vector_store %arg18[%swap3A_497, %swap3A_498], %add3A_496 {strides = array<i32>} : memref<64x256xf32, #tpu.memory_space<vmem>>, vector<16xf32>,
        %get3A_500 = arith.index_cast %add3A_383 : i32 to index
        %get3A_501 = arith.constant 96 : index
        %get3A_502 = tpu.vector_load %arg15[%get3A_500, %get3A_501] {strides = array<i32>} : memref<64x256xf32, #tpu.memory_space<vmem>>, vector<16xf32>,
        %mul3A_503 = arith.mulf %gather3A_386, %get3A_502 : vector<16xf32>
        %get3A_504 = arith.index_cast %add3A_383 : i32 to index
        %get3A_505 = arith.constant 96 : index
        %get3A_506 = tpu.vector_load %arg16[%get3A_504, %get3A_505] {strides = array<i32>} : memref<64x256xf32, #tpu.memory_space<vmem>>, vector<16xf32>,
        %mul3A_507 = arith.mulf %gather3A_392, %get3A_506 : vector<16xf32>
        %add3A_508 = arith.addf %mul3A_503, %mul3A_507 : vector<16xf32>
        %get3A_509 = arith.index_cast %add3A_383 : i32 to index
        %get3A_510 = arith.constant 96 : index
        %get3A_511 = tpu.vector_load %arg17[%get3A_509, %get3A_510] {strides = array<i32>} : memref<64x256xf32, #tpu.memory_space<vmem>>, vector<16xf32>,
        %mul3A_512 = arith.mulf %gather3A_398, %get3A_511 : vector<16xf32>
        %add3A_513 = arith.addf %add3A_508, %mul3A_512 : vector<16xf32>
        %swap3A_514 = arith.index_cast %add3A_383 : i32 to index
        %swap3A_515 = arith.constant 96 : index
        %swap3A_516 = tpu.vector_load %arg18[%swap3A_514, %swap3A_515] {strides = array<i32>} : memref<64x256xf32, #tpu.memory_space<vmem>>, vector<16xf32>,
        tpu.vector_store %arg18[%swap3A_514, %swap3A_515], %add3A_513 {strides = array<i32>} : memref<64x256xf32, #tpu.memory_space<vmem>>, vector<16xf32>,
        %get3A_517 = arith.index_cast %add3A_383 : i32 to index
        %get3A_518 = arith.constant 112 : index
        %get3A_519 = tpu.vector_load %arg15[%get3A_517, %get3A_518] {strides = array<i32>} : memref<64x256xf32, #tpu.memory_space<vmem>>, vector<16xf32>,
        %mul3A_520 = arith.mulf %gather3A_386, %get3A_519 : vector<16xf32>
        %get3A_521 = arith.index_cast %add3A_383 : i32 to index
        %get3A_522 = arith.constant 112 : index
        %get3A_523 = tpu.vector_load %arg16[%get3A_521, %get3A_522] {strides = array<i32>} : memref<64x256xf32, #tpu.memory_space<vmem>>, vector<16xf32>,
        %mul3A_524 = arith.mulf %gather3A_392, %get3A_523 : vector<16xf32>
        %add3A_525 = arith.addf %mul3A_520, %mul3A_524 : vector<16xf32>
        %get3A_526 = arith.index_cast %add3A_383 : i32 to index
        %get3A_527 = arith.constant 112 : index
        %get3A_528 = tpu.vector_load %arg17[%get3A_526, %get3A_527] {strides = array<i32>} : memref<64x256xf32, #tpu.memory_space<vmem>>, vector<16xf32>,
        %mul3A_529 = arith.mulf %gather3A_398, %get3A_528 : vector<16xf32>
        %add3A_530 = arith.addf %add3A_525, %mul3A_529 : vector<16xf32>
        %swap3A_531 = arith.index_cast %add3A_383 : i32 to index
        %swap3A_532 = arith.constant 112 : index
        %swap3A_533 = tpu.vector_load %arg18[%swap3A_531, %swap3A_532] {strides = array<i32>} : memref<64x256xf32, #tpu.memory_space<vmem>>, vector<16xf32>,
        tpu.vector_store %arg18[%swap3A_531, %swap3A_532], %add3A_530 {strides = array<i32>} : memref<64x256xf32, #tpu.memory_space<vmem>>, vector<16xf32>,
        %get3A_534 = arith.index_cast %add3A_383 : i32 to index
        %get3A_535 = arith.constant 128 : index
        %get3A_536 = tpu.vector_load %arg15[%get3A_534, %get3A_535] {strides = array<i32>} : memref<64x256xf32, #tpu.memory_space<vmem>>, vector<16xf32>,
        %mul3A_537 = arith.mulf %gather3A_386, %get3A_536 : vector<16xf32>
        %get3A_538 = arith.index_cast %add3A_383 : i32 to index
        %get3A_539 = arith.constant 128 : index
        %get3A_540 = tpu.vector_load %arg16[%get3A_538, %get3A_539] {strides = array<i32>} : memref<64x256xf32, #tpu.memory_space<vmem>>, vector<16xf32>,
        %mul3A_541 = arith.mulf %gather3A_392, %get3A_540 : vector<16xf32>
        %add3A_542 = arith.addf %mul3A_537, %mul3A_541 : vector<16xf32>
        %get3A_543 = arith.index_cast %add3A_383 : i32 to index
        %get3A_544 = arith.constant 128 : index
        %get3A_545 = tpu.vector_load %arg17[%get3A_543, %get3A_544] {strides = array<i32>} : memref<64x256xf32, #tpu.memory_space<vmem>>, vector<16xf32>,
        %mul3A_546 = arith.mulf %gather3A_398, %get3A_545 : vector<16xf32>
        %add3A_547 = arith.addf %add3A_542, %mul3A_546 : vector<16xf32>
        %swap3A_548 = arith.index_cast %add3A_383 : i32 to index
        %swap3A_549 = arith.constant 128 : index
        %swap3A_550 = tpu.vector_load %arg18[%swap3A_548, %swap3A_549] {strides = array<i32>} : memref<64x256xf32, #tpu.memory_space<vmem>>, vector<16xf32>,
        tpu.vector_store %arg18[%swap3A_548, %swap3A_549], %add3A_547 {strides = array<i32>} : memref<64x256xf32, #tpu.memory_space<vmem>>, vector<16xf32>,
        %get3A_551 = arith.index_cast %add3A_383 : i32 to index
        %get3A_552 = arith.constant 144 : index
        %get3A_553 = tpu.vector_load %arg15[%get3A_551, %get3A_552] {strides = array<i32>} : memref<64x256xf32, #tpu.memory_space<vmem>>, vector<16xf32>,
        %mul3A_554 = arith.mulf %gather3A_386, %get3A_553 : vector<16xf32>
        %get3A_555 = arith.index_cast %add3A_383 : i32 to index
        %get3A_556 = arith.constant 144 : index
        %get3A_557 = tpu.vector_load %arg16[%get3A_555, %get3A_556] {strides = array<i32>} : memref<64x256xf32, #tpu.memory_space<vmem>>, vector<16xf32>,
        %mul3A_558 = arith.mulf %gather3A_392, %get3A_557 : vector<16xf32>
        %add3A_559 = arith.addf %mul3A_554, %mul3A_558 : vector<16xf32>
        %get3A_560 = arith.index_cast %add3A_383 : i32 to index
        %get3A_561 = arith.constant 144 : index
        %get3A_562 = tpu.vector_load %arg17[%get3A_560, %get3A_561] {strides = array<i32>} : memref<64x256xf32, #tpu.memory_space<vmem>>, vector<16xf32>,
        %mul3A_563 = arith.mulf %gather3A_398, %get3A_562 : vector<16xf32>
        %add3A_564 = arith.addf %add3A_559, %mul3A_563 : vector<16xf32>
        %swap3A_565 = arith.index_cast %add3A_383 : i32 to index
        %swap3A_566 = arith.constant 144 : index
        %swap3A_567 = tpu.vector_load %arg18[%swap3A_565, %swap3A_566] {strides = array<i32>} : memref<64x256xf32, #tpu.memory_space<vmem>>, vector<16xf32>,
        tpu.vector_store %arg18[%swap3A_565, %swap3A_566], %add3A_564 {strides = array<i32>} : memref<64x256xf32, #tpu.memory_space<vmem>>, vector<16xf32>,
        %get3A_568 = arith.index_cast %add3A_383 : i32 to index
        %get3A_569 = arith.constant 160 : index
        %get3A_570 = tpu.vector_load %arg15[%get3A_568, %get3A_569] {strides = array<i32>} : memref<64x256xf32, #tpu.memory_space<vmem>>, vector<16xf32>,
        %mul3A_571 = arith.mulf %gather3A_386, %get3A_570 : vector<16xf32>
        %get3A_572 = arith.index_cast %add3A_383 : i32 to index
        %get3A_573 = arith.constant 160 : index
        %get3A_574 = tpu.vector_load %arg16[%get3A_572, %get3A_573] {strides = array<i32>} : memref<64x256xf32, #tpu.memory_space<vmem>>, vector<16xf32>,
        %mul3A_575 = arith.mulf %gather3A_392, %get3A_574 : vector<16xf32>
        %add3A_576 = arith.addf %mul3A_571, %mul3A_575 : vector<16xf32>
        %get3A_577 = arith.index_cast %add3A_383 : i32 to index
        %get3A_578 = arith.constant 160 : index
        %get3A_579 = tpu.vector_load %arg17[%get3A_577, %get3A_578] {strides = array<i32>} : memref<64x256xf32, #tpu.memory_space<vmem>>, vector<16xf32>,
        %mul3A_580 = arith.mulf %gather3A_398, %get3A_579 : vector<16xf32>
        %add3A_581 = arith.addf %add3A_576, %mul3A_580 : vector<16xf32>
        %swap3A_582 = arith.index_cast %add3A_383 : i32 to index
        %swap3A_583 = arith.constant 160 : index
        %swap3A_584 = tpu.vector_load %arg18[%swap3A_582, %swap3A_583] {strides = array<i32>} : memref<64x256xf32, #tpu.memory_space<vmem>>, vector<16xf32>,
        tpu.vector_store %arg18[%swap3A_582, %swap3A_583], %add3A_581 {strides = array<i32>} : memref<64x256xf32, #tpu.memory_space<vmem>>, vector<16xf32>,
        %get3A_585 = arith.index_cast %add3A_383 : i32 to index
        %get3A_586 = arith.constant 176 : index
        %get3A_587 = tpu.vector_load %arg15[%get3A_585, %get3A_586] {strides = array<i32>} : memref<64x256xf32, #tpu.memory_space<vmem>>, vector<16xf32>,
        %mul3A_588 = arith.mulf %gather3A_386, %get3A_587 : vector<16xf32>
        %get3A_589 = arith.index_cast %add3A_383 : i32 to index
        %get3A_590 = arith.constant 176 : index
        %get3A_591 = tpu.vector_load %arg16[%get3A_589, %get3A_590] {strides = array<i32>} : memref<64x256xf32, #tpu.memory_space<vmem>>, vector<16xf32>,
        %mul3A_592 = arith.mulf %gather3A_392, %get3A_591 : vector<16xf32>
        %add3A_593 = arith.addf %mul3A_588, %mul3A_592 : vector<16xf32>
        %get3A_594 = arith.index_cast %add3A_383 : i32 to index
        %get3A_595 = arith.constant 176 : index
        %get3A_596 = tpu.vector_load %arg17[%get3A_594, %get3A_595] {strides = array<i32>} : memref<64x256xf32, #tpu.memory_space<vmem>>, vector<16xf32>,
        %mul3A_597 = arith.mulf %gather3A_398, %get3A_596 : vector<16xf32>
        %add3A_598 = arith.addf %add3A_593, %mul3A_597 : vector<16xf32>
        %swap3A_599 = arith.index_cast %add3A_383 : i32 to index
        %swap3A_600 = arith.constant 176 : index
        %swap3A_601 = tpu.vector_load %arg18[%swap3A_599, %swap3A_600] {strides = array<i32>} : memref<64x256xf32, #tpu.memory_space<vmem>>, vector<16xf32>,
        tpu.vector_store %arg18[%swap3A_599, %swap3A_600], %add3A_598 {strides = array<i32>} : memref<64x256xf32, #tpu.memory_space<vmem>>, vector<16xf32>,
        %get3A_602 = arith.index_cast %add3A_383 : i32 to index
        %get3A_603 = arith.constant 192 : index
        %get3A_604 = tpu.vector_load %arg15[%get3A_602, %get3A_603] {strides = array<i32>} : memref<64x256xf32, #tpu.memory_space<vmem>>, vector<16xf32>,
        %mul3A_605 = arith.mulf %gather3A_386, %get3A_604 : vector<16xf32>
        %get3A_606 = arith.index_cast %add3A_383 : i32 to index
        %get3A_607 = arith.constant 192 : index
        %get3A_608 = tpu.vector_load %arg16[%get3A_606, %get3A_607] {strides = array<i32>} : memref<64x256xf32, #tpu.memory_space<vmem>>, vector<16xf32>,
        %mul3A_609 = arith.mulf %gather3A_392, %get3A_608 : vector<16xf32>
        %add3A_610 = arith.addf %mul3A_605, %mul3A_609 : vector<16xf32>
        %get3A_611 = arith.index_cast %add3A_383 : i32 to index
        %get3A_612 = arith.constant 192 : index
        %get3A_613 = tpu.vector_load %arg17[%get3A_611, %get3A_612] {strides = array<i32>} : memref<64x256xf32, #tpu.memory_space<vmem>>, vector<16xf32>,
        %mul3A_614 = arith.mulf %gather3A_398, %get3A_613 : vector<16xf32>
        %add3A_615 = arith.addf %add3A_610, %mul3A_614 : vector<16xf32>
        %swap3A_616 = arith.index_cast %add3A_383 : i32 to index
        %swap3A_617 = arith.constant 192 : index
        %swap3A_618 = tpu.vector_load %arg18[%swap3A_616, %swap3A_617] {strides = array<i32>} : memref<64x256xf32, #tpu.memory_space<vmem>>, vector<16xf32>,
        tpu.vector_store %arg18[%swap3A_616, %swap3A_617], %add3A_615 {strides = array<i32>} : memref<64x256xf32, #tpu.memory_space<vmem>>, vector<16xf32>,
        %get3A_619 = arith.index_cast %add3A_383 : i32 to index
        %get3A_620 = arith.constant 208 : index
        %get3A_621 = tpu.vector_load %arg15[%get3A_619, %get3A_620] {strides = array<i32>} : memref<64x256xf32, #tpu.memory_space<vmem>>, vector<16xf32>,
        %mul3A_622 = arith.mulf %gather3A_386, %get3A_621 : vector<16xf32>
        %get3A_623 = arith.index_cast %add3A_383 : i32 to index
        %get3A_624 = arith.constant 208 : index
        %get3A_625 = tpu.vector_load %arg16[%get3A_623, %get3A_624] {strides = array<i32>} : memref<64x256xf32, #tpu.memory_space<vmem>>, vector<16xf32>,
        %mul3A_626 = arith.mulf %gather3A_392, %get3A_625 : vector<16xf32>
        %add3A_627 = arith.addf %mul3A_622, %mul3A_626 : vector<16xf32>
        %get3A_628 = arith.index_cast %add3A_383 : i32 to index
        %get3A_629 = arith.constant 208 : index
        %get3A_630 = tpu.vector_load %arg17[%get3A_628, %get3A_629] {strides = array<i32>} : memref<64x256xf32, #tpu.memory_space<vmem>>, vector<16xf32>,
        %mul3A_631 = arith.mulf %gather3A_398, %get3A_630 : vector<16xf32>
        %add3A_632 = arith.addf %add3A_627, %mul3A_631 : vector<16xf32>
        %swap3A_633 = arith.index_cast %add3A_383 : i32 to index
        %swap3A_634 = arith.constant 208 : index
        %swap3A_635 = tpu.vector_load %arg18[%swap3A_633, %swap3A_634] {strides = array<i32>} : memref<64x256xf32, #tpu.memory_space<vmem>>, vector<16xf32>,
        tpu.vector_store %arg18[%swap3A_633, %swap3A_634], %add3A_632 {strides = array<i32>} : memref<64x256xf32, #tpu.memory_space<vmem>>, vector<16xf32>,
        %get3A_636 = arith.index_cast %add3A_383 : i32 to index
        %get3A_637 = arith.constant 224 : index
        %get3A_638 = tpu.vector_load %arg15[%get3A_636, %get3A_637] {strides = array<i32>} : memref<64x256xf32, #tpu.memory_space<vmem>>, vector<16xf32>,
        %mul3A_639 = arith.mulf %gather3A_386, %get3A_638 : vector<16xf32>
        %get3A_640 = arith.index_cast %add3A_383 : i32 to index
        %get3A_641 = arith.constant 224 : index
        %get3A_642 = tpu.vector_load %arg16[%get3A_640, %get3A_641] {strides = array<i32>} : memref<64x256xf32, #tpu.memory_space<vmem>>, vector<16xf32>,
        %mul3A_643 = arith.mulf %gather3A_392, %get3A_642 : vector<16xf32>
        %add3A_644 = arith.addf %mul3A_639, %mul3A_643 : vector<16xf32>
        %get3A_645 = arith.index_cast %add3A_383 : i32 to index
        %get3A_646 = arith.constant 224 : index
        %get3A_647 = tpu.vector_load %arg17[%get3A_645, %get3A_646] {strides = array<i32>} : memref<64x256xf32, #tpu.memory_space<vmem>>, vector<16xf32>,
        %mul3A_648 = arith.mulf %gather3A_398, %get3A_647 : vector<16xf32>
        %add3A_649 = arith.addf %add3A_644, %mul3A_648 : vector<16xf32>
        %swap3A_650 = arith.index_cast %add3A_383 : i32 to index
        %swap3A_651 = arith.constant 224 : index
        %swap3A_652 = tpu.vector_load %arg18[%swap3A_650, %swap3A_651] {strides = array<i32>} : memref<64x256xf32, #tpu.memory_space<vmem>>, vector<16xf32>,
        tpu.vector_store %arg18[%swap3A_650, %swap3A_651], %add3A_649 {strides = array<i32>} : memref<64x256xf32, #tpu.memory_space<vmem>>, vector<16xf32>,
        %get3A_653 = arith.index_cast %add3A_383 : i32 to index
        %get3A_654 = arith.constant 240 : index
        %get3A_655 = tpu.vector_load %arg15[%get3A_653, %get3A_654] {strides = array<i32>} : memref<64x256xf32, #tpu.memory_space<vmem>>, vector<16xf32>,
        %mul3A_656 = arith.mulf %gather3A_386, %get3A_655 : vector<16xf32>
        %get3A_657 = arith.index_cast %add3A_383 : i32 to index
        %get3A_658 = arith.constant 240 : index
        %get3A_659 = tpu.vector_load %arg16[%get3A_657, %get3A_658] {strides = array<i32>} : memref<64x256xf32, #tpu.memory_space<vmem>>, vector<16xf32>,
        %mul3A_660 = arith.mulf %gather3A_392, %get3A_659 : vector<16xf32>
        %add3A_661 = arith.addf %mul3A_656, %mul3A_660 : vector<16xf32>
        %get3A_662 = arith.index_cast %add3A_383 : i32 to index
        %get3A_663 = arith.constant 240 : index
        %get3A_664 = tpu.vector_load %arg17[%get3A_662, %get3A_663] {strides = array<i32>} : memref<64x256xf32, #tpu.memory_space<vmem>>, vector<16xf32>,
        %mul3A_665 = arith.mulf %gather3A_398, %get3A_664 : vector<16xf32>
        %add3A_666 = arith.addf %add3A_661, %mul3A_665 : vector<16xf32>
        %swap3A_667 = arith.index_cast %add3A_383 : i32 to index
        %swap3A_668 = arith.constant 240 : index
        %swap3A_669 = tpu.vector_load %arg18[%swap3A_667, %swap3A_668] {strides = array<i32>} : memref<64x256xf32, #tpu.memory_space<vmem>>, vector<16xf32>,
        tpu.vector_store %arg18[%swap3A_667, %swap3A_668], %add3A_666 {strides = array<i32>} : memref<64x256xf32, #tpu.memory_space<vmem>>, vector<16xf32>,
      }
      %scan3A_373 = arith.constant 64 : i32
      %mul3A_374 = arith.constant 1024 : i32
      %mul3A_375 = arith.muli %add3A, %mul3A_374 : i32
      %mul3A_376 = arith.constant 64 : i32
      %mul3A_377 = arith.muli %add3A_359, %mul3A_376 : i32
      %add3A_378 = arith.addi %mul3A_375, %mul3A_377 : i32
      "tpu.region"() ({
        %run_scoped3A = tpu.sem_alloc : memref<!tpu.dma_semaphore, #tpu.memory_space<semaphore_mem>>
        %dma_start3A_379 = arith.constant 0 : i32
        %dma_start3A_380 = tpu.memref_slice %arg5[%add3A_378, %dma_start3A_379] : memref<32768x256xf32, #tpu.memory_space<hbm>> -> memref<64x256xf32, #tpu.memory_space<hbm>>
        %dma_start3A_381 = arith.constant 0 : i32
        %dma_start3A_382 = tpu.memref_slice %arg5[%add3A_378, %dma_start3A_381] : memref<32768x256xf32, #tpu.memory_space<hbm>> -> memref<64x256xf32, #tpu.memory_space<hbm>>
        tpu.enqueue_dma source(%arg18 : memref<64x256xf32, #tpu.memory_space<vmem>>) target(%dma_start3A_382 : memref<64x256xf32, #tpu.memory_space<hbm>>) target_semaphore(%run_scoped3A : memref<!tpu.dma_semaphore, #tpu.memory_space<semaphore_mem>>)
        %dma_wait3A_383 = arith.constant 0 : i32
        %dma_wait3A_384 = tpu.memref_slice %arg5[%add3A_378, %dma_wait3A_383] : memref<32768x256xf32, #tpu.memory_space<hbm>> -> memref<64x256xf32, #tpu.memory_space<hbm>>
        %dma_wait3A_385 = arith.constant 0 : i32
        %dma_wait3A_386 = tpu.memref_slice %arg5[%add3A_378, %dma_wait3A_385] : memref<32768x256xf32, #tpu.memory_space<hbm>> -> memref<64x256xf32, #tpu.memory_space<hbm>>
        tpu.wait_dma2 semaphore(%run_scoped3A : memref<!tpu.dma_semaphore, #tpu.memory_space<semaphore_mem>>) src(%arg18 : memref<64x256xf32, #tpu.memory_space<vmem>>) dst(%dma_wait3A_386 : memref<64x256xf32, #tpu.memory_space<hbm>>)
        tpu.yield
      }) : () -> ()
    }
    %scan3A_162 = arith.constant 8 : i32
    return
  }
}

module attributes {stable_mosaic.version = 14 : i64} {
  func.func @_knn_kernel(%arg0: i32, %arg1: i32, %arg2: memref<1x512x3xf32, #tpu.memory_space<vmem>>, %arg3: memref<1x1024x3xf32, #tpu.memory_space<vmem>>, %arg4: memref<1x512x4xi32, #tpu.memory_space<vmem>>, %arg5: memref<1x512x4xf32, #tpu.memory_space<vmem>>) attributes {dimension_semantics = [#tpu.dimension_semantics<arbitrary>, #tpu.dimension_semantics<arbitrary>], iteration_bounds = array<i64: 8, 8>, scalar_prefetch = 0 : i64, scratch_operands = 0 : i64, tpu.core_type = #tpu.core_type<tc>, window_params = [{transform_indices = @transform_0, window_bounds = array<i64: 1, 512, 3>}, {transform_indices = @transform_1, window_bounds = array<i64: 1, 1024, 3>}, {transform_indices = @transform_2, window_bounds = array<i64: 1, 512, 4>}, {transform_indices = @transform_3, window_bounds = array<i64: 1, 512, 4>}]} {
    %get3A = arith.constant 0 : index
    %get3A_0 = arith.constant 0 : index
    %get3A_1 = arith.constant 0 : index
    %get3A_2 = vector.load %arg2[%get3A, %get3A_0, %get3A_1] : memref<1x512x3xf32, #tpu.memory_space<vmem>>, vector<1x512x3xf32>
    %get3A_3 = vector.shape_cast %get3A_2 : vector<1x512x3xf32> to vector<512x3xf32>
    %get3A_4 = arith.constant 0 : index
    %get3A_5 = arith.constant 0 : index
    %get3A_6 = arith.constant 0 : index
    %get3A_7 = vector.load %arg3[%get3A_4, %get3A_5, %get3A_6] : memref<1x1024x3xf32, #tpu.memory_space<vmem>>, vector<1x1024x3xf32>
    %get3A_8 = vector.shape_cast %get3A_7 : vector<1x1024x3xf32> to vector<1024x3xf32>
    %broadcast_in_dim3A = arith.constant 0.000000e+00 : f32
    %broadcast_in_dim3A_9 = vector.broadcast %broadcast_in_dim3A : f32 to vector<512x1024xf32>
    %slice3A = vector.extract_strided_slice %get3A_3 {offsets = [0, 0], sizes = [512, 1], strides = [1, 1]} : vector<512x3xf32> to vector<512x1xf32>
    %squeeze3A = vector.shape_cast %slice3A : vector<512x1xf32> to vector<512xf32>
    %broadcast_in_dim3A_10 = vector.shape_cast %squeeze3A : vector<512xf32> to vector<512x1xf32>
    %slice3A_11 = vector.extract_strided_slice %get3A_8 {offsets = [0, 0], sizes = [1024, 1], strides = [1, 1]} : vector<1024x3xf32> to vector<1024x1xf32>
    %squeeze3A_12 = vector.shape_cast %slice3A_11 : vector<1024x1xf32> to vector<1024xf32>
    %broadcast_in_dim3A_13 = vector.shape_cast %squeeze3A_12 : vector<1024xf32> to vector<1x1024xf32>
    %sub3A = vector.broadcast %broadcast_in_dim3A_10 : vector<512x1xf32> to vector<512x1024xf32>
    %sub3A_14 = vector.broadcast %broadcast_in_dim3A_13 : vector<1x1024xf32> to vector<512x1024xf32>
    %sub3A_15 = arith.subf %sub3A, %sub3A_14 : vector<512x1024xf32>
    %mul3A = arith.mulf %sub3A_15, %sub3A_15 : vector<512x1024xf32>
    %add3A = arith.addf %broadcast_in_dim3A_9, %mul3A : vector<512x1024xf32>
    %slice3A_16 = vector.extract_strided_slice %get3A_3 {offsets = [0, 1], sizes = [512, 1], strides = [1, 1]} : vector<512x3xf32> to vector<512x1xf32>
    %squeeze3A_17 = vector.shape_cast %slice3A_16 : vector<512x1xf32> to vector<512xf32>
    %broadcast_in_dim3A_18 = vector.shape_cast %squeeze3A_17 : vector<512xf32> to vector<512x1xf32>
    %slice3A_19 = vector.extract_strided_slice %get3A_8 {offsets = [0, 1], sizes = [1024, 1], strides = [1, 1]} : vector<1024x3xf32> to vector<1024x1xf32>
    %squeeze3A_20 = vector.shape_cast %slice3A_19 : vector<1024x1xf32> to vector<1024xf32>
    %broadcast_in_dim3A_21 = vector.shape_cast %squeeze3A_20 : vector<1024xf32> to vector<1x1024xf32>
    %sub3A_22 = vector.broadcast %broadcast_in_dim3A_18 : vector<512x1xf32> to vector<512x1024xf32>
    %sub3A_23 = vector.broadcast %broadcast_in_dim3A_21 : vector<1x1024xf32> to vector<512x1024xf32>
    %sub3A_24 = arith.subf %sub3A_22, %sub3A_23 : vector<512x1024xf32>
    %mul3A_25 = arith.mulf %sub3A_24, %sub3A_24 : vector<512x1024xf32>
    %add3A_26 = arith.addf %add3A, %mul3A_25 : vector<512x1024xf32>
    %slice3A_27 = vector.extract_strided_slice %get3A_3 {offsets = [0, 2], sizes = [512, 1], strides = [1, 1]} : vector<512x3xf32> to vector<512x1xf32>
    %squeeze3A_28 = vector.shape_cast %slice3A_27 : vector<512x1xf32> to vector<512xf32>
    %broadcast_in_dim3A_29 = vector.shape_cast %squeeze3A_28 : vector<512xf32> to vector<512x1xf32>
    %slice3A_30 = vector.extract_strided_slice %get3A_8 {offsets = [0, 2], sizes = [1024, 1], strides = [1, 1]} : vector<1024x3xf32> to vector<1024x1xf32>
    %squeeze3A_31 = vector.shape_cast %slice3A_30 : vector<1024x1xf32> to vector<1024xf32>
    %broadcast_in_dim3A_32 = vector.shape_cast %squeeze3A_31 : vector<1024xf32> to vector<1x1024xf32>
    %sub3A_33 = vector.broadcast %broadcast_in_dim3A_29 : vector<512x1xf32> to vector<512x1024xf32>
    %sub3A_34 = vector.broadcast %broadcast_in_dim3A_32 : vector<1x1024xf32> to vector<512x1024xf32>
    %sub3A_35 = arith.subf %sub3A_33, %sub3A_34 : vector<512x1024xf32>
    %mul3A_36 = arith.mulf %sub3A_35, %sub3A_35 : vector<512x1024xf32>
    %add3A_37 = arith.addf %add3A_26, %mul3A_36 : vector<512x1024xf32>
    %iota3A = tpu.iota {dimensions = array<i32: 1>} : vector<512x1024xi32>
    %bitcast_convert_type3A = tpu.bitcast %add3A_37 : vector<512x1024xf32> -> vector<512x1024xi32>
    %and3A = arith.constant -1024 : i32
    %and3A_38 = vector.broadcast %and3A : i32 to vector<512x1024xi32>
    %and3A_39 = arith.andi %bitcast_convert_type3A, %and3A_38 : vector<512x1024xi32>
    %or3A = arith.ori %and3A_39, %iota3A : vector<512x1024xi32>
    %bitcast_convert_type3A_40 = tpu.bitcast %or3A : vector<512x1024xi32> -> vector<512x1024xf32>
    %broadcast_in_dim3A_41 = arith.constant 3.000000e+38 : f32
    %broadcast_in_dim3A_42 = vector.broadcast %broadcast_in_dim3A_41 : f32 to vector<512x128xf32>
    %slice3A_43 = vector.extract_strided_slice %bitcast_convert_type3A_40 {offsets = [0, 0], sizes = [512, 128], strides = [1, 1]} : vector<512x1024xf32> to vector<512x128xf32>
    %max3A = arith.maximumf %broadcast_in_dim3A_42, %slice3A_43 : vector<512x128xf32>
    %min3A = arith.minimumf %broadcast_in_dim3A_42, %slice3A_43 : vector<512x128xf32>
    %max3A_44 = arith.maximumf %broadcast_in_dim3A_42, %max3A : vector<512x128xf32>
    %min3A_45 = arith.minimumf %broadcast_in_dim3A_42, %max3A : vector<512x128xf32>
    %min3A_46 = arith.minimumf %broadcast_in_dim3A_42, %max3A_44 : vector<512x128xf32>
    %slice3A_47 = vector.extract_strided_slice %bitcast_convert_type3A_40 {offsets = [0, 128], sizes = [512, 128], strides = [1, 1]} : vector<512x1024xf32> to vector<512x128xf32>
    %max3A_48 = arith.maximumf %min3A, %slice3A_47 : vector<512x128xf32>
    %min3A_49 = arith.minimumf %min3A, %slice3A_47 : vector<512x128xf32>
    %max3A_50 = arith.maximumf %min3A_45, %max3A_48 : vector<512x128xf32>
    %min3A_51 = arith.minimumf %min3A_45, %max3A_48 : vector<512x128xf32>
    %min3A_52 = arith.minimumf %min3A_46, %max3A_50 : vector<512x128xf32>
    %slice3A_53 = vector.extract_strided_slice %bitcast_convert_type3A_40 {offsets = [0, 256], sizes = [512, 128], strides = [1, 1]} : vector<512x1024xf32> to vector<512x128xf32>
    %max3A_54 = arith.maximumf %min3A_49, %slice3A_53 : vector<512x128xf32>
    %min3A_55 = arith.minimumf %min3A_49, %slice3A_53 : vector<512x128xf32>
    %max3A_56 = arith.maximumf %min3A_51, %max3A_54 : vector<512x128xf32>
    %min3A_57 = arith.minimumf %min3A_51, %max3A_54 : vector<512x128xf32>
    %min3A_58 = arith.minimumf %min3A_52, %max3A_56 : vector<512x128xf32>
    %slice3A_59 = vector.extract_strided_slice %bitcast_convert_type3A_40 {offsets = [0, 384], sizes = [512, 128], strides = [1, 1]} : vector<512x1024xf32> to vector<512x128xf32>
    %max3A_60 = arith.maximumf %min3A_55, %slice3A_59 : vector<512x128xf32>
    %min3A_61 = arith.minimumf %min3A_55, %slice3A_59 : vector<512x128xf32>
    %max3A_62 = arith.maximumf %min3A_57, %max3A_60 : vector<512x128xf32>
    %min3A_63 = arith.minimumf %min3A_57, %max3A_60 : vector<512x128xf32>
    %min3A_64 = arith.minimumf %min3A_58, %max3A_62 : vector<512x128xf32>
    %slice3A_65 = vector.extract_strided_slice %bitcast_convert_type3A_40 {offsets = [0, 512], sizes = [512, 128], strides = [1, 1]} : vector<512x1024xf32> to vector<512x128xf32>
    %max3A_66 = arith.maximumf %min3A_61, %slice3A_65 : vector<512x128xf32>
    %min3A_67 = arith.minimumf %min3A_61, %slice3A_65 : vector<512x128xf32>
    %max3A_68 = arith.maximumf %min3A_63, %max3A_66 : vector<512x128xf32>
    %min3A_69 = arith.minimumf %min3A_63, %max3A_66 : vector<512x128xf32>
    %min3A_70 = arith.minimumf %min3A_64, %max3A_68 : vector<512x128xf32>
    %slice3A_71 = vector.extract_strided_slice %bitcast_convert_type3A_40 {offsets = [0, 640], sizes = [512, 128], strides = [1, 1]} : vector<512x1024xf32> to vector<512x128xf32>
    %max3A_72 = arith.maximumf %min3A_67, %slice3A_71 : vector<512x128xf32>
    %min3A_73 = arith.minimumf %min3A_67, %slice3A_71 : vector<512x128xf32>
    %max3A_74 = arith.maximumf %min3A_69, %max3A_72 : vector<512x128xf32>
    %min3A_75 = arith.minimumf %min3A_69, %max3A_72 : vector<512x128xf32>
    %min3A_76 = arith.minimumf %min3A_70, %max3A_74 : vector<512x128xf32>
    %slice3A_77 = vector.extract_strided_slice %bitcast_convert_type3A_40 {offsets = [0, 768], sizes = [512, 128], strides = [1, 1]} : vector<512x1024xf32> to vector<512x128xf32>
    %max3A_78 = arith.maximumf %min3A_73, %slice3A_77 : vector<512x128xf32>
    %min3A_79 = arith.minimumf %min3A_73, %slice3A_77 : vector<512x128xf32>
    %max3A_80 = arith.maximumf %min3A_75, %max3A_78 : vector<512x128xf32>
    %min3A_81 = arith.minimumf %min3A_75, %max3A_78 : vector<512x128xf32>
    %min3A_82 = arith.minimumf %min3A_76, %max3A_80 : vector<512x128xf32>
    %slice3A_83 = vector.extract_strided_slice %bitcast_convert_type3A_40 {offsets = [0, 896], sizes = [512, 128], strides = [1, 1]} : vector<512x1024xf32> to vector<512x128xf32>
    %max3A_84 = arith.maximumf %min3A_79, %slice3A_83 : vector<512x128xf32>
    %min3A_85 = arith.minimumf %min3A_79, %slice3A_83 : vector<512x128xf32>
    %max3A_86 = arith.maximumf %min3A_81, %max3A_84 : vector<512x128xf32>
    %min3A_87 = arith.minimumf %min3A_81, %max3A_84 : vector<512x128xf32>
    %min3A_88 = arith.minimumf %min3A_82, %max3A_86 : vector<512x128xf32>
    %reduce_min3A = arith.constant dense<0x7F800000> : vector<512xf32>
    %reduce_min3A_89 = vector.multi_reduction <minimumf>, %min3A_85, %reduce_min3A [1] : vector<512x128xf32> to vector<512xf32>
    %broadcast_in_dim3A_90 = vector.shape_cast %reduce_min3A_89 : vector<512xf32> to vector<512x1xf32>
    %eq3A = vector.broadcast %broadcast_in_dim3A_90 : vector<512x1xf32> to vector<512x128xf32>
    %eq3A_91 = arith.cmpf oeq, %min3A_85, %eq3A : vector<512x128xf32>
    %select_n3A = arith.select %eq3A_91, %min3A_87, %min3A_85 : vector<512x128xi1>, vector<512x128xf32>
    %select_n3A_92 = arith.select %eq3A_91, %min3A_88, %min3A_87 : vector<512x128xi1>, vector<512x128xf32>
    %reduce_min3A_93 = arith.constant dense<0x7F800000> : vector<512xf32>
    %reduce_min3A_94 = vector.multi_reduction <minimumf>, %select_n3A, %reduce_min3A_93 [1] : vector<512x128xf32> to vector<512xf32>
    %broadcast_in_dim3A_95 = vector.shape_cast %reduce_min3A_94 : vector<512xf32> to vector<512x1xf32>
    %eq3A_96 = vector.broadcast %broadcast_in_dim3A_95 : vector<512x1xf32> to vector<512x128xf32>
    %eq3A_97 = arith.cmpf oeq, %select_n3A, %eq3A_96 : vector<512x128xf32>
    %select_n3A_98 = arith.select %eq3A_97, %select_n3A_92, %select_n3A : vector<512x128xi1>, vector<512x128xf32>
    %reduce_min3A_99 = arith.constant dense<0x7F800000> : vector<512xf32>
    %reduce_min3A_100 = vector.multi_reduction <minimumf>, %select_n3A_98, %reduce_min3A_99 [1] : vector<512x128xf32> to vector<512xf32>
    %broadcast_in_dim3A_101 = vector.shape_cast %reduce_min3A_100 : vector<512xf32> to vector<512x1xf32>
    %mul3A_102 = arith.constant 1024 : i32
    %mul3A_103 = arith.muli %arg0, %mul3A_102 : i32
    %bitcast_convert_type3A_104 = tpu.bitcast %broadcast_in_dim3A_90 : vector<512x1xf32> -> vector<512x1xi32>
    %and3A_105 = arith.constant -1024 : i32
    %and3A_106 = vector.broadcast %and3A_105 : i32 to vector<512x1xi32>
    %and3A_107 = arith.andi %bitcast_convert_type3A_104, %and3A_106 : vector<512x1xi32>
    %bitcast_convert_type3A_108 = tpu.bitcast %and3A_107 : vector<512x1xi32> -> vector<512x1xf32>
    %add3A_109 = arith.constant 9.99999993E-9 : f32
    %add3A_110 = vector.broadcast %add3A_109 : f32 to vector<512x1xf32>
    %add3A_111 = arith.addf %bitcast_convert_type3A_108, %add3A_110 : vector<512x1xf32>
    %div3A = arith.constant 1.000000e+00 : f32
    %div3A_112 = vector.broadcast %div3A : f32 to vector<512x1xf32>
    %div3A_113 = arith.divf %div3A_112, %add3A_111 : vector<512x1xf32>
    %and3A_114 = arith.constant 1023 : i32
    %and3A_115 = vector.broadcast %and3A_114 : i32 to vector<512x1xi32>
    %and3A_116 = arith.andi %bitcast_convert_type3A_104, %and3A_115 : vector<512x1xi32>
    %add3A_117 = vector.broadcast %mul3A_103 : i32 to vector<512x1xi32>
    %add3A_118 = arith.addi %and3A_116, %add3A_117 : vector<512x1xi32>
    %bitcast_convert_type3A_119 = tpu.bitcast %broadcast_in_dim3A_95 : vector<512x1xf32> -> vector<512x1xi32>
    %and3A_120 = arith.constant -1024 : i32
    %and3A_121 = vector.broadcast %and3A_120 : i32 to vector<512x1xi32>
    %and3A_122 = arith.andi %bitcast_convert_type3A_119, %and3A_121 : vector<512x1xi32>
    %bitcast_convert_type3A_123 = tpu.bitcast %and3A_122 : vector<512x1xi32> -> vector<512x1xf32>
    %add3A_124 = arith.constant 9.99999993E-9 : f32
    %add3A_125 = vector.broadcast %add3A_124 : f32 to vector<512x1xf32>
    %add3A_126 = arith.addf %bitcast_convert_type3A_123, %add3A_125 : vector<512x1xf32>
    %div3A_127 = arith.constant 1.000000e+00 : f32
    %div3A_128 = vector.broadcast %div3A_127 : f32 to vector<512x1xf32>
    %div3A_129 = arith.divf %div3A_128, %add3A_126 : vector<512x1xf32>
    %and3A_130 = arith.constant 1023 : i32
    %and3A_131 = vector.broadcast %and3A_130 : i32 to vector<512x1xi32>
    %and3A_132 = arith.andi %bitcast_convert_type3A_119, %and3A_131 : vector<512x1xi32>
    %add3A_133 = vector.broadcast %mul3A_103 : i32 to vector<512x1xi32>
    %add3A_134 = arith.addi %and3A_132, %add3A_133 : vector<512x1xi32>
    %bitcast_convert_type3A_135 = tpu.bitcast %broadcast_in_dim3A_101 : vector<512x1xf32> -> vector<512x1xi32>
    %and3A_136 = arith.constant -1024 : i32
    %and3A_137 = vector.broadcast %and3A_136 : i32 to vector<512x1xi32>
    %and3A_138 = arith.andi %bitcast_convert_type3A_135, %and3A_137 : vector<512x1xi32>
    %bitcast_convert_type3A_139 = tpu.bitcast %and3A_138 : vector<512x1xi32> -> vector<512x1xf32>
    %add3A_140 = arith.constant 9.99999993E-9 : f32
    %add3A_141 = vector.broadcast %add3A_140 : f32 to vector<512x1xf32>
    %add3A_142 = arith.addf %bitcast_convert_type3A_139, %add3A_141 : vector<512x1xf32>
    %div3A_143 = arith.constant 1.000000e+00 : f32
    %div3A_144 = vector.broadcast %div3A_143 : f32 to vector<512x1xf32>
    %div3A_145 = arith.divf %div3A_144, %add3A_142 : vector<512x1xf32>
    %and3A_146 = arith.constant 1023 : i32
    %and3A_147 = vector.broadcast %and3A_146 : i32 to vector<512x1xi32>
    %and3A_148 = arith.andi %bitcast_convert_type3A_135, %and3A_147 : vector<512x1xi32>
    %add3A_149 = vector.broadcast %mul3A_103 : i32 to vector<512x1xi32>
    %add3A_150 = arith.addi %and3A_148, %add3A_149 : vector<512x1xi32>
    %add3A_151 = arith.addf %div3A_113, %div3A_129 : vector<512x1xf32>
    %add3A_152 = arith.addf %add3A_151, %div3A_145 : vector<512x1xf32>
    %broadcast_in_dim3A_153 = arith.constant 0 : i32
    %broadcast_in_dim3A_154 = vector.broadcast %broadcast_in_dim3A_153 : i32 to vector<512x1xi32>
    %concatenate3A = tpu.concatenate %add3A_118, %add3A_134, %add3A_150, %broadcast_in_dim3A_154 in 1 : vector<512x1xi32>, vector<512x1xi32>, vector<512x1xi32>, vector<512x1xi32> -> vector<512x4xi32>
    %swap3A = arith.constant 0 : index
    %swap3A_155 = arith.constant 0 : index
    %swap3A_156 = arith.constant 0 : index
    %swap3A_157 = vector.load %arg4[%swap3A, %swap3A_155, %swap3A_156] : memref<1x512x4xi32, #tpu.memory_space<vmem>>, vector<1x512x4xi32>
    %swap3A_158 = vector.shape_cast %swap3A_157 : vector<1x512x4xi32> to vector<512x4xi32>
    %swap3A_159 = vector.shape_cast %concatenate3A : vector<512x4xi32> to vector<1x512x4xi32>
    tpu.vector_store %arg4[%swap3A, %swap3A_155, %swap3A_156], %swap3A_159 {strides = array<i32>} : memref<1x512x4xi32, #tpu.memory_space<vmem>>, vector<1x512x4xi32>,
    %div3A_160 = arith.divf %div3A_113, %add3A_152 : vector<512x1xf32>
    %div3A_161 = arith.divf %div3A_129, %add3A_152 : vector<512x1xf32>
    %div3A_162 = arith.divf %div3A_145, %add3A_152 : vector<512x1xf32>
    %broadcast_in_dim3A_163 = arith.constant 0.000000e+00 : f32
    %broadcast_in_dim3A_164 = vector.broadcast %broadcast_in_dim3A_163 : f32 to vector<512x1xf32>
    %concatenate3A_165 = tpu.concatenate %div3A_160, %div3A_161, %div3A_162, %broadcast_in_dim3A_164 in 1 : vector<512x1xf32>, vector<512x1xf32>, vector<512x1xf32>, vector<512x1xf32> -> vector<512x4xf32>
    %swap3A_166 = arith.constant 0 : index
    %swap3A_167 = arith.constant 0 : index
    %swap3A_168 = arith.constant 0 : index
    %swap3A_169 = vector.load %arg5[%swap3A_166, %swap3A_167, %swap3A_168] : memref<1x512x4xf32, #tpu.memory_space<vmem>>, vector<1x512x4xf32>
    %swap3A_170 = vector.shape_cast %swap3A_169 : vector<1x512x4xf32> to vector<512x4xf32>
    %swap3A_171 = vector.shape_cast %concatenate3A_165 : vector<512x4xf32> to vector<1x512x4xf32>
    tpu.vector_store %arg5[%swap3A_166, %swap3A_167, %swap3A_168], %swap3A_171 {strides = array<i32>} : memref<1x512x4xf32, #tpu.memory_space<vmem>>, vector<1x512x4xf32>,
    return
  }
  func.func @transform_0(%arg0: i32, %arg1: i32) -> (i32, i32, i32) {
    %c0_i32 = arith.constant 0 : i32
    %c0_i32_0 = arith.constant 0 : i32
    return %arg0, %arg1, %c0_i32 : i32, i32, i32
  }
  func.func @transform_1(%arg0: i32, %arg1: i32) -> (i32, i32, i32) {
    %c0_i32 = arith.constant 0 : i32
    %c0_i32_0 = arith.constant 0 : i32
    %c0_i32_1 = arith.constant 0 : i32
    return %arg0, %c0_i32, %c0_i32_0 : i32, i32, i32
  }
  func.func @transform_2(%arg0: i32, %arg1: i32) -> (i32, i32, i32) {
    %c0_i32 = arith.constant 0 : i32
    %c0_i32_0 = arith.constant 0 : i32
    return %arg0, %arg1, %c0_i32 : i32, i32, i32
  }
  func.func @transform_3(%arg0: i32, %arg1: i32) -> (i32, i32, i32) {
    %c0_i32 = arith.constant 0 : i32
    %c0_i32_0 = arith.constant 0 : i32
    return %arg0, %arg1, %c0_i32 : i32, i32, i32
  }
}

module attributes {stable_mosaic.version = 14 : i64} {
  func.func @_g_kernel(%arg0: i32, %arg1: memref<1x1024x512xf32, #tpu.memory_space<vmem>>, %arg2: memref<256x512xf32, #tpu.memory_space<vmem>>, %arg3: memref<1x1024x256xf32, #tpu.memory_space<vmem>>) attributes {dimension_semantics = [#tpu.dimension_semantics<arbitrary>], iteration_bounds = array<i64: 8>, scalar_prefetch = 0 : i64, scratch_operands = 0 : i64, tpu.core_type = #tpu.core_type<tc>, window_params = [{transform_indices = @transform_0, window_bounds = array<i64: 1, 1024, 512>}, {pipeline_mode = #tpu.pipeline_mode<synchronous>, transform_indices = @transform_1, window_bounds = array<i64: 256, 512>}, {transform_indices = @transform_2, window_bounds = array<i64: 1, 1024, 256>}]} {
    %get3A = arith.constant 0 : index
    %get3A_0 = arith.constant 0 : index
    %get3A_1 = arith.constant 0 : index
    %get3A_2 = vector.load %arg1[%get3A, %get3A_0, %get3A_1] : memref<1x1024x512xf32, #tpu.memory_space<vmem>>, vector<1x1024x512xf32>
    %get3A_3 = vector.shape_cast %get3A_2 : vector<1x1024x512xf32> to vector<1024x512xf32>
    %get3A_4 = arith.constant 0 : index
    %get3A_5 = arith.constant 0 : index
    %get3A_6 = vector.load %arg2[%get3A_4, %get3A_5] : memref<256x512xf32, #tpu.memory_space<vmem>>, vector<256x512xf32>
    %dot_general3A = arith.constant dense<0.000000e+00> : vector<1024x256xf32>
    %dot_general3A_7 = tpu.matmul %get3A_3, %get3A_6, %dot_general3A {dimension_numbers = #tpu.dot_dimension_numbers<[1], [1], [0], [0], [0, 0, 1, 0], [], []>, transpose_lhs_hint = false} : vector<1024x512xf32>, vector<256x512xf32>, vector<1024x256xf32> -> vector<1024x256xf32>
    %swap3A = arith.constant 0 : index
    %swap3A_8 = arith.constant 0 : index
    %swap3A_9 = arith.constant 0 : index
    %swap3A_10 = vector.load %arg3[%swap3A, %swap3A_8, %swap3A_9] : memref<1x1024x256xf32, #tpu.memory_space<vmem>>, vector<1x1024x256xf32>
    %swap3A_11 = vector.shape_cast %swap3A_10 : vector<1x1024x256xf32> to vector<1024x256xf32>
    %swap3A_12 = vector.shape_cast %dot_general3A_7 : vector<1024x256xf32> to vector<1x1024x256xf32>
    tpu.vector_store %arg3[%swap3A, %swap3A_8, %swap3A_9], %swap3A_12 {strides = array<i32>} : memref<1x1024x256xf32, #tpu.memory_space<vmem>>, vector<1x1024x256xf32>,
    return
  }
  func.func @transform_0(%arg0: i32) -> (i32, i32, i32) {
    %c0_i32 = arith.constant 0 : i32
    %c0_i32_0 = arith.constant 0 : i32
    %c0_i32_1 = arith.constant 0 : i32
    return %arg0, %c0_i32, %c0_i32_0 : i32, i32, i32
  }
  func.func @transform_1(%arg0: i32) -> (i32, i32) {
    %c0_i32 = arith.constant 0 : i32
    %c0_i32_0 = arith.constant 0 : i32
    %c0_i32_1 = arith.constant 0 : i32
    return %c0_i32, %c0_i32_0 : i32, i32
  }
  func.func @transform_2(%arg0: i32) -> (i32, i32, i32) {
    %c0_i32 = arith.constant 0 : i32
    %c0_i32_0 = arith.constant 0 : i32
    %c0_i32_1 = arith.constant 0 : i32
    return %arg0, %c0_i32, %c0_i32_0 : i32, i32, i32
  }
}

module attributes {stable_mosaic.version = 14 : i64} {
  func.func @_combine_kernel(%arg0: i32, %arg1: i32, %arg2: memref<1x2048x256xf32, #tpu.memory_space<vmem>>, %arg3: memref<1x2048x256xf32, #tpu.memory_space<vmem>>, %arg4: memref<256x256xf32, #tpu.memory_space<vmem>>, %arg5: memref<1x2048x256xf32, #tpu.memory_space<vmem>>, %arg6: memref<2x256xf32, #tpu.memory_space<vmem>>) attributes {dimension_semantics = [#tpu.dimension_semantics<arbitrary>, #tpu.dimension_semantics<arbitrary>], iteration_bounds = array<i64: 8, 2>, scalar_prefetch = 0 : i64, scratch_operands = 0 : i64, tpu.core_type = #tpu.core_type<tc>, window_params = [{transform_indices = @transform_0, window_bounds = array<i64: 1, 2048, 256>}, {transform_indices = @transform_1, window_bounds = array<i64: 1, 2048, 256>}, {pipeline_mode = #tpu.pipeline_mode<synchronous>, transform_indices = @transform_2, window_bounds = array<i64: 256, 256>}, {transform_indices = @transform_3, window_bounds = array<i64: 1, 2048, 256>}, {pipeline_mode = #tpu.pipeline_mode<synchronous>, transform_indices = @transform_4, window_bounds = array<i64: 2, 256>}]} {
    %get3A = arith.constant 0 : index
    %get3A_0 = arith.constant 0 : index
    %get3A_1 = arith.constant 0 : index
    %get3A_2 = vector.load %arg2[%get3A, %get3A_0, %get3A_1] : memref<1x2048x256xf32, #tpu.memory_space<vmem>>, vector<1x2048x256xf32>
    %get3A_3 = vector.shape_cast %get3A_2 : vector<1x2048x256xf32> to vector<2048x256xf32>
    %get3A_4 = arith.constant 0 : index
    %get3A_5 = arith.constant 0 : index
    %get3A_6 = arith.constant 0 : index
    %get3A_7 = vector.load %arg3[%get3A_4, %get3A_5, %get3A_6] : memref<1x2048x256xf32, #tpu.memory_space<vmem>>, vector<1x2048x256xf32>
    %get3A_8 = vector.shape_cast %get3A_7 : vector<1x2048x256xf32> to vector<2048x256xf32>
    %get3A_9 = arith.constant 0 : index
    %get3A_10 = arith.constant 0 : index
    %get3A_11 = vector.load %arg4[%get3A_9, %get3A_10] : memref<256x256xf32, #tpu.memory_space<vmem>>, vector<256x256xf32>
    %dot_general3A = arith.constant dense<0.000000e+00> : vector<2048x256xf32>
    %dot_general3A_12 = tpu.matmul %get3A_8, %get3A_11, %dot_general3A {dimension_numbers = #tpu.dot_dimension_numbers<[1], [1], [0], [0], [0, 0, 1, 0], [], []>, transpose_lhs_hint = false} : vector<2048x256xf32>, vector<256x256xf32>, vector<2048x256xf32> -> vector<2048x256xf32>
    %add3A = arith.addf %get3A_3, %dot_general3A_12 : vector<2048x256xf32>
    %swap3A = arith.constant 0 : index
    %swap3A_13 = arith.constant 0 : index
    %swap3A_14 = arith.constant 0 : index
    %swap3A_15 = vector.load %arg5[%swap3A, %swap3A_13, %swap3A_14] : memref<1x2048x256xf32, #tpu.memory_space<vmem>>, vector<1x2048x256xf32>
    %swap3A_16 = vector.shape_cast %swap3A_15 : vector<1x2048x256xf32> to vector<2048x256xf32>
    %swap3A_17 = vector.shape_cast %add3A : vector<2048x256xf32> to vector<1x2048x256xf32>
    tpu.vector_store %arg5[%swap3A, %swap3A_13, %swap3A_14], %swap3A_17 {strides = array<i32>} : memref<1x2048x256xf32, #tpu.memory_space<vmem>>, vector<1x2048x256xf32>,
    %reduce_sum3A = arith.constant dense<0.000000e+00> : vector<256xf32>
    %reduce_sum3A_18 = vector.multi_reduction <add>, %add3A, %reduce_sum3A [0] : vector<2048x256xf32> to vector<256xf32>
    %broadcast_in_dim3A = vector.shape_cast %reduce_sum3A_18 : vector<256xf32> to vector<1x256xf32>
    %mul3A = arith.mulf %add3A, %add3A : vector<2048x256xf32>
    %reduce_sum3A_19 = arith.constant dense<0.000000e+00> : vector<256xf32>
    %reduce_sum3A_20 = vector.multi_reduction <add>, %mul3A, %reduce_sum3A_19 [0] : vector<2048x256xf32> to vector<256xf32>
    %broadcast_in_dim3A_21 = vector.shape_cast %reduce_sum3A_20 : vector<256xf32> to vector<1x256xf32>
    %concatenate3A = tpu.concatenate %broadcast_in_dim3A, %broadcast_in_dim3A_21 in 0 : vector<1x256xf32>, vector<1x256xf32> -> vector<2x256xf32>
    %eq3A = arith.constant 0 : i32
    %eq3A_22 = arith.cmpi eq, %arg0, %eq3A : i32
    %eq3A_23 = arith.constant 0 : i32
    %eq3A_24 = arith.cmpi eq, %arg1, %eq3A_23 : i32
    %and3A = arith.andi %eq3A_22, %eq3A_24 : i1
    %convert_element_type3A = arith.extui %and3A : i1 to i32
    %cond3A = arith.constant 0 : i32
    %cond3A_25 = arith.cmpi ne, %convert_element_type3A, %cond3A : i32
    scf.if %cond3A_25 {
      %swap3A_30 = arith.constant 0 : index
      %swap3A_31 = arith.constant 0 : index
      %swap3A_32 = vector.load %arg6[%swap3A_30, %swap3A_31] : memref<2x256xf32, #tpu.memory_space<vmem>>, vector<2x256xf32>
      tpu.vector_store %arg6[%swap3A_30, %swap3A_31], %concatenate3A {strides = array<i32>} : memref<2x256xf32, #tpu.memory_space<vmem>>, vector<2x256xf32>,
    } else {
    }
    %not3A = arith.constant true
    %not3A_26 = arith.xori %and3A, %not3A : i1
    %convert_element_type3A_27 = arith.extui %not3A_26 : i1 to i32
    %cond3A_28 = arith.constant 0 : i32
    %cond3A_29 = arith.cmpi ne, %convert_element_type3A_27, %cond3A_28 : i32
    scf.if %cond3A_29 {
      %get3A_30 = arith.constant 0 : index
      %get3A_31 = arith.constant 0 : index
      %get3A_32 = vector.load %arg6[%get3A_30, %get3A_31] : memref<2x256xf32, #tpu.memory_space<vmem>>, vector<2x256xf32>
      %add3A_33 = arith.addf %get3A_32, %concatenate3A : vector<2x256xf32>
      %swap3A_34 = arith.constant 0 : index
      %swap3A_35 = arith.constant 0 : index
      %swap3A_36 = vector.load %arg6[%swap3A_34, %swap3A_35] : memref<2x256xf32, #tpu.memory_space<vmem>>, vector<2x256xf32>
      tpu.vector_store %arg6[%swap3A_34, %swap3A_35], %add3A_33 {strides = array<i32>} : memref<2x256xf32, #tpu.memory_space<vmem>>, vector<2x256xf32>,
    } else {
    }
    return
  }
  func.func @transform_0(%arg0: i32, %arg1: i32) -> (i32, i32, i32) {
    %c0_i32 = arith.constant 0 : i32
    %c0_i32_0 = arith.constant 0 : i32
    return %arg0, %arg1, %c0_i32 : i32, i32, i32
  }
  func.func @transform_1(%arg0: i32, %arg1: i32) -> (i32, i32, i32) {
    %c0_i32 = arith.constant 0 : i32
    %c0_i32_0 = arith.constant 0 : i32
    return %arg0, %arg1, %c0_i32 : i32, i32, i32
  }
  func.func @transform_2(%arg0: i32, %arg1: i32) -> (i32, i32) {
    %c0_i32 = arith.constant 0 : i32
    %c0_i32_0 = arith.constant 0 : i32
    %c0_i32_1 = arith.constant 0 : i32
    return %c0_i32, %c0_i32_0 : i32, i32
  }
  func.func @transform_3(%arg0: i32, %arg1: i32) -> (i32, i32, i32) {
    %c0_i32 = arith.constant 0 : i32
    %c0_i32_0 = arith.constant 0 : i32
    return %arg0, %arg1, %c0_i32 : i32, i32, i32
  }
  func.func @transform_4(%arg0: i32, %arg1: i32) -> (i32, i32) {
    %c0_i32 = arith.constant 0 : i32
    %c0_i32_0 = arith.constant 0 : i32
    %c0_i32_1 = arith.constant 0 : i32
    return %c0_i32, %c0_i32_0 : i32, i32
  }
}

module attributes {stable_mosaic.version = 14 : i64} {
  func.func @_layer2_kernel(%arg0: i32, %arg1: i32, %arg2: memref<1x2048x256xf32, #tpu.memory_space<vmem>>, %arg3: memref<2x256xf32, #tpu.memory_space<vmem>>, %arg4: memref<1x256xf32, #tpu.memory_space<vmem>>, %arg5: memref<1x256xf32, #tpu.memory_space<vmem>>, %arg6: memref<256x256xf32, #tpu.memory_space<vmem>>, %arg7: memref<1x2048x256xf32, #tpu.memory_space<vmem>>, %arg8: memref<2x256xf32, #tpu.memory_space<vmem>>) attributes {dimension_semantics = [#tpu.dimension_semantics<arbitrary>, #tpu.dimension_semantics<arbitrary>], iteration_bounds = array<i64: 8, 2>, scalar_prefetch = 0 : i64, scratch_operands = 0 : i64, tpu.core_type = #tpu.core_type<tc>, window_params = [{transform_indices = @transform_0, window_bounds = array<i64: 1, 2048, 256>}, {pipeline_mode = #tpu.pipeline_mode<synchronous>, transform_indices = @transform_1, window_bounds = array<i64: 2, 256>}, {pipeline_mode = #tpu.pipeline_mode<synchronous>, transform_indices = @transform_2, window_bounds = array<i64: 1, 256>}, {pipeline_mode = #tpu.pipeline_mode<synchronous>, transform_indices = @transform_3, window_bounds = array<i64: 1, 256>}, {pipeline_mode = #tpu.pipeline_mode<synchronous>, transform_indices = @transform_4, window_bounds = array<i64: 256, 256>}, {transform_indices = @transform_5, window_bounds = array<i64: 1, 2048, 256>}, {pipeline_mode = #tpu.pipeline_mode<synchronous>, transform_indices = @transform_6, window_bounds = array<i64: 2, 256>}]} {
    %get3A = arith.constant 0 : index
    %get3A_0 = arith.constant 0 : index
    %get3A_1 = vector.load %arg3[%get3A, %get3A_0] : memref<2x256xf32, #tpu.memory_space<vmem>>, vector<1x256xf32>
    %mul3A = arith.constant 3.05175781E-5 : f32
    %mul3A_2 = vector.broadcast %mul3A : f32 to vector<1x256xf32>
    %mul3A_3 = arith.mulf %get3A_1, %mul3A_2 : vector<1x256xf32>
    %get3A_4 = arith.constant 1 : index
    %get3A_5 = arith.constant 0 : index
    %get3A_6 = vector.load %arg3[%get3A_4, %get3A_5] : memref<2x256xf32, #tpu.memory_space<vmem>>, vector<1x256xf32>
    %mul3A_7 = arith.constant 3.05175781E-5 : f32
    %mul3A_8 = vector.broadcast %mul3A_7 : f32 to vector<1x256xf32>
    %mul3A_9 = arith.mulf %get3A_6, %mul3A_8 : vector<1x256xf32>
    %mul3A_10 = arith.mulf %mul3A_3, %mul3A_3 : vector<1x256xf32>
    %sub3A = arith.subf %mul3A_9, %mul3A_10 : vector<1x256xf32>
    %max3A = arith.constant 0.000000e+00 : f32
    %max3A_11 = vector.broadcast %max3A : f32 to vector<1x256xf32>
    %max3A_12 = arith.maximumf %sub3A, %max3A_11 : vector<1x256xf32>
    %get3A_13 = arith.constant 0 : index
    %get3A_14 = arith.constant 0 : index
    %get3A_15 = vector.load %arg4[%get3A_13, %get3A_14] : memref<1x256xf32, #tpu.memory_space<vmem>>, vector<1x256xf32>
    %add3A = arith.constant 9.99999974E-6 : f32
    %add3A_16 = vector.broadcast %add3A : f32 to vector<1x256xf32>
    %add3A_17 = arith.addf %max3A_12, %add3A_16 : vector<1x256xf32>
    %rsqrt3A = math.rsqrt %add3A_17 : vector<1x256xf32>
    %mul3A_18 = arith.mulf %get3A_15, %rsqrt3A : vector<1x256xf32>
    %get3A_19 = arith.constant 0 : index
    %get3A_20 = arith.constant 0 : index
    %get3A_21 = vector.load %arg5[%get3A_19, %get3A_20] : memref<1x256xf32, #tpu.memory_space<vmem>>, vector<1x256xf32>
    %mul3A_22 = arith.mulf %mul3A_3, %mul3A_18 : vector<1x256xf32>
    %sub3A_23 = arith.subf %get3A_21, %mul3A_22 : vector<1x256xf32>
    %get3A_24 = arith.constant 0 : index
    %get3A_25 = arith.constant 0 : index
    %get3A_26 = arith.constant 0 : index
    %get3A_27 = vector.load %arg2[%get3A_24, %get3A_25, %get3A_26] : memref<1x2048x256xf32, #tpu.memory_space<vmem>>, vector<1x2048x256xf32>
    %get3A_28 = vector.shape_cast %get3A_27 : vector<1x2048x256xf32> to vector<2048x256xf32>
    %mul3A_29 = vector.broadcast %mul3A_18 : vector<1x256xf32> to vector<2048x256xf32>
    %mul3A_30 = arith.mulf %get3A_28, %mul3A_29 : vector<2048x256xf32>
    %add3A_31 = vector.broadcast %sub3A_23 : vector<1x256xf32> to vector<2048x256xf32>
    %add3A_32 = arith.addf %mul3A_30, %add3A_31 : vector<2048x256xf32>
    %max3A_33 = arith.constant 0.000000e+00 : f32
    %max3A_34 = vector.broadcast %max3A_33 : f32 to vector<2048x256xf32>
    %max3A_35 = arith.maximumf %add3A_32, %max3A_34 : vector<2048x256xf32>
    %get3A_36 = arith.constant 0 : index
    %get3A_37 = arith.constant 0 : index
    %get3A_38 = vector.load %arg6[%get3A_36, %get3A_37] : memref<256x256xf32, #tpu.memory_space<vmem>>, vector<256x256xf32>
    %dot_general3A = arith.constant dense<0.000000e+00> : vector<2048x256xf32>
    %dot_general3A_39 = tpu.matmul %max3A_35, %get3A_38, %dot_general3A {dimension_numbers = #tpu.dot_dimension_numbers<[1], [1], [0], [0], [0, 0, 1, 0], [], []>, transpose_lhs_hint = false} : vector<2048x256xf32>, vector<256x256xf32>, vector<2048x256xf32> -> vector<2048x256xf32>
    %swap3A = arith.constant 0 : index
    %swap3A_40 = arith.constant 0 : index
    %swap3A_41 = arith.constant 0 : index
    %swap3A_42 = vector.load %arg7[%swap3A, %swap3A_40, %swap3A_41] : memref<1x2048x256xf32, #tpu.memory_space<vmem>>, vector<1x2048x256xf32>
    %swap3A_43 = vector.shape_cast %swap3A_42 : vector<1x2048x256xf32> to vector<2048x256xf32>
    %swap3A_44 = vector.shape_cast %dot_general3A_39 : vector<2048x256xf32> to vector<1x2048x256xf32>
    tpu.vector_store %arg7[%swap3A, %swap3A_40, %swap3A_41], %swap3A_44 {strides = array<i32>} : memref<1x2048x256xf32, #tpu.memory_space<vmem>>, vector<1x2048x256xf32>,
    %reduce_sum3A = arith.constant dense<0.000000e+00> : vector<256xf32>
    %reduce_sum3A_45 = vector.multi_reduction <add>, %dot_general3A_39, %reduce_sum3A [0] : vector<2048x256xf32> to vector<256xf32>
    %broadcast_in_dim3A = vector.shape_cast %reduce_sum3A_45 : vector<256xf32> to vector<1x256xf32>
    %mul3A_46 = arith.mulf %dot_general3A_39, %dot_general3A_39 : vector<2048x256xf32>
    %reduce_sum3A_47 = arith.constant dense<0.000000e+00> : vector<256xf32>
    %reduce_sum3A_48 = vector.multi_reduction <add>, %mul3A_46, %reduce_sum3A_47 [0] : vector<2048x256xf32> to vector<256xf32>
    %broadcast_in_dim3A_49 = vector.shape_cast %reduce_sum3A_48 : vector<256xf32> to vector<1x256xf32>
    %concatenate3A = tpu.concatenate %broadcast_in_dim3A, %broadcast_in_dim3A_49 in 0 : vector<1x256xf32>, vector<1x256xf32> -> vector<2x256xf32>
    %eq3A = arith.constant 0 : i32
    %eq3A_50 = arith.cmpi eq, %arg0, %eq3A : i32
    %eq3A_51 = arith.constant 0 : i32
    %eq3A_52 = arith.cmpi eq, %arg1, %eq3A_51 : i32
    %and3A = arith.andi %eq3A_50, %eq3A_52 : i1
    %convert_element_type3A = arith.extui %and3A : i1 to i32
    %cond3A = arith.constant 0 : i32
    %cond3A_53 = arith.cmpi ne, %convert_element_type3A, %cond3A : i32
    scf.if %cond3A_53 {
      %swap3A_58 = arith.constant 0 : index
      %swap3A_59 = arith.constant 0 : index
      %swap3A_60 = vector.load %arg8[%swap3A_58, %swap3A_59] : memref<2x256xf32, #tpu.memory_space<vmem>>, vector<2x256xf32>
      tpu.vector_store %arg8[%swap3A_58, %swap3A_59], %concatenate3A {strides = array<i32>} : memref<2x256xf32, #tpu.memory_space<vmem>>, vector<2x256xf32>,
    } else {
    }
    %not3A = arith.constant true
    %not3A_54 = arith.xori %and3A, %not3A : i1
    %convert_element_type3A_55 = arith.extui %not3A_54 : i1 to i32
    %cond3A_56 = arith.constant 0 : i32
    %cond3A_57 = arith.cmpi ne, %convert_element_type3A_55, %cond3A_56 : i32
    scf.if %cond3A_57 {
      %get3A_58 = arith.constant 0 : index
      %get3A_59 = arith.constant 0 : index
      %get3A_60 = vector.load %arg8[%get3A_58, %get3A_59] : memref<2x256xf32, #tpu.memory_space<vmem>>, vector<2x256xf32>
      %add3A_61 = arith.addf %get3A_60, %concatenate3A : vector<2x256xf32>
      %swap3A_62 = arith.constant 0 : index
      %swap3A_63 = arith.constant 0 : index
      %swap3A_64 = vector.load %arg8[%swap3A_62, %swap3A_63] : memref<2x256xf32, #tpu.memory_space<vmem>>, vector<2x256xf32>
      tpu.vector_store %arg8[%swap3A_62, %swap3A_63], %add3A_61 {strides = array<i32>} : memref<2x256xf32, #tpu.memory_space<vmem>>, vector<2x256xf32>,
    } else {
    }
    return
  }
  func.func @transform_0(%arg0: i32, %arg1: i32) -> (i32, i32, i32) {
    %c0_i32 = arith.constant 0 : i32
    %c0_i32_0 = arith.constant 0 : i32
    return %arg0, %arg1, %c0_i32 : i32, i32, i32
  }
  func.func @transform_1(%arg0: i32, %arg1: i32) -> (i32, i32) {
    %c0_i32 = arith.constant 0 : i32
    %c0_i32_0 = arith.constant 0 : i32
    %c0_i32_1 = arith.constant 0 : i32
    return %c0_i32, %c0_i32_0 : i32, i32
  }
  func.func @transform_2(%arg0: i32, %arg1: i32) -> (i32, i32) {
    %c0_i32 = arith.constant 0 : i32
    %c0_i32_0 = arith.constant 0 : i32
    %c0_i32_1 = arith.constant 0 : i32
    return %c0_i32, %c0_i32_0 : i32, i32
  }
  func.func @transform_3(%arg0: i32, %arg1: i32) -> (i32, i32) {
    %c0_i32 = arith.constant 0 : i32
    %c0_i32_0 = arith.constant 0 : i32
    %c0_i32_1 = arith.constant 0 : i32
    return %c0_i32, %c0_i32_0 : i32, i32
  }
  func.func @transform_4(%arg0: i32, %arg1: i32) -> (i32, i32) {
    %c0_i32 = arith.constant 0 : i32
    %c0_i32_0 = arith.constant 0 : i32
    %c0_i32_1 = arith.constant 0 : i32
    return %c0_i32, %c0_i32_0 : i32, i32
  }
  func.func @transform_5(%arg0: i32, %arg1: i32) -> (i32, i32, i32) {
    %c0_i32 = arith.constant 0 : i32
    %c0_i32_0 = arith.constant 0 : i32
    return %arg0, %arg1, %c0_i32 : i32, i32, i32
  }
  func.func @transform_6(%arg0: i32, %arg1: i32) -> (i32, i32) {
    %c0_i32 = arith.constant 0 : i32
    %c0_i32_0 = arith.constant 0 : i32
    %c0_i32_1 = arith.constant 0 : i32
    return %c0_i32, %c0_i32_0 : i32, i32
  }
}

module attributes {stable_mosaic.version = 14 : i64} {
  func.func @_final_kernel(%arg0: i32, %arg1: i32, %arg2: memref<1x2048x256xf32, #tpu.memory_space<vmem>>, %arg3: memref<2x256xf32, #tpu.memory_space<vmem>>, %arg4: memref<1x256xf32, #tpu.memory_space<vmem>>, %arg5: memref<1x256xf32, #tpu.memory_space<vmem>>, %arg6: memref<1x2048x256xf32, #tpu.memory_space<vmem>>) attributes {dimension_semantics = [#tpu.dimension_semantics<arbitrary>, #tpu.dimension_semantics<arbitrary>], iteration_bounds = array<i64: 8, 2>, scalar_prefetch = 0 : i64, scratch_operands = 0 : i64, tpu.core_type = #tpu.core_type<tc>, window_params = [{transform_indices = @transform_0, window_bounds = array<i64: 1, 2048, 256>}, {pipeline_mode = #tpu.pipeline_mode<synchronous>, transform_indices = @transform_1, window_bounds = array<i64: 2, 256>}, {pipeline_mode = #tpu.pipeline_mode<synchronous>, transform_indices = @transform_2, window_bounds = array<i64: 1, 256>}, {pipeline_mode = #tpu.pipeline_mode<synchronous>, transform_indices = @transform_3, window_bounds = array<i64: 1, 256>}, {transform_indices = @transform_4, window_bounds = array<i64: 1, 2048, 256>}]} {
    %get3A = arith.constant 0 : index
    %get3A_0 = arith.constant 0 : index
    %get3A_1 = vector.load %arg3[%get3A, %get3A_0] : memref<2x256xf32, #tpu.memory_space<vmem>>, vector<1x256xf32>
    %mul3A = arith.constant 3.05175781E-5 : f32
    %mul3A_2 = vector.broadcast %mul3A : f32 to vector<1x256xf32>
    %mul3A_3 = arith.mulf %get3A_1, %mul3A_2 : vector<1x256xf32>
    %get3A_4 = arith.constant 1 : index
    %get3A_5 = arith.constant 0 : index
    %get3A_6 = vector.load %arg3[%get3A_4, %get3A_5] : memref<2x256xf32, #tpu.memory_space<vmem>>, vector<1x256xf32>
    %mul3A_7 = arith.constant 3.05175781E-5 : f32
    %mul3A_8 = vector.broadcast %mul3A_7 : f32 to vector<1x256xf32>
    %mul3A_9 = arith.mulf %get3A_6, %mul3A_8 : vector<1x256xf32>
    %mul3A_10 = arith.mulf %mul3A_3, %mul3A_3 : vector<1x256xf32>
    %sub3A = arith.subf %mul3A_9, %mul3A_10 : vector<1x256xf32>
    %max3A = arith.constant 0.000000e+00 : f32
    %max3A_11 = vector.broadcast %max3A : f32 to vector<1x256xf32>
    %max3A_12 = arith.maximumf %sub3A, %max3A_11 : vector<1x256xf32>
    %get3A_13 = arith.constant 0 : index
    %get3A_14 = arith.constant 0 : index
    %get3A_15 = vector.load %arg4[%get3A_13, %get3A_14] : memref<1x256xf32, #tpu.memory_space<vmem>>, vector<1x256xf32>
    %add3A = arith.constant 9.99999974E-6 : f32
    %add3A_16 = vector.broadcast %add3A : f32 to vector<1x256xf32>
    %add3A_17 = arith.addf %max3A_12, %add3A_16 : vector<1x256xf32>
    %rsqrt3A = math.rsqrt %add3A_17 : vector<1x256xf32>
    %mul3A_18 = arith.mulf %get3A_15, %rsqrt3A : vector<1x256xf32>
    %get3A_19 = arith.constant 0 : index
    %get3A_20 = arith.constant 0 : index
    %get3A_21 = vector.load %arg5[%get3A_19, %get3A_20] : memref<1x256xf32, #tpu.memory_space<vmem>>, vector<1x256xf32>
    %mul3A_22 = arith.mulf %mul3A_3, %mul3A_18 : vector<1x256xf32>
    %sub3A_23 = arith.subf %get3A_21, %mul3A_22 : vector<1x256xf32>
    %get3A_24 = arith.constant 0 : index
    %get3A_25 = arith.constant 0 : index
    %get3A_26 = arith.constant 0 : index
    %get3A_27 = vector.load %arg2[%get3A_24, %get3A_25, %get3A_26] : memref<1x2048x256xf32, #tpu.memory_space<vmem>>, vector<1x2048x256xf32>
    %get3A_28 = vector.shape_cast %get3A_27 : vector<1x2048x256xf32> to vector<2048x256xf32>
    %mul3A_29 = vector.broadcast %mul3A_18 : vector<1x256xf32> to vector<2048x256xf32>
    %mul3A_30 = arith.mulf %get3A_28, %mul3A_29 : vector<2048x256xf32>
    %add3A_31 = vector.broadcast %sub3A_23 : vector<1x256xf32> to vector<2048x256xf32>
    %add3A_32 = arith.addf %mul3A_30, %add3A_31 : vector<2048x256xf32>
    %max3A_33 = arith.constant 0.000000e+00 : f32
    %max3A_34 = vector.broadcast %max3A_33 : f32 to vector<2048x256xf32>
    %max3A_35 = arith.maximumf %add3A_32, %max3A_34 : vector<2048x256xf32>
    %swap3A = arith.constant 0 : index
    %swap3A_36 = arith.constant 0 : index
    %swap3A_37 = arith.constant 0 : index
    %swap3A_38 = vector.load %arg6[%swap3A, %swap3A_36, %swap3A_37] : memref<1x2048x256xf32, #tpu.memory_space<vmem>>, vector<1x2048x256xf32>
    %swap3A_39 = vector.shape_cast %swap3A_38 : vector<1x2048x256xf32> to vector<2048x256xf32>
    %swap3A_40 = vector.shape_cast %max3A_35 : vector<2048x256xf32> to vector<1x2048x256xf32>
    tpu.vector_store %arg6[%swap3A, %swap3A_36, %swap3A_37], %swap3A_40 {strides = array<i32>} : memref<1x2048x256xf32, #tpu.memory_space<vmem>>, vector<1x2048x256xf32>,
    return
  }
  func.func @transform_0(%arg0: i32, %arg1: i32) -> (i32, i32, i32) {
    %c0_i32 = arith.constant 0 : i32
    %c0_i32_0 = arith.constant 0 : i32
    return %arg0, %arg1, %c0_i32 : i32, i32, i32
  }
  func.func @transform_1(%arg0: i32, %arg1: i32) -> (i32, i32) {
    %c0_i32 = arith.constant 0 : i32
    %c0_i32_0 = arith.constant 0 : i32
    %c0_i32_1 = arith.constant 0 : i32
    return %c0_i32, %c0_i32_0 : i32, i32
  }
  func.func @transform_2(%arg0: i32, %arg1: i32) -> (i32, i32) {
    %c0_i32 = arith.constant 0 : i32
    %c0_i32_0 = arith.constant 0 : i32
    %c0_i32_1 = arith.constant 0 : i32
    return %c0_i32, %c0_i32_0 : i32, i32
  }
  func.func @transform_3(%arg0: i32, %arg1: i32) -> (i32, i32) {
    %c0_i32 = arith.constant 0 : i32
    %c0_i32_0 = arith.constant 0 : i32
    %c0_i32_1 = arith.constant 0 : i32
    return %c0_i32, %c0_i32_0 : i32, i32
  }
  func.func @transform_4(%arg0: i32, %arg1: i32) -> (i32, i32, i32) {
    %c0_i32 = arith.constant 0 : i32
    %c0_i32_0 = arith.constant 0 : i32
    return %arg0, %arg1, %c0_i32 : i32, i32, i32
  }
}

</mosaic_0001>

<sc_bundles>
// kernel: _run.8.cloned.1.call-start
scs
__scs_entry_jumppad:
0x0: {  	(pc) =	sbr.rel $0x88, $3  }
0x1: {  	(tag) =	ssettag $0x0;
	lr =	simm.s32 $0x1  }
0x2: {  	[smem:$0x3F97] =	sst lr;
	_ =	strace $0xD0000000  }
0x3: {  	_ = 	snop  }
0x4: {  	_ = 	snop  }
0x5: {  	_ = 	snop  }
0x6: {  	_ = 	snop  }
0x7: {  	_ = 	snop  }
__scs_overlays_trampoline_lowered:
0x8: {  	[smem:$0x3FA6] =	sst s0  }
0x9: {  	[smem:$0x3FA7] =	sst s1  }
0xa: {  	[smem:$0x3FA8] =	sst s2  }
0xb: {  	[smem:$0x3FA9] =	sst s3  }
0xc: {  	[smem:$0x3FAA] =	sst s4  }
0xd: {  	[smem:$0x3FAB] =	sst s5  }
0xe: {  	[smem:$0x3FAC] =	sst s6  }
0xf: {  	[smem:$0x3FAD] =	sst s7  }
0x10: {  	[smem:$0x3FAE] =	sst s8  }
0x11: {  	[smem:$0x3FAF] =	sst s9;
	s0 =	simm.s32 @!p0 $0x0  }
0x12: {  	s1 =	sld [smem:$0x3F95];
	s0 =	simm.s32 @p0 $0x1  }
0x13: {  	[smem:$0x3FB0] =	sst s0;
	s0 =	simm.s32 @!p1 $0x0  }
0x14: {  	s2 =	sld [smem:$0x3F94];
	s0 =	simm.s32 @p1 $0x1  }
0x15: {  	[smem:$0x3FB1] =	sst s0;
	s0 =	simm.s32 @!p2 $0x0  }
0x16: {  	s3 =	sld [smem:$0x3FDB];
	s0 =	simm.s32 @p2 $0x1  }
0x17: {  	s4 =	simm.s32 $0x1BF5;
	[smem:$0x3FB3] =	sst s0  }
0x18: {  	s0 =	sld [smem:$0x3F96];
	_ =	swait.ge [sflag:s4], $0x0  }
0x19: {  	s7 =	sld [smem:$0x3F97]  }
0x1a: {  	s8 =	sadd.s32 $0xFFFFE003, lr  }
0x1b: {  	s9 =	sadd.s32 $0xFFFFFEF7, lr;
	s5 =	simm.s32 $0xFFFFFFFF;
	p2 =	slt.u32 s8, $0xFFFFF086  }
0x1c: {  	p1 =	slt.u32 s9, $0xF7A;
	s5 =	simm.s32 @!p2 $0x0  }
0x1d: {  	s5 =	simm.s32 @p1 $0x1;
	p0 =	seq.s32 s7, s2  }
0x1e: {  	s7 =	smul.u32 @!p0 $0xF7A, s2;
	p2 =	seq.s32 @!p0 s5, $0x0  }
0x1f: {  	s9 =	smul.u32 $0xF7A, s1;
	s8 =	simm.s32 @!p0 $0x1BF5;
	p2 =	por !p2, p0  }
0x20: {  	[sflag:s8] =	ssyncset.s32 @!p0 $0xFFFFF086;
	s6 =	sadd.s32 @!p0 s3, s7;
	s7 =	simm.s32 @!p0 $0x108  }
0x21: {  	s3 =	sadd.s32 s3, s9;
	s6 =	sadd.s32 @!p0 $0x88, s6;
	s7 =	simm.s32 @p2 $0x1082  }
0x22: {  	[simem:s7], [sflag:s8] =	dma.local @!p0 [hbm:s6], $0xF7A  }
0x23: {  	s9 =	sor.u32 $0xD0000000, s2;
	s6 =	simm.s32 $0x108;
	_ =	swait.ge @!p0 [sflag:s8], $0x0  }
0x24: {  	s3 =	sadd.s32 $0x88, s3;
	s6 =	simm.s32 @!p1 $0x1082;
	[sflag:s4] =	ssyncset.s32 $0xFFFFF086  }
0x25: {  	[simem:s6], [sflag:s4] =	dma.local [hbm:s3], $0xF7A  }
0x26: {  	[smem:$0x3F97] =	sst s1;
	(tag) =	ssettag s2;
	_ =	strace s9  }
0x27: {  	s1 =	sld [smem:$0x3FA7]  }
0x28: {  	s2 =	sld [smem:$0x3FA8]  }
0x29: {  	s4 =	sld [smem:$0x3FAA]  }
0x2a: {  	p0 =	seq.s32 s5, $0x0;
	s5 =	sld [smem:$0x3FAB]  }
0x2b: {  	s6 =	sld [smem:$0x3FAC]  }
0x2c: {  	s7 =	sld [smem:$0x3FAD]  }
0x2d: {  	s3 =	simm.s32 $0x108;
	s8 =	sld [smem:$0x3FAE]  }
0x2e: {  	s3 =	simm.s32 @!p0 $0x1082;
	s9 =	sld [smem:$0x3FAF]  }
0x2f: {  	lr =	sadd.s32 s0, s3;
	s0 =	sld [smem:$0x3FA6]  }
0x30: {  	s3 =	sld [smem:$0x3FA9]  }
0x31: {  	[smem:$0x3FB2] =	sst s10  }
0x32: {  	s10 =	sld [smem:$0x3FB0];
	_ =	sdelay $0x3  }
0x33: {  	p0 =	seq.s32 s10, $0x1;
	s10 =	sld [smem:$0x3FB2];
	_ =	sdelay $0x3  }
0x34: {  	[smem:$0x3FB2] =	sst s10  }
0x35: {  	s10 =	sld [smem:$0x3FB1];
	_ =	sdelay $0x3  }
0x36: {  	p1 =	seq.s32 s10, $0x1;
	s10 =	sld [smem:$0x3FB2];
	_ =	sdelay $0x3  }
0x37: {  	[smem:$0x3FB2] =	sst s10  }
0x38: {  	s10 =	sld [smem:$0x3FB3]  }
0x39: {  	_ = 	snop;
	(pc) =	sbr.ind lr, $3  }
0x3a: {  	_ = 	snop  }
0x3b: {  	_ = 	snop  }
0x3c: {  	p2 =	seq.s32 s10, $0x1;
	s10 =	sld [smem:$0x3FB2]  }
0x3d: {  	_ =	shalt  }
0x3e: {  	_ =	shalt  }
0x3f: {  	_ =	shalt  }
0x40: {  	_ =	shalt  }
0x41: {  	_ =	shalt  }
0x42: {  	_ =	shalt  }
0x43: {  	_ =	shalt  }
0x44: {  	_ =	shalt  }
0x45: {  	_ =	shalt  }
0x46: {  	_ =	shalt  }
0x47: {  	_ =	shalt  }
0x48: {  	_ =	shalt  }
0x49: {  	_ =	shalt  }
0x4a: {  	_ =	shalt  }
0x4b: {  	_ =	shalt  }
0x4c: {  	_ =	shalt  }
0x4d: {  	_ =	shalt  }
0x4e: {  	_ =	shalt  }
0x4f: {  	_ =	shalt  }
0x50: {  	_ =	shalt  }
0x51: {  	_ =	shalt  }
0x52: {  	_ =	shalt  }
0x53: {  	_ =	shalt  }
0x54: {  	_ =	shalt  }
0x55: {  	_ =	shalt  }
0x56: {  	_ =	shalt  }
0x57: {  	_ =	shalt  }
0x58: {  	_ =	shalt  }
0x59: {  	_ =	shalt  }
0x5a: {  	_ =	shalt  }
0x5b: {  	_ =	shalt  }
0x5c: {  	_ =	shalt  }
0x5d: {  	_ =	shalt  }
0x5e: {  	_ =	shalt  }
0x5f: {  	_ =	shalt  }
0x60: {  	_ =	shalt  }
0x61: {  	_ =	shalt  }
0x62: {  	_ =	shalt  }
0x63: {  	_ =	shalt  }
0x64: {  	_ =	shalt  }
0x65: {  	_ =	shalt  }
0x66: {  	_ =	shalt  }
0x67: {  	_ =	shalt  }
0x68: {  	_ =	shalt  }
0x69: {  	_ =	shalt  }
0x6a: {  	_ =	shalt  }
0x6b: {  	_ =	shalt  }
0x6c: {  	_ =	shalt  }
0x6d: {  	_ =	shalt  }
0x6e: {  	_ =	shalt  }
0x6f: {  	_ =	shalt  }
0x70: {  	_ =	shalt  }
0x71: {  	_ =	shalt  }
0x72: {  	_ =	shalt  }
0x73: {  	_ =	shalt  }
0x74: {  	_ =	shalt  }
0x75: {  	_ =	shalt  }
0x76: {  	_ =	shalt  }
0x77: {  	_ =	shalt  }
0x78: {  	_ =	shalt  }
0x79: {  	_ =	shalt  }
0x7a: {  	_ =	shalt  }
0x7b: {  	_ =	shalt  }
0x7c: {  	_ =	shalt  }
0x7d: {  	_ =	shalt  }
0x7e: {  	_ =	shalt  }
0x7f: {  	_ =	shalt  }
0x80: {  	_ =	shalt  }
0x81: {  	_ =	shalt  }
0x82: {  	_ =	shalt  }
0x83: {  	_ =	shalt  }
0x84: {  	_ =	shalt  }
0x85: {  	_ =	shalt  }
0x86: {  	_ =	shalt  }
0x87: {  	_ =	shalt  }
.Lfunc_end0:
.L_simem_size_0:
called_computation_lowered:
.L_overlay_start_0:
0x88: {  	s2 =	sld [smem:$0x3FD9]  }
0x89: {  	s3 =	sld [smem:$0x3FFE];
	_ =	sdelay $0x1  }
0x8a: {  	s1 =	srdreg.scid  }
0x8b: {  	s0 =	sand.u32 $0x1, s1  }
0x8c: {  	s17 =	sshll.u32 s0, $0xA;
	s2 =	sadd.s32 s3, s2  }
0x8d: {  	s2 =	sadd.s32 s2, s17  }
0x8e: {  	[smem:$0x3FBE] =	sst s2  }
0x8f: {  	_ = 	snop  }
0x90: {  	s2 =	sld [smem:$0x3FD0];
	(tm) =	ssettm $0x1  }
0x91: {  	s18 =	sld [smem:$0x3FFB];
	_ =	sdelay $0x3  }
0x92: {  	_ =	strace s18  }
0x93: {  	s3 =	sld [smem:$0x3FFC];
	_ =	sdelay $0x3  }
0x94: {  	_ =	strace s3  }
0x95: {  	s3 =	sld [smem:$0x3FFD];
	_ =	sdelay $0x3  }
0x96: {  	_ =	strace s3  }
0x97: {  	_ =	strace $0x8FFFFFFF  }
0x98: {  	s19 =	sld [smem:$0x3FDB];
	_ =	sdelay $0x1  }
0x99: {  	s4 =	simm.s32 $_scs_section_size  }
0x9a: {  	s5 =	simm.s32 $_size__tile_overlayer_lowered;
	s6 =	simm.s32 $_tile_overlayer_lowered  }
0x9b: {  	s22 =	simm.s32 $0x1BFF;
	s21 =	sshll.u32 s6, $0x1;
	s3 =	sadd.s32 s4, s19  }
0x9c: {  	s7 =	simm.s32 $0x0;
	s20 =	sshll.u32 s5, $0x1;
	s5 =	sadd.s32 s21, s3  }
0x9d: {  	[timem:s7], [sflag:s22] =	dma.local [hbm:s5], s20  }
0x9e: {  	_ =	swait.ge [sflag:s22], s20  }
0x9f: {  	s4 =	ssub.s32 $0x0, s20;
	[sflag:s22] =	ssyncset.done $0x0  }
0xa0: {  	[sflag:s22] =	ssyncadd.s32 s4;
	_ =	sdelay $0x1  }
0xa1: {  	s23 =	simm.s32 $0x1B8B  }
0xa2: {  	_ =	swait.ge [sflag:s23], $0x1  }
0xa3: {  	[sflag:s23] =	ssyncset.done $0x0  }
0xa4: {  	s25 =	simm.s32 $0x1B8E;
	s24 =	sld [smem:$0x3FFE];
	[sflag:s23] =	ssyncadd.s32 $0xFFFFFFFF  }
0xa5: {  	s26 =	simm.s32 $execute0_lowered;
	[smem:$0x3FD2] =	sst s25  }
0xa6: {  	s5 =	sshll.u32 s26, $0x1;
	_ =	strace $0x80000046;
	[dreg:$0x1] =	wrdreg $0xFFFFFFFF  }
0xa7: {  	s28 =	simm.s32 $_size_execute0_lowered;
	s3 =	sadd.s32 s3, s5;
	[dreg:$0x0] =	wrdreg $0x0  }
0xa8: {  	s5 =	sshll.u32 s28, $0x1;
	[dreg:$0x2] =	wrdreg s3  }
0xa9: {  	[dreg:$0x3] =	wrdreg s5  }
0xaa: {  	[dreg:$0x4] =	wrdreg $0xC0  }
0xab: {  	_ =	task [dreg:s7], $0x5FFFF  }
0xac: {  	[dreg:$0x1] =	wrdreg $0xFFFFFFFF  }
0xad: {  	[dreg:$0x0] =	wrdreg $0x60  }
0xae: {  	[dreg:$0x2] =	wrdreg s2  }
0xaf: {  	[dreg:$0x3] =	wrdreg s24  }
0xb0: {  	[dreg:$0x4] =	wrdreg $0x9  }
0xb1: {  	_ =	task.clear_ibuf [dreg:s7], $0x5FFFF;
	_ =	strace $0x90000046  }
0xb2: {  	s29 =	simm.s32 $0x9;
	_ =	strace $0x80000048  }
0xb3: {  	_ =	swait.ge [sflag:s29], $0x1  }
0xb4: {  	[sflag:s29] =	ssyncadd.s32 $0xFFFFFFFF  }
0xb5: {  	_ =	strace $0x90000048  }
0xb6: {  	_ =	sfence  }
0xb7: {  	s30 =	sld [smem:$0x0];
	_ =	sdelay $0x2  }
0xb8: {  	s31 =	sshll.u32 s1, $0xD;
	s1 =	sshrl.u32 s1, $0x2  }
0xb9: {  	s3 =	sand.u32 $0x4000, s31;
	s1 =	sadd.s32 s1, s30  }
0xba: {  	s0 =	sor.u32 s3, s0;
	s1 =	sshll.u32 s1, $0x11  }
0xbb: {  	s0 =	sor.u32 s1, s0  }
0xbc: {  	s0 =	sadd.s32 $0x8F2B, s0  }
0xbd: {  	[sflag:s0] =	ssyncadd.remote.s32 $0x1  }
0xbe: {  	_ =	sfence.sel $0xFFFF  }
0xbf: {  	[dreg:$0x0] =	wrdreg $0xFFFFFFFF;
	(pc) =	sbr.abs _section_cstart, $3  }
0xc0: {  	[dreg:$0x1] =	wrdreg $0xFFFFFFFF  }
0xc1: {  	_ =	task.clear_ibuf [dreg:s7], $0x2FFFF;
	_ =	strace $0x9FFFFFFF  }
0xc2: {  	(tm) =	ssettm $0x7FFFFFFF  }
0xc3: {  	_ =	shalt  }
tec
execute0_lowered:
.L_overlay_start_1:
0x0: {  	(tag) =	ssettag $0x1  }
0x1: {  	s1 =	rddreg [dreg:$0x0]  }
0x2: {  	s0 =	rddreg [dreg:$0x1];
	s3 =	simm.s32 $0x0;
	s2 =	srdreg.scid  }
0x3: {  	s4 =	stileid.u32;
	s13 =	simm.s32 $0x3;
	s14 =	simm.s32 $0x200  }
0x4: {  	s18 =	simm.s32 $0x100;
	s19 =	simm.s32 $0x300;
	s17 =	simm.s32 $0x15500  }
0x5: {  	s10 =	simm.s32 $0x15D00;
	s20 =	simm.s32 $0x16500;
	s21 =	simm.s32 $0x16D00  }
0x6: {  	s22 =	simm.s32 $0x17500;
	s23 =	simm.s32 $0x17D00;
	s24 =	simm.s32 $0x1  }
0x7: {  	s25 =	simm.s32 $0x18500;
	[smem:$0x7FF] =	sst s3;
	s2 =	sand.u32 $0x1, s2  }
0x8: {  	s5 =	sshll.u32 s4, $0x1;
	s4 =	sadd.s32 $0x81600, s0;
	s6 =	sadd.s32 $0x89600, s0  }
0x9: {  	v6 =	vlaneseq.u32;
	_ =	strace $0x80000047;
	s7 =	ssub.s32 $0x2, s2;
	s2 =	sor.u32 s2, s5  }
0xa: {  	vm0 =	vmmov $0xffff;
	v0 =	vmul.u32 $0x4, v6;
	s5 =	sadd.s32 $0x85600, s0;
	s8 =	sshrl.u32 s7, $0x1;
	s9 =	sshll.u32 s2, $0x9  }
0xb: {  	v5 =	vshrl.u32 v6, $0x3;
	v4 =	vand.u32 $0x7, v6;
	v6 =	vor.u32 $0x8, v6;
	s30 =	sshll.u32 s2, $0xA;
	s2 =	sshll.u32 s2, $0xF;
	s28 =	sadd.s32 s4, s9  }
0xc: {  	v5 =	vmul.u32 $0x8, v5;
	v1 =	vor.u32 $0x40, v0;
	v2 =	vor.u32 $0x80, v0;
	s26 =	ssub.s32 s7, s8;
	s29 =	sadd.s32 s5, s9;
	[dreg:$0x3] =	wrdreg s28  }
0xd: {  	v3 =	vor.u32 $0xC0, v0;
	v7 =	vor.u32 $0x1, v0;
	v8 =	vor.u32 $0x41, v0;
	s9 =	sadd.s32 s6, s2;
	s31 =	sor.u32 $0x80, s30;
	[dreg:$0x4] =	wrdreg s29  }
0xe: {  	v9 =	vor.u32 $0x81, v0;
	v10 =	vor.u32 $0xC1, v0;
	v11 =	vor.u32 $0x2, v0;
	s12 =	sor.u32 $0x40, s30;
	[dreg:$0x5] =	wrdreg s31;
	s0 =	smax.u32 s26, $0x1  }
0xf: {  	v12 =	vor.u32 $0x42, v0;
	v13 =	vor.u32 $0x82, v0;
	v14 =	vor.u32 $0xC2, v0;
	s2 =	simm.s32 $0x0;
	s26 =	simm.s32 $0x2;
	[dreg:$0x6] =	wrdreg s0  }
.LBB2_1:
0x10: {  	[dreg:$0x7] =	wrdreg s2  }
0x11: {  	s0 =	rddreg [dreg:$0x3]  }
0x12: {  	[tilespmem:s3], [sflag:$0x3] =	stream.linear.gather [hbm4b:s0+s3], $0x100, $0x38;
	[tilespmem:$0x1C500] =	vst v63  }
0x13: {  	_ =	swait.ge [sflag:s13], $0x100  }
0x14: {  	[sflag:s13] =	ssyncset.done $0x0  }
0x15: {  	s8 =	rddreg [dreg:$0x4];
	[sflag:s13] =	ssyncadd.s32 $0xFFFFFF00  }
0x16: {  	[tilespmem:s14], [sflag:$0x3] =	stream.linear.gather [hbm4b:s8+s3], $0x100, $0x38;
	[tilespmem:$0x1C500] =	vst v63  }
0x17: {  	_ =	swait.ge [sflag:s13], $0x100  }
0x18: {  	[sflag:s13] =	ssyncset.done $0x0  }
0x19: {  	[sflag:s13] =	ssyncadd.s32 $0xFFFFFF00  }
0x1a: {  	v15 =	vld.idx.msk [tilespmem:v0+s3+$0x0], $0xffff;
	_ =	sdelay $0x4  }
0x1b: {  	[tilespmem:$0x400] =	vst v15  }
0x1c: {  	v16 =	vld.idx.msk [tilespmem:v1+s3+$0x0], $0xffff;
	_ =	sdelay $0x4  }
0x1d: {  	[tilespmem:$0x410] =	vst v16  }
0x1e: {  	v16 =	vld.idx.msk [tilespmem:v2+s3+$0x0], $0xffff;
	_ =	sdelay $0x1  }
0x1f: {  	v17 =	vshll.u32 v15, $0x1  }
0x20: {  	v15 =	vand.u32 $0x7, v15;
	v17 =	vand.u32 $0xFFFFFFF0, v17  }
0x21: {  	v15 =	vor.u32 v15, v17  }
0x22: {  	v47 =	vperm.xlane v15, v4;
	[tilespmem:$0x420] =	vst v16  }
0x23: {  	v48 =	vld.idx.msk [tilespmem:v3+s3+$0x0], $0xffff  }
0x24: {  	v15 =	vperm.xlane v15, v6;
	v16 =	vadd.s32 v5, v47;
	_ =	sdelay $0x1  }
0x25: {  	v15 =	vadd.s32 v5, v15;
	_ =	sdelay $0x1  }
0x26: {  	s11 =	simm.s32 $0x500;
	[tilespmem:$0x430] =	vst v48  }
0x27: {  	[tilespmem:s11], [sflag:$0x1] =	stream.indirect_vreg.gather [hbm4b:s1+s3], $0x80, v16, vm0, $0xb8;
	[tilespmem:$0x1C500] =	vst v63  }
0x28: {  	s15 =	simm.s32 $0xD00  }
0x29: {  	[tilespmem:s15], [sflag:$0x1] =	stream.indirect_vreg.gather [hbm4b:s1+s3], $0x80, v15, vm0, $0xb8;
	[tilespmem:$0x1C500] =	vst v63  }
0x2a: {  	v15 =	vld [tilespmem:$0x410];
	_ =	sdelay $0x4  }
0x2b: {  	v49 =	vshll.u32 v15, $0x1  }
0x2c: {  	v15 =	vand.u32 $0x7, v15;
	v16 =	vand.u32 $0xFFFFFFF0, v49  }
0x2d: {  	v15 =	vor.u32 v15, v16  }
0x2e: {  	v16 =	vperm.xlane v15, v4;
	_ =	sdelay $0x1  }
0x2f: {  	v15 =	vperm.xlane v15, v6;
	v16 =	vadd.s32 v5, v16;
	_ =	sdelay $0x1  }
0x30: {  	v15 =	vadd.s32 v5, v15;
	_ =	sdelay $0x1  }
0x31: {  	s16 =	simm.s32 $0x1500  }
0x32: {  	[tilespmem:s16], [sflag:$0x1] =	stream.indirect_vreg.gather [hbm4b:s1+s3], $0x80, v16, vm0, $0xb8;
	[tilespmem:$0x1C500] =	vst v63  }
0x33: {  	s29 =	simm.s32 $0x1D00  }
0x34: {  	[tilespmem:s29], [sflag:$0x1] =	stream.indirect_vreg.gather [hbm4b:s1+s3], $0x80, v15, vm0, $0xb8;
	[tilespmem:$0x1C500] =	vst v63  }
0x35: {  	v15 =	vld [tilespmem:$0x420];
	_ =	sdelay $0x4  }
0x36: {  	v50 =	vshll.u32 v15, $0x1  }
0x37: {  	v15 =	vand.u32 $0x7, v15;
	v16 =	vand.u32 $0xFFFFFFF0, v50  }
0x38: {  	v15 =	vor.u32 v15, v16  }
0x39: {  	v16 =	vperm.xlane v15, v4;
	_ =	sdelay $0x1  }
0x3a: {  	v15 =	vperm.xlane v15, v6;
	v16 =	vadd.s32 v5, v16;
	_ =	sdelay $0x1  }
0x3b: {  	v15 =	vadd.s32 v5, v15;
	_ =	sdelay $0x1  }
0x3c: {  	s30 =	simm.s32 $0x2500  }
0x3d: {  	[tilespmem:s30], [sflag:$0x1] =	stream.indirect_vreg.gather [hbm4b:s1+s3], $0x80, v16, vm0, $0xb8;
	[tilespmem:$0x1C500] =	vst v63  }
0x3e: {  	s31 =	simm.s32 $0x2D00  }
0x3f: {  	[tilespmem:s31], [sflag:$0x1] =	stream.indirect_vreg.gather [hbm4b:s1+s3], $0x80, v15, vm0, $0xb8;
	[tilespmem:$0x1C500] =	vst v63  }
0x40: {  	v15 =	vld [tilespmem:$0x430];
	_ =	sdelay $0x4  }
0x41: {  	v51 =	vshll.u32 v15, $0x1  }
0x42: {  	v15 =	vand.u32 $0x7, v15;
	v16 =	vand.u32 $0xFFFFFFF0, v51  }
0x43: {  	v15 =	vor.u32 v15, v16  }
0x44: {  	v16 =	vperm.xlane v15, v4;
	_ =	sdelay $0x1  }
0x45: {  	v15 =	vperm.xlane v15, v6;
	v16 =	vadd.s32 v5, v16;
	_ =	sdelay $0x1  }
0x46: {  	v15 =	vadd.s32 v5, v15;
	_ =	sdelay $0x1  }
0x47: {  	s2 =	simm.s32 $0x3500  }
0x48: {  	[tilespmem:s2], [sflag:$0x1] =	stream.indirect_vreg.gather [hbm4b:s1+s3], $0x80, v16, vm0, $0xb8;
	[tilespmem:$0x1C500] =	vst v63  }
0x49: {  	s7 =	simm.s32 $0x3D00  }
0x4a: {  	[tilespmem:s7], [sflag:$0x1] =	stream.indirect_vreg.gather [hbm4b:s1+s3], $0x80, v15, vm0, $0xb8;
	[tilespmem:$0x1C500] =	vst v63  }
0x4b: {  	v15 =	vld.idx.msk [tilespmem:v7+s3+$0x0], $0xffff;
	_ =	sdelay $0x4  }
0x4c: {  	[tilespmem:$0x400] =	vst v15  }
0x4d: {  	v16 =	vld.idx.msk [tilespmem:v8+s3+$0x0], $0xffff;
	_ =	sdelay $0x4  }
0x4e: {  	[tilespmem:$0x410] =	vst v16  }
0x4f: {  	v16 =	vld.idx.msk [tilespmem:v9+s3+$0x0], $0xffff;
	_ =	sdelay $0x1  }
0x50: {  	v52 =	vshll.u32 v15, $0x1  }
0x51: {  	v15 =	vand.u32 $0x7, v15;
	v17 =	vand.u32 $0xFFFFFFF0, v52  }
0x52: {  	v15 =	vor.u32 v15, v17  }
0x53: {  	v53 =	vperm.xlane v15, v4;
	[tilespmem:$0x420] =	vst v16  }
0x54: {  	v54 =	vld.idx.msk [tilespmem:v10+s3+$0x0], $0xffff  }
0x55: {  	v15 =	vperm.xlane v15, v6;
	v16 =	vadd.s32 v5, v53;
	_ =	sdelay $0x1  }
0x56: {  	v15 =	vadd.s32 v5, v15;
	_ =	sdelay $0x1  }
0x57: {  	s8 =	simm.s32 $0x4500;
	[tilespmem:$0x430] =	vst v54  }
0x58: {  	[tilespmem:s8], [sflag:$0x1] =	stream.indirect_vreg.gather [hbm4b:s1+s3], $0x80, v16, vm0, $0xb8;
	[tilespmem:$0x1C500] =	vst v63  }
0x59: {  	s11 =	simm.s32 $0x4D00  }
0x5a: {  	[tilespmem:s11], [sflag:$0x1] =	stream.indirect_vreg.gather [hbm4b:s1+s3], $0x80, v15, vm0, $0xb8;
	[tilespmem:$0x1C500] =	vst v63  }
0x5b: {  	v15 =	vld [tilespmem:$0x410];
	_ =	sdelay $0x4  }
0x5c: {  	v55 =	vshll.u32 v15, $0x1  }
0x5d: {  	v15 =	vand.u32 $0x7, v15;
	v16 =	vand.u32 $0xFFFFFFF0, v55  }
0x5e: {  	v15 =	vor.u32 v15, v16  }
0x5f: {  	v16 =	vperm.xlane v15, v4;
	_ =	sdelay $0x1  }
0x60: {  	v15 =	vperm.xlane v15, v6;
	v16 =	vadd.s32 v5, v16;
	_ =	sdelay $0x1  }
0x61: {  	v15 =	vadd.s32 v5, v15;
	_ =	sdelay $0x1  }
0x62: {  	s15 =	simm.s32 $0x5500  }
0x63: {  	[tilespmem:s15], [sflag:$0x1] =	stream.indirect_vreg.gather [hbm4b:s1+s3], $0x80, v16, vm0, $0xb8;
	[tilespmem:$0x1C500] =	vst v63  }
0x64: {  	s16 =	simm.s32 $0x5D00  }
0x65: {  	[tilespmem:s16], [sflag:$0x1] =	stream.indirect_vreg.gather [hbm4b:s1+s3], $0x80, v15, vm0, $0xb8;
	[tilespmem:$0x1C500] =	vst v63  }
0x66: {  	v15 =	vld [tilespmem:$0x420];
	_ =	sdelay $0x4  }
0x67: {  	v56 =	vshll.u32 v15, $0x1  }
0x68: {  	v15 =	vand.u32 $0x7, v15;
	v16 =	vand.u32 $0xFFFFFFF0, v56  }
0x69: {  	v15 =	vor.u32 v15, v16  }
0x6a: {  	v16 =	vperm.xlane v15, v4;
	_ =	sdelay $0x1  }
0x6b: {  	v15 =	vperm.xlane v15, v6;
	v16 =	vadd.s32 v5, v16;
	_ =	sdelay $0x1  }
0x6c: {  	v15 =	vadd.s32 v5, v15;
	_ =	sdelay $0x1  }
0x6d: {  	s29 =	simm.s32 $0x6500  }
0x6e: {  	[tilespmem:s29], [sflag:$0x1] =	stream.indirect_vreg.gather [hbm4b:s1+s3], $0x80, v16, vm0, $0xb8;
	[tilespmem:$0x1C500] =	vst v63  }
0x6f: {  	s30 =	simm.s32 $0x6D00  }
0x70: {  	[tilespmem:s30], [sflag:$0x1] =	stream.indirect_vreg.gather [hbm4b:s1+s3], $0x80, v15, vm0, $0xb8;
	[tilespmem:$0x1C500] =	vst v63  }
0x71: {  	v15 =	vld [tilespmem:$0x430];
	_ =	sdelay $0x4  }
0x72: {  	v57 =	vshll.u32 v15, $0x1  }
0x73: {  	v15 =	vand.u32 $0x7, v15;
	v16 =	vand.u32 $0xFFFFFFF0, v57  }
0x74: {  	v15 =	vor.u32 v15, v16  }
0x75: {  	v16 =	vperm.xlane v15, v4;
	_ =	sdelay $0x1  }
0x76: {  	v15 =	vperm.xlane v15, v6;
	v16 =	vadd.s32 v5, v16;
	_ =	sdelay $0x1  }
0x77: {  	v15 =	vadd.s32 v5, v15;
	_ =	sdelay $0x1  }
0x78: {  	s31 =	simm.s32 $0x7500  }
0x79: {  	[tilespmem:s31], [sflag:$0x1] =	stream.indirect_vreg.gather [hbm4b:s1+s3], $0x80, v16, vm0, $0xb8;
	[tilespmem:$0x1C500] =	vst v63  }
0x7a: {  	s2 =	simm.s32 $0x7D00  }
0x7b: {  	[tilespmem:s2], [sflag:$0x1] =	stream.indirect_vreg.gather [hbm4b:s1+s3], $0x80, v15, vm0, $0xb8;
	[tilespmem:$0x1C500] =	vst v63  }
0x7c: {  	v15 =	vld.idx.msk [tilespmem:v11+s3+$0x0], $0xffff;
	_ =	sdelay $0x4  }
0x7d: {  	[tilespmem:$0x400] =	vst v15  }
0x7e: {  	v16 =	vld.idx.msk [tilespmem:v12+s3+$0x0], $0xffff;
	_ =	sdelay $0x4  }
0x7f: {  	[tilespmem:$0x410] =	vst v16  }
0x80: {  	v16 =	vld.idx.msk [tilespmem:v13+s3+$0x0], $0xffff;
	_ =	sdelay $0x1  }
0x81: {  	v58 =	vshll.u32 v15, $0x1  }
0x82: {  	v15 =	vand.u32 $0x7, v15;
	v17 =	vand.u32 $0xFFFFFFF0, v58  }
0x83: {  	v15 =	vor.u32 v15, v17  }
0x84: {  	v59 =	vperm.xlane v15, v4;
	[tilespmem:$0x420] =	vst v16  }
0x85: {  	v60 =	vld.idx.msk [tilespmem:v14+s3+$0x0], $0xffff  }
0x86: {  	v15 =	vperm.xlane v15, v6;
	v16 =	vadd.s32 v5, v59;
	_ =	sdelay $0x1  }
0x87: {  	v15 =	vadd.s32 v5, v15;
	_ =	sdelay $0x1  }
0x88: {  	s7 =	simm.s32 $0x8500;
	[tilespmem:$0x430] =	vst v60  }
0x89: {  	[tilespmem:s7], [sflag:$0x1] =	stream.indirect_vreg.gather [hbm4b:s1+s3], $0x80, v16, vm0, $0xb8;
	[tilespmem:$0x1C500] =	vst v63  }
0x8a: {  	s8 =	simm.s32 $0x8D00  }
0x8b: {  	[tilespmem:s8], [sflag:$0x1] =	stream.indirect_vreg.gather [hbm4b:s1+s3], $0x80, v15, vm0, $0xb8;
	[tilespmem:$0x1C500] =	vst v63  }
0x8c: {  	v15 =	vld [tilespmem:$0x410];
	_ =	sdelay $0x4  }
0x8d: {  	v61 =	vshll.u32 v15, $0x1  }
0x8e: {  	v15 =	vand.u32 $0x7, v15;
	v16 =	vand.u32 $0xFFFFFFF0, v61  }
0x8f: {  	v15 =	vor.u32 v15, v16  }
0x90: {  	v16 =	vperm.xlane v15, v4;
	_ =	sdelay $0x1  }
0x91: {  	v15 =	vperm.xlane v15, v6;
	v16 =	vadd.s32 v5, v16;
	_ =	sdelay $0x1  }
0x92: {  	v15 =	vadd.s32 v5, v15;
	_ =	sdelay $0x1  }
0x93: {  	s11 =	simm.s32 $0x9500  }
0x94: {  	[tilespmem:s11], [sflag:$0x1] =	stream.indirect_vreg.gather [hbm4b:s1+s3], $0x80, v16, vm0, $0xb8;
	[tilespmem:$0x1C500] =	vst v63  }
0x95: {  	s15 =	simm.s32 $0x9D00  }
0x96: {  	[tilespmem:s15], [sflag:$0x1] =	stream.indirect_vreg.gather [hbm4b:s1+s3], $0x80, v15, vm0, $0xb8;
	[tilespmem:$0x1C500] =	vst v63  }
0x97: {  	v15 =	vld [tilespmem:$0x420];
	_ =	sdelay $0x4  }
0x98: {  	v62 =	vshll.u32 v15, $0x1  }
0x99: {  	v15 =	vand.u32 $0x7, v15;
	v16 =	vand.u32 $0xFFFFFFF0, v62  }
0x9a: {  	v15 =	vor.u32 v15, v16  }
0x9b: {  	v16 =	vperm.xlane v15, v4;
	_ =	sdelay $0x1  }
0x9c: {  	v15 =	vperm.xlane v15, v6;
	v16 =	vadd.s32 v5, v16;
	_ =	sdelay $0x1  }
0x9d: {  	v15 =	vadd.s32 v5, v15;
	_ =	sdelay $0x1  }
0x9e: {  	s16 =	simm.s32 $0xA500  }
0x9f: {  	[tilespmem:s16], [sflag:$0x1] =	stream.indirect_vreg.gather [hbm4b:s1+s3], $0x80, v16, vm0, $0xb8;
	[tilespmem:$0x1C500] =	vst v63  }
0xa0: {  	s29 =	simm.s32 $0xAD00  }
0xa1: {  	[tilespmem:s29], [sflag:$0x1] =	stream.indirect_vreg.gather [hbm4b:s1+s3], $0x80, v15, vm0, $0xb8;
	[tilespmem:$0x1C500] =	vst v63  }
0xa2: {  	v15 =	vld [tilespmem:$0x430];
	_ =	sdelay $0x4  }
0xa3: {  	v63 =	vshll.u32 v15, $0x1  }
0xa4: {  	v15 =	vand.u32 $0x7, v15;
	v16 =	vand.u32 $0xFFFFFFF0, v63  }
0xa5: {  	v15 =	vor.u32 v15, v16  }
0xa6: {  	v16 =	vperm.xlane v15, v4;
	_ =	sdelay $0x1  }
0xa7: {  	v15 =	vperm.xlane v15, v6;
	v16 =	vadd.s32 v5, v16;
	_ =	sdelay $0x1  }
0xa8: {  	v15 =	vadd.s32 v5, v15;
	_ =	sdelay $0x1  }
0xa9: {  	s30 =	simm.s32 $0xB500  }
0xaa: {  	[tilespmem:s30], [sflag:$0x1] =	stream.indirect_vreg.gather [hbm4b:s1+s3], $0x80, v16, vm0, $0xb8;
	[tilespmem:$0x1C500] =	vst v63  }
0xab: {  	s28 =	simm.s32 $0x0;
	s31 =	simm.s32 $0xBD00  }
0xac: {  	[tilespmem:s31], [sflag:$0x1] =	stream.indirect_vreg.gather [hbm4b:s1+s3], $0x80, v15, vm0, $0xb8;
	[tilespmem:$0x1C500] =	vst v63  }
.LBB2_2:
0xad: {  	s30 =	sshll.u32 s28, $0x7  }
0xae: {  	s29 =	sor.u32 s12, s30  }
0xaf: {  	s2 =	sshrl.u32 s29, $0x1  }
0xb0: {  	s0 =	simm.s32 $0x0;
	s7 =	sadd.s32 s4, s2  }
0xb1: {  	[tilespmem:s18], [sflag:$0x3] =	stream.linear.gather [hbm4b:s7+s0], $0x100, $0x38;
	[tilespmem:$0x1C500] =	vst v63  }
0xb2: {  	_ =	swait.ge [sflag:s13], $0x100  }
0xb3: {  	[sflag:s13] =	ssyncset.done $0x0  }
0xb4: {  	s2 =	sadd.s32 s5, s2;
	[sflag:s13] =	ssyncadd.s32 $0xFFFFFF00  }
0xb5: {  	[tilespmem:s19], [sflag:$0x3] =	stream.linear.gather [hbm4b:s2+s0], $0x100, $0x38;
	[tilespmem:$0x1C500] =	vst v63  }
0xb6: {  	_ =	swait.ge [sflag:s13], $0x100  }
0xb7: {  	[sflag:s13] =	ssyncset.done $0x0  }
0xb8: {  	[sflag:s13] =	ssyncadd.s32 $0xFFFFFF00  }
0xb9: {  	v15 =	vld.idx.msk [tilespmem:v0+s18+$0x0], $0xffff;
	_ =	sdelay $0x4  }
0xba: {  	[tilespmem:$0x480] =	vst v15  }
0xbb: {  	v16 =	vld.idx.msk [tilespmem:v1+s18+$0x0], $0xffff;
	_ =	sdelay $0x4  }
0xbc: {  	[tilespmem:$0x490] =	vst v16  }
0xbd: {  	v16 =	vld.idx.msk [tilespmem:v2+s18+$0x0], $0xffff;
	_ =	sdelay $0x1  }
0xbe: {  	v17 =	vshll.u32 v15, $0x1  }
0xbf: {  	v15 =	vand.u32 $0x7, v15;
	v17 =	vand.u32 $0xFFFFFFF0, v17  }
0xc0: {  	v15 =	vor.u32 v15, v17  }
0xc1: {  	[tilespmem:$0x4A0] =	vst v16;
	v16 =	vperm.xlane v15, v4  }
0xc2: {  	v17 =	vld.idx.msk [tilespmem:v3+s18+$0x0], $0xffff  }
0xc3: {  	v15 =	vperm.xlane v15, v6;
	v16 =	vadd.s32 v5, v16;
	_ =	sdelay $0x1  }
0xc4: {  	v15 =	vadd.s32 v5, v15;
	_ =	sdelay $0x1  }
0xc5: {  	s15 =	simm.s32 $0xC500;
	[tilespmem:$0x4B0] =	vst v17  }
0xc6: {  	[tilespmem:s15], [sflag:$0x2] =	stream.indirect_vreg.gather [hbm4b:s1+s0], $0x80, v16, vm0, $0xb8;
	[tilespmem:$0x1C500] =	vst v63  }
0xc7: {  	s16 =	simm.s32 $0xCD00  }
0xc8: {  	[tilespmem:s16], [sflag:$0x2] =	stream.indirect_vreg.gather [hbm4b:s1+s0], $0x80, v15, vm0, $0xb8;
	[tilespmem:$0x1C500] =	vst v63  }
0xc9: {  	v15 =	vld [tilespmem:$0x490];
	_ =	sdelay $0x4  }
0xca: {  	v16 =	vshll.u32 v15, $0x1  }
0xcb: {  	v15 =	vand.u32 $0x7, v15;
	v16 =	vand.u32 $0xFFFFFFF0, v16  }
0xcc: {  	v15 =	vor.u32 v15, v16  }
0xcd: {  	v16 =	vperm.xlane v15, v4;
	_ =	sdelay $0x1  }
0xce: {  	v15 =	vperm.xlane v15, v6;
	v16 =	vadd.s32 v5, v16;
	_ =	sdelay $0x1  }
0xcf: {  	v15 =	vadd.s32 v5, v15;
	_ =	sdelay $0x1  }
0xd0: {  	s7 =	simm.s32 $0xD500  }
0xd1: {  	[tilespmem:s7], [sflag:$0x2] =	stream.indirect_vreg.gather [hbm4b:s1+s0], $0x80, v16, vm0, $0xb8;
	[tilespmem:$0x1C500] =	vst v63  }
0xd2: {  	s8 =	simm.s32 $0xDD00  }
0xd3: {  	[tilespmem:s8], [sflag:$0x2] =	stream.indirect_vreg.gather [hbm4b:s1+s0], $0x80, v15, vm0, $0xb8;
	[tilespmem:$0x1C500] =	vst v63  }
0xd4: {  	v15 =	vld [tilespmem:$0x4A0];
	_ =	sdelay $0x4  }
0xd5: {  	v16 =	vshll.u32 v15, $0x1  }
0xd6: {  	v15 =	vand.u32 $0x7, v15;
	v16 =	vand.u32 $0xFFFFFFF0, v16  }
0xd7: {  	v15 =	vor.u32 v15, v16  }
0xd8: {  	v16 =	vperm.xlane v15, v4;
	_ =	sdelay $0x1  }
0xd9: {  	v15 =	vperm.xlane v15, v6;
	v16 =	vadd.s32 v5, v16;
	_ =	sdelay $0x1  }
0xda: {  	v15 =	vadd.s32 v5, v15;
	_ =	sdelay $0x1  }
0xdb: {  	s11 =	simm.s32 $0xE500  }
0xdc: {  	[tilespmem:s11], [sflag:$0x2] =	stream.indirect_vreg.gather [hbm4b:s1+s0], $0x80, v16, vm0, $0xb8;
	[tilespmem:$0x1C500] =	vst v63  }
0xdd: {  	s15 =	simm.s32 $0xED00  }
0xde: {  	[tilespmem:s15], [sflag:$0x2] =	stream.indirect_vreg.gather [hbm4b:s1+s0], $0x80, v15, vm0, $0xb8;
	[tilespmem:$0x1C500] =	vst v63  }
0xdf: {  	v15 =	vld [tilespmem:$0x4B0];
	_ =	sdelay $0x4  }
0xe0: {  	v16 =	vshll.u32 v15, $0x1  }
0xe1: {  	v15 =	vand.u32 $0x7, v15;
	v16 =	vand.u32 $0xFFFFFFF0, v16  }
0xe2: {  	v15 =	vor.u32 v15, v16  }
0xe3: {  	v16 =	vperm.xlane v15, v4;
	_ =	sdelay $0x1  }
0xe4: {  	v15 =	vperm.xlane v15, v6;
	v16 =	vadd.s32 v5, v16;
	_ =	sdelay $0x1  }
0xe5: {  	v15 =	vadd.s32 v5, v15;
	_ =	sdelay $0x1  }
0xe6: {  	s16 =	simm.s32 $0xF500  }
0xe7: {  	[tilespmem:s16], [sflag:$0x2] =	stream.indirect_vreg.gather [hbm4b:s1+s0], $0x80, v16, vm0, $0xb8;
	[tilespmem:$0x1C500] =	vst v63  }
0xe8: {  	s7 =	simm.s32 $0xFD00  }
0xe9: {  	[tilespmem:s7], [sflag:$0x2] =	stream.indirect_vreg.gather [hbm4b:s1+s0], $0x80, v15, vm0, $0xb8;
	[tilespmem:$0x1C500] =	vst v63  }
0xea: {  	v15 =	vld.idx.msk [tilespmem:v7+s18+$0x0], $0xffff;
	_ =	sdelay $0x4  }
0xeb: {  	[tilespmem:$0x480] =	vst v15  }
0xec: {  	v16 =	vld.idx.msk [tilespmem:v8+s18+$0x0], $0xffff;
	_ =	sdelay $0x4  }
0xed: {  	[tilespmem:$0x490] =	vst v16  }
0xee: {  	v16 =	vld.idx.msk [tilespmem:v9+s18+$0x0], $0xffff;
	_ =	sdelay $0x1  }
0xef: {  	v17 =	vshll.u32 v15, $0x1  }
0xf0: {  	v15 =	vand.u32 $0x7, v15;
	v17 =	vand.u32 $0xFFFFFFF0, v17  }
0xf1: {  	v15 =	vor.u32 v15, v17  }
0xf2: {  	[tilespmem:$0x4A0] =	vst v16;
	v16 =	vperm.xlane v15, v4  }
0xf3: {  	v17 =	vld.idx.msk [tilespmem:v10+s18+$0x0], $0xffff  }
0xf4: {  	v15 =	vperm.xlane v15, v6;
	v16 =	vadd.s32 v5, v16;
	_ =	sdelay $0x1  }
0xf5: {  	v15 =	vadd.s32 v5, v15;
	_ =	sdelay $0x1  }
0xf6: {  	s8 =	simm.s32 $0x10500;
	[tilespmem:$0x4B0] =	vst v17  }
0xf7: {  	[tilespmem:s8], [sflag:$0x2] =	stream.indirect_vreg.gather [hbm4b:s1+s0], $0x80, v16, vm0, $0xb8;
	[tilespmem:$0x1C500] =	vst v63  }
0xf8: {  	s11 =	simm.s32 $0x10D00  }
0xf9: {  	[tilespmem:s11], [sflag:$0x2] =	stream.indirect_vreg.gather [hbm4b:s1+s0], $0x80, v15, vm0, $0xb8;
	[tilespmem:$0x1C500] =	vst v63  }
0xfa: {  	v15 =	vld [tilespmem:$0x490];
	_ =	sdelay $0x4  }
0xfb: {  	v16 =	vshll.u32 v15, $0x1  }
0xfc: {  	v15 =	vand.u32 $0x7, v15;
	v16 =	vand.u32 $0xFFFFFFF0, v16  }
0xfd: {  	v15 =	vor.u32 v15, v16  }
0xfe: {  	v16 =	vperm.xlane v15, v4;
	_ =	sdelay $0x1  }
0xff: {  	v15 =	vperm.xlane v15, v6;
	v16 =	vadd.s32 v5, v16;
	_ =	sdelay $0x1  }
0x100: {  	v15 =	vadd.s32 v5, v15;
	_ =	sdelay $0x1  }
0x101: {  	s15 =	simm.s32 $0x11500  }
0x102: {  	[tilespmem:s15], [sflag:$0x2] =	stream.indirect_vreg.gather [hbm4b:s1+s0], $0x80, v16, vm0, $0xb8;
	[tilespmem:$0x1C500] =	vst v63  }
0x103: {  	s16 =	simm.s32 $0x11D00  }
0x104: {  	[tilespmem:s16], [sflag:$0x2] =	stream.indirect_vreg.gather [hbm4b:s1+s0], $0x80, v15, vm0, $0xb8;
	[tilespmem:$0x1C500] =	vst v63  }
0x105: {  	v15 =	vld [tilespmem:$0x4A0];
	_ =	sdelay $0x4  }
0x106: {  	v16 =	vshll.u32 v15, $0x1  }
0x107: {  	v15 =	vand.u32 $0x7, v15;
	v16 =	vand.u32 $0xFFFFFFF0, v16  }
0x108: {  	v15 =	vor.u32 v15, v16  }
0x109: {  	v16 =	vperm.xlane v15, v4;
	_ =	sdelay $0x1  }
0x10a: {  	v15 =	vperm.xlane v15, v6;
	v16 =	vadd.s32 v5, v16;
	_ =	sdelay $0x1  }
0x10b: {  	v15 =	vadd.s32 v5, v15;
	_ =	sdelay $0x1  }
0x10c: {  	s7 =	simm.s32 $0x12500  }
0x10d: {  	[tilespmem:s7], [sflag:$0x2] =	stream.indirect_vreg.gather [hbm4b:s1+s0], $0x80, v16, vm0, $0xb8;
	[tilespmem:$0x1C500] =	vst v63  }
0x10e: {  	s8 =	simm.s32 $0x12D00  }
0x10f: {  	[tilespmem:s8], [sflag:$0x2] =	stream.indirect_vreg.gather [hbm4b:s1+s0], $0x80, v15, vm0, $0xb8;
	[tilespmem:$0x1C500] =	vst v63  }
0x110: {  	v15 =	vld [tilespmem:$0x4B0];
	_ =	sdelay $0x4  }
0x111: {  	v16 =	vshll.u32 v15, $0x1  }
0x112: {  	v15 =	vand.u32 $0x7, v15;
	v16 =	vand.u32 $0xFFFFFFF0, v16  }
0x113: {  	v15 =	vor.u32 v15, v16  }
0x114: {  	v16 =	vperm.xlane v15, v4;
	_ =	sdelay $0x1  }
0x115: {  	v15 =	vperm.xlane v15, v6;
	v16 =	vadd.s32 v5, v16;
	_ =	sdelay $0x1  }
0x116: {  	v15 =	vadd.s32 v5, v15;
	_ =	sdelay $0x1  }
0x117: {  	s11 =	simm.s32 $0x13500  }
0x118: {  	[tilespmem:s11], [sflag:$0x2] =	stream.indirect_vreg.gather [hbm4b:s1+s0], $0x80, v16, vm0, $0xb8;
	[tilespmem:$0x1C500] =	vst v63  }
0x119: {  	s15 =	simm.s32 $0x13D00  }
0x11a: {  	[tilespmem:s15], [sflag:$0x2] =	stream.indirect_vreg.gather [hbm4b:s1+s0], $0x80, v15, vm0, $0xb8;
	[tilespmem:$0x1C500] =	vst v63  }
0x11b: {  	v15 =	vld.idx.msk [tilespmem:v11+s18+$0x0], $0xffff;
	_ =	sdelay $0x4  }
0x11c: {  	[tilespmem:$0x480] =	vst v15  }
0x11d: {  	v16 =	vld.idx.msk [tilespmem:v12+s18+$0x0], $0xffff;
	_ =	sdelay $0x4  }
0x11e: {  	[tilespmem:$0x490] =	vst v16  }
0x11f: {  	v16 =	vld.idx.msk [tilespmem:v13+s18+$0x0], $0xffff;
	_ =	sdelay $0x1  }
0x120: {  	v17 =	vshll.u32 v15, $0x1  }
0x121: {  	v15 =	vand.u32 $0x7, v15;
	v17 =	vand.u32 $0xFFFFFFF0, v17  }
0x122: {  	v15 =	vor.u32 v15, v17  }
0x123: {  	[tilespmem:$0x4A0] =	vst v16;
	v16 =	vperm.xlane v15, v4  }
0x124: {  	v17 =	vld.idx.msk [tilespmem:v14+s18+$0x0], $0xffff  }
0x125: {  	v15 =	vperm.xlane v15, v6;
	v16 =	vadd.s32 v5, v16;
	_ =	sdelay $0x1  }
0x126: {  	v15 =	vadd.s32 v5, v15;
	_ =	sdelay $0x1  }
0x127: {  	s16 =	simm.s32 $0x14500;
	[tilespmem:$0x4B0] =	vst v17  }
0x128: {  	[tilespmem:s16], [sflag:$0x2] =	stream.indirect_vreg.gather [hbm4b:s1+s0], $0x80, v16, vm0, $0xb8;
	[tilespmem:$0x1C500] =	vst v63  }
0x129: {  	s7 =	simm.s32 $0x14D00  }
0x12a: {  	[tilespmem:s7], [sflag:$0x2] =	stream.indirect_vreg.gather [hbm4b:s1+s0], $0x80, v15, vm0, $0xb8;
	[tilespmem:$0x1C500] =	vst v63  }
0x12b: {  	v15 =	vld [tilespmem:$0x490];
	_ =	sdelay $0x4  }
0x12c: {  	v16 =	vshll.u32 v15, $0x1  }
0x12d: {  	v15 =	vand.u32 $0x7, v15;
	v16 =	vand.u32 $0xFFFFFFF0, v16  }
0x12e: {  	v15 =	vor.u32 v15, v16  }
0x12f: {  	v16 =	vperm.xlane v15, v4;
	_ =	sdelay $0x1  }
0x130: {  	v15 =	vperm.xlane v15, v6;
	v16 =	vadd.s32 v5, v16;
	_ =	sdelay $0x1  }
0x131: {  	v15 =	vadd.s32 v5, v15;
	_ =	sdelay $0x2  }
0x132: {  	[tilespmem:s17], [sflag:$0x2] =	stream.indirect_vreg.gather [hbm4b:s1+s0], $0x80, v16, vm0, $0xb8;
	[tilespmem:$0x1C500] =	vst v63  }
0x133: {  	_ = 	snop  }
0x134: {  	[tilespmem:s10], [sflag:$0x2] =	stream.indirect_vreg.gather [hbm4b:s1+s0], $0x80, v15, vm0, $0xb8;
	[tilespmem:$0x1C500] =	vst v63  }
0x135: {  	v15 =	vld [tilespmem:$0x4A0];
	_ =	sdelay $0x4  }
0x136: {  	v16 =	vshll.u32 v15, $0x1  }
0x137: {  	v15 =	vand.u32 $0x7, v15;
	v16 =	vand.u32 $0xFFFFFFF0, v16  }
0x138: {  	v15 =	vor.u32 v15, v16  }
0x139: {  	v16 =	vperm.xlane v15, v4;
	_ =	sdelay $0x1  }
0x13a: {  	v15 =	vperm.xlane v15, v6;
	v16 =	vadd.s32 v5, v16;
	_ =	sdelay $0x1  }
0x13b: {  	v15 =	vadd.s32 v5, v15;
	_ =	sdelay $0x2  }
0x13c: {  	[tilespmem:s20], [sflag:$0x2] =	stream.indirect_vreg.gather [hbm4b:s1+s0], $0x80, v16, vm0, $0xb8;
	[tilespmem:$0x1C500] =	vst v63  }
0x13d: {  	_ = 	snop  }
0x13e: {  	[tilespmem:s21], [sflag:$0x2] =	stream.indirect_vreg.gather [hbm4b:s1+s0], $0x80, v15, vm0, $0xb8;
	[tilespmem:$0x1C500] =	vst v63  }
0x13f: {  	v15 =	vld [tilespmem:$0x4B0];
	_ =	sdelay $0x4  }
0x140: {  	v16 =	vshll.u32 v15, $0x1  }
0x141: {  	v15 =	vand.u32 $0x7, v15;
	v16 =	vand.u32 $0xFFFFFFF0, v16  }
0x142: {  	v15 =	vor.u32 v15, v16  }
0x143: {  	v16 =	vperm.xlane v15, v4;
	_ =	sdelay $0x1  }
0x144: {  	v15 =	vperm.xlane v15, v6;
	v16 =	vadd.s32 v5, v16;
	_ =	sdelay $0x1  }
0x145: {  	v15 =	vadd.s32 v5, v15;
	_ =	sdelay $0x2  }
0x146: {  	[tilespmem:s22], [sflag:$0x2] =	stream.indirect_vreg.gather [hbm4b:s1+s0], $0x80, v16, vm0, $0xb8;
	[tilespmem:$0x1C500] =	vst v63  }
0x147: {  	_ = 	snop  }
0x148: {  	[tilespmem:s23], [sflag:$0x2] =	stream.indirect_vreg.gather [hbm4b:s1+s0], $0x80, v15, vm0, $0xb8;
	[tilespmem:$0x1C500] =	vst v63  }
0x149: {  	_ =	swait.ge [sflag:s24], $0x4000  }
0x14a: {  	[sflag:s24] =	ssyncset.done $0x0  }
0x14b: {  	[sflag:s24] =	ssyncadd.s32 $0xFFFFC000  }
0x14c: {  	_ =	swait.ge [sflag:s24], $0x4000  }
0x14d: {  	[sflag:s24] =	ssyncset.done $0x0  }
0x14e: {  	[sflag:s24] =	ssyncadd.s32 $0xFFFFC000  }
0x14f: {  	_ =	swait.ge [sflag:s24], $0x4000  }
0x150: {  	s8 =	sand.u32 $0x3800, s0;
	s11 =	sand.u32 $0x380, s0;
	[sflag:s24] =	ssyncset.done $0x0  }
0x151: {  	s31 =	sor.u32 s11, s8;
	[sflag:s24] =	ssyncadd.s32 $0xFFFFC000  }
0x152: {  	v16 =	vld [tilespmem:s31+$0x4930]  }
0x153: {  	v22 =	vld [tilespmem:s31+$0x8570]  }
0x154: {  	v27 =	vld [tilespmem:s31+$0x930]  }
0x155: {  	v24 =	vld [tilespmem:s31+$0x4920]  }
0x156: {  	v29 =	vld [tilespmem:s31+$0x4910]  }
0x157: {  	v15 =	vld [tilespmem:s31+$0x8550]  }
0x158: {  	v23 =	vld [tilespmem:s31+$0x910]  }
0x159: {  	v25 =	vld [tilespmem:s31+$0x900]  }
0x15a: {  	v18 =	vld [tilespmem:s31+$0x920]  }
0x15b: {  	v26 =	vld [tilespmem:s31+$0x550]  }
0x15c: {  	v34 =	vld [tilespmem:s31+$0x4560]  }
0x15d: {  	v28 =	vld [tilespmem:s31+$0x560]  }
0x15e: {  	v30 =	vld [tilespmem:s31+$0x4540]  }
0x15f: {  	v32 =	vld [tilespmem:s31+$0x530]  }
0x160: {  	v31 =	vld [tilespmem:s31+$0x8910]  }
0x161: {  	v17 =	vmov s0;
	v37 =	vld [tilespmem:s31+$0x4510]  }
0x162: {  	s15 =	simm.s32 $0x1;
	v17 =	vand.u32 $0xFFFFFFFC, v17;
	v33 =	vld [tilespmem:s31+$0x4530]  }
0x163: {  	v19 =	vmov s15;
	s16 =	simm.s32 $0x2;
	v17 =	vbroadcast v17, $0x0;
	v36 =	vld [tilespmem:s31+$0x4520]  }
0x164: {  	v19 =	vand.u32 $0xFFFFFFFD, v19;
	v20 =	vmov s16;
	v21 =	vld [tilespmem:s31+$0x510]  }
0x165: {  	v19 =	vbroadcast v19, $0x0;
	v20 =	vand.u32 $0xFFFFFFFE, v20;
	v39 =	vld [tilespmem:s31+$0x8970]  }
0x166: {  	v35 =	vbroadcast v20, $0x0;
	v38 =	vld [tilespmem:s31+$0x8920]  }
0x167: {  	v40 =	vld [tilespmem:s31+$0x4500]  }
0x168: {  	v41 =	vld [tilespmem:s31+$0x500]  }
0x169: {  	v20 =	vld.idx.msk [tilespmem:v17+s14+$0x0], $0xffff  }
0x16a: {  	v42 =	vld [tilespmem:s31+$0x8940]  }
0x16b: {  	v19 =	vld.idx.msk [tilespmem:v19+s14+$0x0], $0xffff  }
0x16c: {  	v17 =	vld.idx.msk [tilespmem:v35+s14+$0x0], $0xffff  }
0x16d: {  	v43 =	vld [tilespmem:s31+$0x940]  }
0x16e: {  	v45 =	vld [tilespmem:s31+$0x950];
	v41 =	vmul.f32 v41, v20;
	v48 =	vmul.f32 v18, v20  }
0x16f: {  	v44 =	vld [tilespmem:s31+$0x4940];
	v21 =	vmul.f32 v21, v20;
	v18 =	vmul.f32 v26, v20  }
0x170: {  	v47 =	vld [tilespmem:s31+$0x960];
	v50 =	vmul.f32 v33, v19;
	v26 =	vmul.f32 v23, v20  }
0x171: {  	v49 =	vld [tilespmem:s31+$0x4960];
	v40 =	vmul.f32 v40, v19;
	v35 =	vmul.f32 v25, v20  }
0x172: {  	v51 =	vld [tilespmem:s31+$0x970];
	v25 =	vmul.f32 v31, v17;
	v43 =	vmul.f32 v43, v20  }
0x173: {  	v53 =	vld [tilespmem:s31+$0x4970];
	v23 =	vmul.f32 v22, v17;
	v55 =	vmul.f32 v45, v20  }
0x174: {  	v52 =	vld [tilespmem:s31+$0x8960];
	v56 =	vmul.f32 v28, v20;
	v33 =	vmul.f32 v29, v19  }
0x175: {  	v59 =	vld [tilespmem:s31+$0x520];
	v22 =	vmul.f32 v24, v19;
	v24 =	vmul.f32 v47, v20  }
0x176: {  	v46 =	vld [tilespmem:s31+$0x4950];
	v60 =	vmul.f32 v49, v19;
	v44 =	vmul.f32 v44, v19  }
0x177: {  	v54 =	vld [tilespmem:s31+$0x8500];
	v31 =	vmul.f32 v30, v19;
	v62 =	vmul.f32 v51, v20  }
0x178: {  	v61 =	vld [tilespmem:s31+$0x8530];
	v63 =	vmul.f32 v53, v19;
	v36 =	vmul.f32 v36, v19  }
0x179: {  	v58 =	vld [tilespmem:s31+$0x4570];
	v57 =	vmul.f32 v32, v20;
	v30 =	vmul.f32 v27, v20  }
0x17a: {  	v47 =	vld [tilespmem:s31+$0x8520];
	v59 =	vmul.f32 v59, v20;
	v27 =	vmul.f32 v52, v17;
	v29 =	vadd.f32 v40, v41  }
0x17b: {  	v49 =	vld [tilespmem:s31+$0x8950];
	v42 =	vmul.f32 v42, v17;
	v22 =	vadd.f32 v22, v48;
	v24 =	vadd.f32 v60, v24  }
0x17c: {  	v28 =	vld [tilespmem:s31+$0x8510];
	v46 =	vmul.f32 v46, v19;
	v43 =	vadd.f32 v44, v43;
	v32 =	vadd.f32 v63, v62  }
0x17d: {  	v60 =	vld [tilespmem:s31+$0x4900];
	v44 =	vadd.f32 v50, v57;
	v41 =	vmul.f32 v61, v17;
	v62 =	vmul.f32 v34, v19  }
0x17e: {  	v45 =	vld [tilespmem:s31+$0x8900];
	v61 =	vadd.f32 v36, v59;
	v34 =	vmul.f32 v38, v17;
	v36 =	vmul.f32 v39, v17  }
0x17f: {  	v40 =	vld [tilespmem:s31+$0x540];
	v55 =	vadd.f32 v46, v55;
	v39 =	vmul.f32 v37, v19;
	v43 =	vadd.f32 v42, v43  }
0x180: {  	v38 =	vld [tilespmem:s31+$0x570];
	v63 =	vadd.f32 v41, v44;
	v47 =	vmul.f32 v47, v17;
	v49 =	vmul.f32 v49, v17  }
0x181: {  	v46 =	vmul.f32 v54, v17;
	v42 =	vld [tilespmem:s31+$0x8540];
	v37 =	vadd.f32 v62, v56;
	v44 =	vmul.f32 v58, v19;
	[tilespmem:s31+$0x18940] =	vst v43  }
0x182: {  	s2 =	simm.s32 $0x100;
	s7 =	simm.s32 $0x4;
	s0 =	simm.s32 $0x80;
	[tilespmem:s31+$0x18530] =	vst v63;
	v43 =	vld [tilespmem:s31+$0x4550];
	v41 =	vadd.f32 v47, v61;
	v48 =	vmul.f32 v60, v19;
	v47 =	vadd.f32 v49, v55  }
.LBB2_3:
0x183: {  	s8 =	sadd.s32 $0x1, s7  }
0x184: {  	v49 =	vmov s7;
	s11 =	sand.u32 $0x3800, s2;
	s15 =	sand.u32 $0x380, s0;
	v50 =	vld [tilespmem:s31+$0x8560];
	v45 =	vmul.f32 v45, v17;
	v51 =	vmul.f32 v16, v19;
	s16 =	smov.u32 s7  }
0x185: {  	v16 =	vand.u32 $0xFFFFFFFC, v49;
	v49 =	vmov s8;
	s16 =	sadd.s32 $0x2, s16;
	s8 =	sor.u32 s15, s11;
	s11 =	sadd.s32 $0x4, s7;
	v35 =	vadd.f32 v48, v35;
	v48 =	vld [tilespmem:s31+$0x8930];
	[tilespmem:s31+$0x18950] =	vst v47  }
0x186: {  	p0 =	sne.s32 s7, $0xFC;
	v47 =	vbroadcast v16, $0x0;
	v49 =	vand.u32 $0xFFFFFFFD, v49;
	v16 =	vld [tilespmem:s8+$0x4930];
	v52 =	vmul.f32 v38, v20  }
0x187: {  	v53 =	vmov s16;
	v49 =	vbroadcast v49, $0x0;
	v54 =	vld [tilespmem:s8+$0x8570];
	v35 =	vadd.f32 v45, v35  }
0x188: {  	v26 =	vadd.f32 v33, v26;
	v20 =	vmul.f32 v40, v20;
	v38 =	vld [tilespmem:s8+$0x930];
	v19 =	vmul.f32 v43, v19  }
0x189: {  	v29 =	vadd.f32 v46, v29;
	v33 =	vmul.f32 v42, v17;
	v42 =	vadd.f32 v44, v52;
	v40 =	vld [tilespmem:s8+$0x4920];
	[tilespmem:s31+$0x18900] =	vst v35  }
0x18a: {  	v21 =	vadd.f32 v39, v21;
	v28 =	vmul.f32 v28, v17;
	v25 =	vadd.f32 v25, v26;
	v43 =	vld [tilespmem:s8+$0x4910];
	[tilespmem:s31+$0x18520] =	vst v41  }
0x18b: {  	v26 =	vmul.f32 v15, v17;
	v20 =	vadd.f32 v31, v20;
	v23 =	vadd.f32 v23, v42;
	[tilespmem:s31+$0x18500] =	vst v29;
	v15 =	vld [tilespmem:s8+$0x8550]  }
0x18c: {  	v21 =	vadd.f32 v28, v21;
	v28 =	vmul.f32 v48, v17;
	v29 =	vld [tilespmem:s8+$0x910];
	[tilespmem:s31+$0x18910] =	vst v25;
	v25 =	vadd.f32 v51, v30  }
0x18d: {  	v20 =	vadd.f32 v33, v20;
	v18 =	vadd.f32 v19, v18;
	v17 =	vmul.f32 v50, v17;
	v30 =	vld [tilespmem:s8+$0x900];
	[tilespmem:s31+$0x18570] =	vst v23  }
0x18e: {  	v23 =	vld [tilespmem:s8+$0x920];
	[tilespmem:s31+$0x18510] =	vst v21;
	v19 =	vadd.f32 v28, v25;
	v21 =	vadd.f32 v36, v32  }
0x18f: {  	v18 =	vadd.f32 v26, v18;
	v25 =	vld [tilespmem:s8+$0x550];
	[tilespmem:s31+$0x18540] =	vst v20;
	v20 =	vadd.f32 v34, v22  }
0x190: {  	v17 =	vadd.f32 v17, v37;
	v22 =	vadd.f32 v27, v24;
	v32 =	vld [tilespmem:s8+$0x4560];
	[tilespmem:s31+$0x18970] =	vst v21  }
0x191: {  	v24 =	vld [tilespmem:s8+$0x560];
	[tilespmem:s31+$0x18920] =	vst v20  }
0x192: {  	v27 =	vld [tilespmem:s8+$0x4540];
	[tilespmem:s31+$0x18960] =	vst v22  }
0x193: {  	v34 =	vld [tilespmem:s8+$0x530];
	[tilespmem:s31+$0x18930] =	vst v19  }
0x194: {  	v22 =	vld [tilespmem:s8+$0x8910];
	[tilespmem:s31+$0x18550] =	vst v18  }
0x195: {  	v37 =	vld [tilespmem:s8+$0x4510];
	[tilespmem:s31+$0x18560] =	vst v17;
	s31 =	smov.u32 s8  }
0x196: {  	v26 =	vld [tilespmem:s31+$0x4530]  }
0x197: {  	v36 =	vld [tilespmem:s31+$0x4520]  }
0x198: {  	v18 =	vld [tilespmem:s31+$0x510]  }
0x199: {  	v17 =	vand.u32 $0xFFFFFFFE, v53;
	v39 =	vld [tilespmem:s31+$0x8970]  }
0x19a: {  	v17 =	vbroadcast v17, $0x0;
	v41 =	vld [tilespmem:s31+$0x8920]  }
0x19b: {  	v28 =	vld [tilespmem:s31+$0x4500]  }
0x19c: {  	v21 =	vld [tilespmem:s31+$0x500]  }
0x19d: {  	v20 =	vld.idx.msk [tilespmem:v47+s14+$0x0], $0xffff  }
0x19e: {  	v42 =	vld [tilespmem:s31+$0x8940]  }
0x19f: {  	v19 =	vld.idx.msk [tilespmem:v49+s14+$0x0], $0xffff  }
0x1a0: {  	v17 =	vld.idx.msk [tilespmem:v17+s14+$0x0], $0xffff  }
0x1a1: {  	v31 =	vld [tilespmem:s31+$0x940]  }
0x1a2: {  	v44 =	vld [tilespmem:s31+$0x4940]  }
0x1a3: {  	v33 =	vmul.f32 v21, v20;
	v45 =	vmul.f32 v23, v20;
	v46 =	vld [tilespmem:s31+$0x950]  }
0x1a4: {  	v21 =	vmul.f32 v18, v20;
	v18 =	vmul.f32 v25, v20;
	v47 =	vld [tilespmem:s31+$0x4950]  }
0x1a5: {  	v48 =	vmul.f32 v26, v19;
	v26 =	vmul.f32 v29, v20;
	v49 =	vld [tilespmem:s31+$0x960]  }
0x1a6: {  	v35 =	vmul.f32 v30, v20;
	v23 =	vmul.f32 v28, v19;
	v30 =	vld [tilespmem:s31+$0x4960]  }
0x1a7: {  	v25 =	vmul.f32 v22, v17;
	v50 =	vmul.f32 v31, v20;
	v51 =	vld [tilespmem:s31+$0x970]  }
0x1a8: {  	v29 =	vadd.f32 v23, v33;
	v23 =	vmul.f32 v54, v17;
	v46 =	vmul.f32 v46, v20;
	v52 =	vld [tilespmem:s31+$0x8960]  }
0x1a9: {  	v53 =	vmul.f32 v24, v20;
	v33 =	vmul.f32 v43, v19;
	v43 =	vld [tilespmem:s31+$0x4970]  }
0x1aa: {  	v22 =	vmul.f32 v40, v19;
	v54 =	vld [tilespmem:s31+$0x8500];
	v24 =	vmul.f32 v49, v20  }
0x1ab: {  	v40 =	vmul.f32 v44, v19;
	v28 =	vld [tilespmem:s31+$0x8510];
	v44 =	vmul.f32 v30, v19  }
0x1ac: {  	v31 =	vmul.f32 v27, v19;
	v22 =	vadd.f32 v22, v45;
	v49 =	vld [tilespmem:s31+$0x520];
	v45 =	vmul.f32 v51, v20  }
0x1ad: {  	v30 =	vmul.f32 v38, v20;
	v51 =	vmul.f32 v36, v19;
	v36 =	vld [tilespmem:s31+$0x8530];
	v24 =	vadd.f32 v44, v24  }
0x1ae: {  	v44 =	vadd.f32 v40, v50;
	v27 =	vmul.f32 v52, v17;
	v38 =	vld [tilespmem:s31+$0x8520];
	v40 =	vmul.f32 v43, v19  }
0x1af: {  	v47 =	vmul.f32 v47, v19;
	v43 =	vmul.f32 v34, v20;
	v50 =	vld [tilespmem:s31+$0x8950]  }
0x1b0: {  	v52 =	vmul.f32 v32, v19;
	v34 =	vmul.f32 v41, v17;
	v55 =	vld [tilespmem:s31+$0x4570];
	v32 =	vadd.f32 v40, v45  }
0x1b1: {  	v47 =	vadd.f32 v47, v46;
	v41 =	vmul.f32 v42, v17;
	v40 =	vmul.f32 v49, v20;
	v49 =	vld [tilespmem:s31+$0x4900]  }
.Ltmp0:
0x1b2: {  	v42 =	vadd.f32 v48, v43;
	v43 =	vmul.f32 v36, v17;
	v45 =	vld [tilespmem:s31+$0x8900];
	v36 =	vmul.f32 v39, v17;
	(pc) =	sbr.rel @p0 .LBB2_3-.Ltmp0, $4  }
0x1b3: {  	v46 =	vadd.f32 v51, v40;
	v48 =	vmul.f32 v38, v17;
	v40 =	vld [tilespmem:s31+$0x540];
	v51 =	vadd.f32 v41, v44  }
0x1b4: {  	v39 =	vmul.f32 v37, v19;
	v43 =	vadd.f32 v43, v42;
	v38 =	vld [tilespmem:s31+$0x570];
	v50 =	vmul.f32 v50, v17  }
0x1b5: {  	v37 =	vadd.f32 v52, v53;
	v41 =	vadd.f32 v48, v46;
	v42 =	vld [tilespmem:s31+$0x8540];
	v44 =	vmul.f32 v55, v19;
	[tilespmem:s31+$0x18940] =	vst v51  }
0x1b6: {  	s0 =	sadd.s32 $0x80, s0;
	s2 =	sadd.s32 $0x100, s2;
	s7 =	smov.u32 s11;
	v46 =	vmul.f32 v54, v17;
	[tilespmem:s31+$0x18530] =	vst v43;
	v43 =	vld [tilespmem:s31+$0x4550];
	v48 =	vmul.f32 v49, v19;
	v47 =	vadd.f32 v50, v47  }
0x1b7: {  	v26 =	vadd.f32 v33, v26;
	[tilespmem:s31+$0x18520] =	vst v41;
	v59 =	vadd.f32 v36, v32  }
0x1b8: {  	v45 =	vmul.f32 v45, v17;
	v21 =	vadd.f32 v39, v21;
	v61 =	vadd.f32 v34, v22;
	[tilespmem:s31+$0x18950] =	vst v47  }
0x1b9: {  	v49 =	vld [tilespmem:s31+$0x8930];
	v28 =	vmul.f32 v28, v17;
	v16 =	vmul.f32 v16, v19;
	v62 =	vadd.f32 v27, v24;
	[tilespmem:s31+$0x18970] =	vst v59  }
0x1ba: {  	v54 =	vld [tilespmem:s31+$0x8560];
	v35 =	vadd.f32 v48, v35;
	v55 =	vmul.f32 v40, v20;
	v29 =	vadd.f32 v46, v29;
	[tilespmem:s31+$0x18920] =	vst v61  }
0x1bb: {  	v38 =	vmul.f32 v38, v20;
	v25 =	vadd.f32 v25, v26;
	v21 =	vadd.f32 v28, v21;
	[tilespmem:s31+$0x18960] =	vst v62  }
0x1bc: {  	v16 =	vadd.f32 v16, v30;
	v57 =	vmul.f32 v42, v17;
	[tilespmem:s31+$0x18500] =	vst v29;
	v20 =	vadd.f32 v31, v55  }
0x1bd: {  	v35 =	vadd.f32 v45, v35;
	v56 =	vadd.f32 v44, v38;
	[tilespmem:s31+$0x18910] =	vst v25  }
0x1be: {  	v58 =	vmul.f32 v43, v19;
	[tilespmem:s31+$0x18510] =	vst v21;
	v20 =	vadd.f32 v57, v20;
	v60 =	vmul.f32 v49, v17  }
0x1bf: {  	[tilespmem:s31+$0x18900] =	vst v35;
	v63 =	vmul.f32 v54, v17;
	v23 =	vadd.f32 v23, v56  }
0x1c0: {  	v15 =	vmul.f32 v15, v17;
	v18 =	vadd.f32 v58, v18;
	[tilespmem:s31+$0x18540] =	vst v20;
	v16 =	vadd.f32 v60, v16  }
0x1c1: {  	v17 =	vadd.f32 v63, v37;
	[tilespmem:s31+$0x18570] =	vst v23  }
0x1c2: {  	v15 =	vadd.f32 v15, v18;
	[tilespmem:s31+$0x18930] =	vst v16  }
0x1c3: {  	s0 =	sshll.u32 s28, $0xC;
	p0 =	seq.s32 s28, $0x7;
	[tilespmem:s31+$0x18560] =	vst v17  }
.Ltmp1:
0x1c4: {  	s0 =	sadd.s32 s0, s9;
	[tilespmem:s31+$0x18550] =	vst v15;
	(pc) =	sbr.rel @p0 .LBB2_6-.Ltmp1, $4  }
0x1c5: {  	[hbm4b:s0+s3] =	stream.linear.scatter [tilespmem:s25], [sflag:$0x3], $0x4000, $0x38;
	[tilespmem:$0x1C500] =	vst v63  }
0x1c6: {  	_ =	swait.ge [sflag:s13], $0x4000  }
0x1c7: {  	[sflag:s13] =	ssyncset.done $0x0  }
0x1c8: {  	[sflag:s13] =	ssyncadd.s32 $0xFFFFC000  }
0x1c9: {  	s0 =	rddreg [dreg:$0x5]  }
0x1ca: {  	s0 =	sadd.s32 s30, s0  }
0x1cb: {  	s0 =	sshrl.u32 s0, $0x1  }
0x1cc: {  	s2 =	sadd.s32 s4, s0  }
0x1cd: {  	[tilespmem:s3], [sflag:$0x3] =	stream.linear.gather [hbm4b:s2+s3], $0x100, $0x38;
	[tilespmem:$0x1C500] =	vst v63  }
0x1ce: {  	_ =	swait.ge [sflag:s13], $0x100  }
0x1cf: {  	[sflag:s13] =	ssyncset.done $0x0  }
0x1d0: {  	s0 =	sadd.s32 s5, s0;
	[sflag:s13] =	ssyncadd.s32 $0xFFFFFF00  }
0x1d1: {  	[tilespmem:s14], [sflag:$0x3] =	stream.linear.gather [hbm4b:s0+s3], $0x100, $0x38;
	[tilespmem:$0x1C500] =	vst v63  }
0x1d2: {  	_ =	swait.ge [sflag:s13], $0x100  }
0x1d3: {  	[sflag:s13] =	ssyncset.done $0x0  }
0x1d4: {  	[sflag:s13] =	ssyncadd.s32 $0xFFFFFF00  }
0x1d5: {  	v15 =	vld.idx.msk [tilespmem:v0+s3+$0x0], $0xffff;
	_ =	sdelay $0x4  }
0x1d6: {  	[tilespmem:$0x400] =	vst v15  }
0x1d7: {  	v16 =	vld.idx.msk [tilespmem:v1+s3+$0x0], $0xffff;
	_ =	sdelay $0x4  }
0x1d8: {  	[tilespmem:$0x410] =	vst v16  }
0x1d9: {  	v16 =	vld.idx.msk [tilespmem:v2+s3+$0x0], $0xffff;
	_ =	sdelay $0x1  }
0x1da: {  	v17 =	vshll.u32 v15, $0x1  }
0x1db: {  	v15 =	vand.u32 $0x7, v15;
	v17 =	vand.u32 $0xFFFFFFF0, v17  }
0x1dc: {  	v15 =	vor.u32 v15, v17  }
0x1dd: {  	v47 =	vperm.xlane v15, v4;
	[tilespmem:$0x420] =	vst v16  }
0x1de: {  	v48 =	vld.idx.msk [tilespmem:v3+s3+$0x0], $0xffff  }
0x1df: {  	v15 =	vperm.xlane v15, v6;
	v16 =	vadd.s32 v5, v47;
	_ =	sdelay $0x1  }
0x1e0: {  	v15 =	vadd.s32 v5, v15;
	_ =	sdelay $0x1  }
0x1e1: {  	s2 =	simm.s32 $0x500;
	[tilespmem:$0x430] =	vst v48  }
0x1e2: {  	[tilespmem:s2], [sflag:$0x1] =	stream.indirect_vreg.gather [hbm4b:s1+s3], $0x80, v16, vm0, $0xb8;
	[tilespmem:$0x1C500] =	vst v63  }
0x1e3: {  	s7 =	simm.s32 $0xD00  }
0x1e4: {  	[tilespmem:s7], [sflag:$0x1] =	stream.indirect_vreg.gather [hbm4b:s1+s3], $0x80, v15, vm0, $0xb8;
	[tilespmem:$0x1C500] =	vst v63  }
0x1e5: {  	v15 =	vld [tilespmem:$0x410];
	_ =	sdelay $0x4  }
0x1e6: {  	v49 =	vshll.u32 v15, $0x1  }
0x1e7: {  	v15 =	vand.u32 $0x7, v15;
	v16 =	vand.u32 $0xFFFFFFF0, v49  }
0x1e8: {  	v15 =	vor.u32 v15, v16  }
0x1e9: {  	v16 =	vperm.xlane v15, v4;
	_ =	sdelay $0x1  }
0x1ea: {  	v15 =	vperm.xlane v15, v6;
	v16 =	vadd.s32 v5, v16;
	_ =	sdelay $0x1  }
0x1eb: {  	v15 =	vadd.s32 v5, v15;
	_ =	sdelay $0x1  }
0x1ec: {  	s8 =	simm.s32 $0x1500  }
0x1ed: {  	[tilespmem:s8], [sflag:$0x1] =	stream.indirect_vreg.gather [hbm4b:s1+s3], $0x80, v16, vm0, $0xb8;
	[tilespmem:$0x1C500] =	vst v63  }
0x1ee: {  	s11 =	simm.s32 $0x1D00  }
0x1ef: {  	[tilespmem:s11], [sflag:$0x1] =	stream.indirect_vreg.gather [hbm4b:s1+s3], $0x80, v15, vm0, $0xb8;
	[tilespmem:$0x1C500] =	vst v63  }
0x1f0: {  	v15 =	vld [tilespmem:$0x420];
	_ =	sdelay $0x4  }
0x1f1: {  	v50 =	vshll.u32 v15, $0x1  }
0x1f2: {  	v15 =	vand.u32 $0x7, v15;
	v16 =	vand.u32 $0xFFFFFFF0, v50  }
0x1f3: {  	v15 =	vor.u32 v15, v16  }
0x1f4: {  	v16 =	vperm.xlane v15, v4;
	_ =	sdelay $0x1  }
0x1f5: {  	v15 =	vperm.xlane v15, v6;
	v16 =	vadd.s32 v5, v16;
	_ =	sdelay $0x1  }
0x1f6: {  	v15 =	vadd.s32 v5, v15;
	_ =	sdelay $0x1  }
0x1f7: {  	s15 =	simm.s32 $0x2500  }
0x1f8: {  	[tilespmem:s15], [sflag:$0x1] =	stream.indirect_vreg.gather [hbm4b:s1+s3], $0x80, v16, vm0, $0xb8;
	[tilespmem:$0x1C500] =	vst v63  }
0x1f9: {  	s16 =	simm.s32 $0x2D00  }
0x1fa: {  	[tilespmem:s16], [sflag:$0x1] =	stream.indirect_vreg.gather [hbm4b:s1+s3], $0x80, v15, vm0, $0xb8;
	[tilespmem:$0x1C500] =	vst v63  }
0x1fb: {  	v15 =	vld [tilespmem:$0x430];
	_ =	sdelay $0x4  }
0x1fc: {  	v51 =	vshll.u32 v15, $0x1  }
0x1fd: {  	v15 =	vand.u32 $0x7, v15;
	v16 =	vand.u32 $0xFFFFFFF0, v51  }
0x1fe: {  	v15 =	vor.u32 v15, v16  }
0x1ff: {  	v16 =	vperm.xlane v15, v4;
	_ =	sdelay $0x1  }
0x200: {  	v15 =	vperm.xlane v15, v6;
	v16 =	vadd.s32 v5, v16;
	_ =	sdelay $0x1  }
0x201: {  	v15 =	vadd.s32 v5, v15;
	_ =	sdelay $0x1  }
0x202: {  	s30 =	simm.s32 $0x3500  }
0x203: {  	[tilespmem:s30], [sflag:$0x1] =	stream.indirect_vreg.gather [hbm4b:s1+s3], $0x80, v16, vm0, $0xb8;
	[tilespmem:$0x1C500] =	vst v63  }
0x204: {  	s31 =	simm.s32 $0x3D00  }
0x205: {  	[tilespmem:s31], [sflag:$0x1] =	stream.indirect_vreg.gather [hbm4b:s1+s3], $0x80, v15, vm0, $0xb8;
	[tilespmem:$0x1C500] =	vst v63  }
0x206: {  	v15 =	vld.idx.msk [tilespmem:v7+s3+$0x0], $0xffff;
	_ =	sdelay $0x4  }
0x207: {  	[tilespmem:$0x400] =	vst v15  }
0x208: {  	v16 =	vld.idx.msk [tilespmem:v8+s3+$0x0], $0xffff;
	_ =	sdelay $0x4  }
0x209: {  	[tilespmem:$0x410] =	vst v16  }
0x20a: {  	v16 =	vld.idx.msk [tilespmem:v9+s3+$0x0], $0xffff;
	_ =	sdelay $0x1  }
0x20b: {  	v52 =	vshll.u32 v15, $0x1  }
0x20c: {  	v15 =	vand.u32 $0x7, v15;
	v17 =	vand.u32 $0xFFFFFFF0, v52  }
0x20d: {  	v15 =	vor.u32 v15, v17  }
0x20e: {  	v53 =	vperm.xlane v15, v4;
	[tilespmem:$0x420] =	vst v16  }
0x20f: {  	v54 =	vld.idx.msk [tilespmem:v10+s3+$0x0], $0xffff  }
0x210: {  	v15 =	vperm.xlane v15, v6;
	v16 =	vadd.s32 v5, v53;
	_ =	sdelay $0x1  }
0x211: {  	v15 =	vadd.s32 v5, v15;
	_ =	sdelay $0x1  }
0x212: {  	s2 =	simm.s32 $0x4500;
	[tilespmem:$0x430] =	vst v54  }
0x213: {  	[tilespmem:s2], [sflag:$0x1] =	stream.indirect_vreg.gather [hbm4b:s1+s3], $0x80, v16, vm0, $0xb8;
	[tilespmem:$0x1C500] =	vst v63  }
0x214: {  	s7 =	simm.s32 $0x4D00  }
0x215: {  	[tilespmem:s7], [sflag:$0x1] =	stream.indirect_vreg.gather [hbm4b:s1+s3], $0x80, v15, vm0, $0xb8;
	[tilespmem:$0x1C500] =	vst v63  }
0x216: {  	v15 =	vld [tilespmem:$0x410];
	_ =	sdelay $0x4  }
0x217: {  	v55 =	vshll.u32 v15, $0x1  }
0x218: {  	v15 =	vand.u32 $0x7, v15;
	v16 =	vand.u32 $0xFFFFFFF0, v55  }
0x219: {  	v15 =	vor.u32 v15, v16  }
0x21a: {  	v16 =	vperm.xlane v15, v4;
	_ =	sdelay $0x1  }
0x21b: {  	v15 =	vperm.xlane v15, v6;
	v16 =	vadd.s32 v5, v16;
	_ =	sdelay $0x1  }
0x21c: {  	v15 =	vadd.s32 v5, v15;
	_ =	sdelay $0x1  }
0x21d: {  	s8 =	simm.s32 $0x5500  }
0x21e: {  	[tilespmem:s8], [sflag:$0x1] =	stream.indirect_vreg.gather [hbm4b:s1+s3], $0x80, v16, vm0, $0xb8;
	[tilespmem:$0x1C500] =	vst v63  }
0x21f: {  	s11 =	simm.s32 $0x5D00  }
0x220: {  	[tilespmem:s11], [sflag:$0x1] =	stream.indirect_vreg.gather [hbm4b:s1+s3], $0x80, v15, vm0, $0xb8;
	[tilespmem:$0x1C500] =	vst v63  }
0x221: {  	v15 =	vld [tilespmem:$0x420];
	_ =	sdelay $0x4  }
0x222: {  	v56 =	vshll.u32 v15, $0x1  }
0x223: {  	v15 =	vand.u32 $0x7, v15;
	v16 =	vand.u32 $0xFFFFFFF0, v56  }
0x224: {  	v15 =	vor.u32 v15, v16  }
0x225: {  	v16 =	vperm.xlane v15, v4;
	_ =	sdelay $0x1  }
0x226: {  	v15 =	vperm.xlane v15, v6;
	v16 =	vadd.s32 v5, v16;
	_ =	sdelay $0x1  }
0x227: {  	v15 =	vadd.s32 v5, v15;
	_ =	sdelay $0x1  }
0x228: {  	s15 =	simm.s32 $0x6500  }
0x229: {  	[tilespmem:s15], [sflag:$0x1] =	stream.indirect_vreg.gather [hbm4b:s1+s3], $0x80, v16, vm0, $0xb8;
	[tilespmem:$0x1C500] =	vst v63  }
0x22a: {  	s16 =	simm.s32 $0x6D00  }
0x22b: {  	[tilespmem:s16], [sflag:$0x1] =	stream.indirect_vreg.gather [hbm4b:s1+s3], $0x80, v15, vm0, $0xb8;
	[tilespmem:$0x1C500] =	vst v63  }
0x22c: {  	v15 =	vld [tilespmem:$0x430];
	_ =	sdelay $0x4  }
0x22d: {  	v57 =	vshll.u32 v15, $0x1  }
0x22e: {  	v15 =	vand.u32 $0x7, v15;
	v16 =	vand.u32 $0xFFFFFFF0, v57  }
0x22f: {  	v15 =	vor.u32 v15, v16  }
0x230: {  	v16 =	vperm.xlane v15, v4;
	_ =	sdelay $0x1  }
0x231: {  	v15 =	vperm.xlane v15, v6;
	v16 =	vadd.s32 v5, v16;
	_ =	sdelay $0x1  }
0x232: {  	v15 =	vadd.s32 v5, v15;
	_ =	sdelay $0x1  }
0x233: {  	s30 =	simm.s32 $0x7500  }
0x234: {  	[tilespmem:s30], [sflag:$0x1] =	stream.indirect_vreg.gather [hbm4b:s1+s3], $0x80, v16, vm0, $0xb8;
	[tilespmem:$0x1C500] =	vst v63  }
0x235: {  	s31 =	simm.s32 $0x7D00  }
0x236: {  	[tilespmem:s31], [sflag:$0x1] =	stream.indirect_vreg.gather [hbm4b:s1+s3], $0x80, v15, vm0, $0xb8;
	[tilespmem:$0x1C500] =	vst v63  }
0x237: {  	v15 =	vld.idx.msk [tilespmem:v11+s3+$0x0], $0xffff;
	_ =	sdelay $0x4  }
0x238: {  	[tilespmem:$0x400] =	vst v15  }
0x239: {  	v16 =	vld.idx.msk [tilespmem:v12+s3+$0x0], $0xffff;
	_ =	sdelay $0x4  }
0x23a: {  	[tilespmem:$0x410] =	vst v16  }
0x23b: {  	v16 =	vld.idx.msk [tilespmem:v13+s3+$0x0], $0xffff;
	_ =	sdelay $0x1  }
0x23c: {  	v58 =	vshll.u32 v15, $0x1  }
0x23d: {  	v15 =	vand.u32 $0x7, v15;
	v17 =	vand.u32 $0xFFFFFFF0, v58  }
0x23e: {  	v15 =	vor.u32 v15, v17  }
0x23f: {  	v59 =	vperm.xlane v15, v4;
	[tilespmem:$0x420] =	vst v16  }
0x240: {  	v60 =	vld.idx.msk [tilespmem:v14+s3+$0x0], $0xffff  }
0x241: {  	v15 =	vperm.xlane v15, v6;
	v16 =	vadd.s32 v5, v59;
	_ =	sdelay $0x1  }
0x242: {  	v15 =	vadd.s32 v5, v15;
	_ =	sdelay $0x1  }
0x243: {  	s2 =	simm.s32 $0x8500;
	[tilespmem:$0x430] =	vst v60  }
0x244: {  	[tilespmem:s2], [sflag:$0x1] =	stream.indirect_vreg.gather [hbm4b:s1+s3], $0x80, v16, vm0, $0xb8;
	[tilespmem:$0x1C500] =	vst v63  }
0x245: {  	s7 =	simm.s32 $0x8D00  }
0x246: {  	[tilespmem:s7], [sflag:$0x1] =	stream.indirect_vreg.gather [hbm4b:s1+s3], $0x80, v15, vm0, $0xb8;
	[tilespmem:$0x1C500] =	vst v63  }
0x247: {  	v15 =	vld [tilespmem:$0x410];
	_ =	sdelay $0x4  }
0x248: {  	v61 =	vshll.u32 v15, $0x1  }
0x249: {  	v15 =	vand.u32 $0x7, v15;
	v16 =	vand.u32 $0xFFFFFFF0, v61  }
0x24a: {  	v15 =	vor.u32 v15, v16  }
0x24b: {  	v16 =	vperm.xlane v15, v4;
	_ =	sdelay $0x1  }
0x24c: {  	v15 =	vperm.xlane v15, v6;
	v16 =	vadd.s32 v5, v16;
	_ =	sdelay $0x1  }
0x24d: {  	v15 =	vadd.s32 v5, v15;
	_ =	sdelay $0x1  }
0x24e: {  	s8 =	simm.s32 $0x9500  }
0x24f: {  	[tilespmem:s8], [sflag:$0x1] =	stream.indirect_vreg.gather [hbm4b:s1+s3], $0x80, v16, vm0, $0xb8;
	[tilespmem:$0x1C500] =	vst v63  }
0x250: {  	s11 =	simm.s32 $0x9D00  }
0x251: {  	[tilespmem:s11], [sflag:$0x1] =	stream.indirect_vreg.gather [hbm4b:s1+s3], $0x80, v15, vm0, $0xb8;
	[tilespmem:$0x1C500] =	vst v63  }
0x252: {  	v15 =	vld [tilespmem:$0x420];
	_ =	sdelay $0x4  }
0x253: {  	v62 =	vshll.u32 v15, $0x1  }
0x254: {  	v15 =	vand.u32 $0x7, v15;
	v16 =	vand.u32 $0xFFFFFFF0, v62  }
0x255: {  	v15 =	vor.u32 v15, v16  }
0x256: {  	v16 =	vperm.xlane v15, v4;
	_ =	sdelay $0x1  }
0x257: {  	v15 =	vperm.xlane v15, v6;
	v16 =	vadd.s32 v5, v16;
	_ =	sdelay $0x1  }
0x258: {  	v15 =	vadd.s32 v5, v15;
	_ =	sdelay $0x1  }
0x259: {  	s15 =	simm.s32 $0xA500  }
0x25a: {  	[tilespmem:s15], [sflag:$0x1] =	stream.indirect_vreg.gather [hbm4b:s1+s3], $0x80, v16, vm0, $0xb8;
	[tilespmem:$0x1C500] =	vst v63  }
0x25b: {  	s16 =	simm.s32 $0xAD00  }
0x25c: {  	[tilespmem:s16], [sflag:$0x1] =	stream.indirect_vreg.gather [hbm4b:s1+s3], $0x80, v15, vm0, $0xb8;
	[tilespmem:$0x1C500] =	vst v63  }
0x25d: {  	v15 =	vld [tilespmem:$0x430];
	_ =	sdelay $0x4  }
0x25e: {  	v63 =	vshll.u32 v15, $0x1  }
0x25f: {  	v15 =	vand.u32 $0x7, v15;
	v16 =	vand.u32 $0xFFFFFFF0, v63  }
0x260: {  	v15 =	vor.u32 v15, v16  }
0x261: {  	v16 =	vperm.xlane v15, v4;
	_ =	sdelay $0x1  }
0x262: {  	v15 =	vperm.xlane v15, v6;
	v16 =	vadd.s32 v5, v16;
	_ =	sdelay $0x1  }
0x263: {  	v15 =	vadd.s32 v5, v15;
	_ =	sdelay $0x1  }
0x264: {  	s30 =	simm.s32 $0xB500  }
0x265: {  	[tilespmem:s30], [sflag:$0x1] =	stream.indirect_vreg.gather [hbm4b:s1+s3], $0x80, v16, vm0, $0xb8;
	[tilespmem:$0x1C500] =	vst v63  }
0x266: {  	s31 =	simm.s32 $0xBD00  }
0x267: {  	[tilespmem:s31], [sflag:$0x1] =	stream.indirect_vreg.gather [hbm4b:s1+s3], $0x80, v15, vm0, $0xb8;
	[tilespmem:$0x1C500] =	vst v63  }
.LBB2_6:
0x268: {  	_ =	swait.ge [sflag:s26], $0x4000  }
0x269: {  	[sflag:s26] =	ssyncset.done $0x0  }
0x26a: {  	[sflag:s26] =	ssyncadd.s32 $0xFFFFC000  }
0x26b: {  	_ =	swait.ge [sflag:s26], $0x4000  }
0x26c: {  	[sflag:s26] =	ssyncset.done $0x0  }
0x26d: {  	[sflag:s26] =	ssyncadd.s32 $0xFFFFC000  }
0x26e: {  	s0 =	simm.s32 $0x0;
	_ =	swait.ge [sflag:s26], $0x4000  }
0x26f: {  	s2 =	sand.u32 $0x3800, s0;
	s7 =	sand.u32 $0x380, s0;
	[sflag:s26] =	ssyncset.done $0x0  }
0x270: {  	s30 =	sor.u32 s7, s2;
	[sflag:s26] =	ssyncadd.s32 $0xFFFFC000  }
0x271: {  	v16 =	vld [tilespmem:s30+$0x10930]  }
0x272: {  	v22 =	vld [tilespmem:s30+$0x14570]  }
0x273: {  	v27 =	vld [tilespmem:s30+$0xC930]  }
0x274: {  	v24 =	vld [tilespmem:s30+$0x10920]  }
0x275: {  	v29 =	vld [tilespmem:s30+$0x10910]  }
0x276: {  	v15 =	vld [tilespmem:s30+$0x14550]  }
0x277: {  	v23 =	vld [tilespmem:s30+$0xC910]  }
0x278: {  	v25 =	vld [tilespmem:s30+$0xC900]  }
0x279: {  	v18 =	vld [tilespmem:s30+$0xC920]  }
0x27a: {  	v26 =	vld [tilespmem:s30+$0xC550]  }
0x27b: {  	v34 =	vld [tilespmem:s30+$0x10560]  }
0x27c: {  	v28 =	vld [tilespmem:s30+$0xC560]  }
0x27d: {  	v30 =	vld [tilespmem:s30+$0x10540]  }
0x27e: {  	v32 =	vld [tilespmem:s30+$0xC530]  }
0x27f: {  	v31 =	vld [tilespmem:s30+$0x14910]  }
0x280: {  	v17 =	vmov s0;
	v37 =	vld [tilespmem:s30+$0x10510]  }
0x281: {  	s16 =	simm.s32 $0x1;
	v17 =	vand.u32 $0xFFFFFFFC, v17;
	v33 =	vld [tilespmem:s30+$0x10530]  }
0x282: {  	s31 =	simm.s32 $0x2;
	v19 =	vmov s16;
	v17 =	vbroadcast v17, $0x0;
	v36 =	vld [tilespmem:s30+$0x10520]  }
0x283: {  	v20 =	vmov s31;
	v19 =	vand.u32 $0xFFFFFFFD, v19;
	v21 =	vld [tilespmem:s30+$0xC510]  }
0x284: {  	v20 =	vand.u32 $0xFFFFFFFE, v20;
	v19 =	vbroadcast v19, $0x0;
	v39 =	vld [tilespmem:s30+$0x14970]  }
0x285: {  	v35 =	vbroadcast v20, $0x0;
	v38 =	vld [tilespmem:s30+$0x14920]  }
0x286: {  	v40 =	vld [tilespmem:s30+$0x10500]  }
0x287: {  	v41 =	vld [tilespmem:s30+$0xC500]  }
0x288: {  	v20 =	vld.idx.msk [tilespmem:v17+s19+$0x0], $0xffff  }
0x289: {  	v42 =	vld [tilespmem:s30+$0x14940]  }
0x28a: {  	v19 =	vld.idx.msk [tilespmem:v19+s19+$0x0], $0xffff  }
0x28b: {  	v17 =	vld.idx.msk [tilespmem:v35+s19+$0x0], $0xffff  }
0x28c: {  	v43 =	vld [tilespmem:s30+$0xC940]  }
0x28d: {  	v45 =	vld [tilespmem:s30+$0xC950];
	v41 =	vmul.f32 v41, v20;
	v48 =	vmul.f32 v18, v20  }
0x28e: {  	v44 =	vld [tilespmem:s30+$0x10940];
	v21 =	vmul.f32 v21, v20;
	v18 =	vmul.f32 v26, v20  }
0x28f: {  	v47 =	vld [tilespmem:s30+$0xC960];
	v50 =	vmul.f32 v33, v19;
	v26 =	vmul.f32 v23, v20  }
0x290: {  	v49 =	vld [tilespmem:s30+$0x10960];
	v40 =	vmul.f32 v40, v19;
	v35 =	vmul.f32 v25, v20  }
0x291: {  	v51 =	vld [tilespmem:s30+$0xC970];
	v25 =	vmul.f32 v31, v17;
	v43 =	vmul.f32 v43, v20  }
0x292: {  	v53 =	vld [tilespmem:s30+$0x10970];
	v23 =	vmul.f32 v22, v17;
	v55 =	vmul.f32 v45, v20  }
0x293: {  	v52 =	vld [tilespmem:s30+$0x14960];
	v56 =	vmul.f32 v28, v20;
	v33 =	vmul.f32 v29, v19  }
0x294: {  	v59 =	vld [tilespmem:s30+$0xC520];
	v22 =	vmul.f32 v24, v19;
	v24 =	vmul.f32 v47, v20  }
0x295: {  	v46 =	vld [tilespmem:s30+$0x10950];
	v60 =	vmul.f32 v49, v19;
	v44 =	vmul.f32 v44, v19  }
0x296: {  	v54 =	vld [tilespmem:s30+$0x14500];
	v31 =	vmul.f32 v30, v19;
	v62 =	vmul.f32 v51, v20  }
0x297: {  	v61 =	vld [tilespmem:s30+$0x14530];
	v63 =	vmul.f32 v53, v19;
	v36 =	vmul.f32 v36, v19  }
0x298: {  	v58 =	vld [tilespmem:s30+$0x10570];
	v57 =	vmul.f32 v32, v20;
	v30 =	vmul.f32 v27, v20  }
0x299: {  	v47 =	vld [tilespmem:s30+$0x14520];
	v59 =	vmul.f32 v59, v20;
	v27 =	vmul.f32 v52, v17;
	v29 =	vadd.f32 v40, v41  }
0x29a: {  	v49 =	vld [tilespmem:s30+$0x14950];
	v42 =	vmul.f32 v42, v17;
	v22 =	vadd.f32 v22, v48;
	v24 =	vadd.f32 v60, v24  }
0x29b: {  	v28 =	vld [tilespmem:s30+$0x14510];
	v46 =	vmul.f32 v46, v19;
	v43 =	vadd.f32 v44, v43;
	v32 =	vadd.f32 v63, v62  }
0x29c: {  	v60 =	vld [tilespmem:s30+$0x10900];
	v44 =	vadd.f32 v50, v57;
	v41 =	vmul.f32 v61, v17;
	v62 =	vmul.f32 v34, v19  }
0x29d: {  	v45 =	vld [tilespmem:s30+$0x14900];
	v61 =	vadd.f32 v36, v59;
	v34 =	vmul.f32 v38, v17;
	v36 =	vmul.f32 v39, v17  }
0x29e: {  	v40 =	vld [tilespmem:s30+$0xC540];
	v55 =	vadd.f32 v46, v55;
	v39 =	vmul.f32 v37, v19;
	v43 =	vadd.f32 v42, v43  }
0x29f: {  	v38 =	vld [tilespmem:s30+$0xC570];
	v63 =	vadd.f32 v41, v44;
	v47 =	vmul.f32 v47, v17;
	v49 =	vmul.f32 v49, v17  }
0x2a0: {  	v46 =	vmul.f32 v54, v17;
	v42 =	vld [tilespmem:s30+$0x14540];
	v37 =	vadd.f32 v62, v56;
	v44 =	vmul.f32 v58, v19;
	[tilespmem:s30+$0x18940] =	vst v43  }
0x2a1: {  	s11 =	simm.s32 $0x4;
	s0 =	simm.s32 $0x80;
	s2 =	simm.s32 $0x100;
	[tilespmem:s30+$0x18530] =	vst v63;
	v43 =	vld [tilespmem:s30+$0x10550];
	v41 =	vadd.f32 v47, v61;
	v48 =	vmul.f32 v60, v19;
	v47 =	vadd.f32 v49, v55  }
.LBB2_7:
0x2a2: {  	s7 =	sadd.s32 $0x1, s11  }
0x2a3: {  	v49 =	vmov s11;
	s8 =	sand.u32 $0x3800, s2;
	s15 =	sand.u32 $0x380, s0;
	v50 =	vld [tilespmem:s30+$0x14560];
	v45 =	vmul.f32 v45, v17;
	v51 =	vmul.f32 v16, v19;
	s16 =	smov.u32 s11  }
0x2a4: {  	v16 =	vand.u32 $0xFFFFFFFC, v49;
	v49 =	vmov s7;
	s16 =	sadd.s32 $0x2, s16;
	s8 =	sor.u32 s15, s8;
	s7 =	sadd.s32 $0x4, s11;
	v35 =	vadd.f32 v48, v35;
	v48 =	vld [tilespmem:s30+$0x14930];
	[tilespmem:s30+$0x18950] =	vst v47  }
0x2a5: {  	p0 =	sne.s32 s11, $0xFC;
	v47 =	vbroadcast v16, $0x0;
	v49 =	vand.u32 $0xFFFFFFFD, v49;
	v16 =	vld [tilespmem:s8+$0x10930];
	v52 =	vmul.f32 v38, v20  }
0x2a6: {  	v53 =	vmov s16;
	v49 =	vbroadcast v49, $0x0;
	v54 =	vld [tilespmem:s8+$0x14570];
	v35 =	vadd.f32 v45, v35  }
0x2a7: {  	v26 =	vadd.f32 v33, v26;
	v20 =	vmul.f32 v40, v20;
	v38 =	vld [tilespmem:s8+$0xC930];
	v19 =	vmul.f32 v43, v19  }
0x2a8: {  	v29 =	vadd.f32 v46, v29;
	v33 =	vmul.f32 v42, v17;
	v42 =	vadd.f32 v44, v52;
	v40 =	vld [tilespmem:s8+$0x10920];
	[tilespmem:s30+$0x18900] =	vst v35  }
0x2a9: {  	v21 =	vadd.f32 v39, v21;
	v28 =	vmul.f32 v28, v17;
	v25 =	vadd.f32 v25, v26;
	v43 =	vld [tilespmem:s8+$0x10910];
	[tilespmem:s30+$0x18520] =	vst v41  }
0x2aa: {  	v26 =	vmul.f32 v15, v17;
	v20 =	vadd.f32 v31, v20;
	v23 =	vadd.f32 v23, v42;
	[tilespmem:s30+$0x18500] =	vst v29;
	v15 =	vld [tilespmem:s8+$0x14550]  }
0x2ab: {  	v21 =	vadd.f32 v28, v21;
	v28 =	vmul.f32 v48, v17;
	v29 =	vld [tilespmem:s8+$0xC910];
	[tilespmem:s30+$0x18910] =	vst v25;
	v25 =	vadd.f32 v51, v30  }
0x2ac: {  	v20 =	vadd.f32 v33, v20;
	v18 =	vadd.f32 v19, v18;
	v17 =	vmul.f32 v50, v17;
	v30 =	vld [tilespmem:s8+$0xC900];
	[tilespmem:s30+$0x18570] =	vst v23  }
0x2ad: {  	v23 =	vld [tilespmem:s8+$0xC920];
	[tilespmem:s30+$0x18510] =	vst v21;
	v19 =	vadd.f32 v28, v25;
	v21 =	vadd.f32 v36, v32  }
0x2ae: {  	v18 =	vadd.f32 v26, v18;
	v25 =	vld [tilespmem:s8+$0xC550];
	[tilespmem:s30+$0x18540] =	vst v20;
	v20 =	vadd.f32 v34, v22  }
0x2af: {  	v17 =	vadd.f32 v17, v37;
	v22 =	vadd.f32 v27, v24;
	v32 =	vld [tilespmem:s8+$0x10560];
	[tilespmem:s30+$0x18970] =	vst v21  }
0x2b0: {  	v24 =	vld [tilespmem:s8+$0xC560];
	[tilespmem:s30+$0x18920] =	vst v20  }
0x2b1: {  	v27 =	vld [tilespmem:s8+$0x10540];
	[tilespmem:s30+$0x18960] =	vst v22  }
0x2b2: {  	v34 =	vld [tilespmem:s8+$0xC530];
	[tilespmem:s30+$0x18930] =	vst v19  }
0x2b3: {  	v22 =	vld [tilespmem:s8+$0x14910];
	[tilespmem:s30+$0x18550] =	vst v18  }
0x2b4: {  	v37 =	vld [tilespmem:s8+$0x10510];
	[tilespmem:s30+$0x18560] =	vst v17;
	s30 =	smov.u32 s8  }
0x2b5: {  	v26 =	vld [tilespmem:s30+$0x10530]  }
0x2b6: {  	v36 =	vld [tilespmem:s30+$0x10520]  }
0x2b7: {  	v18 =	vld [tilespmem:s30+$0xC510]  }
0x2b8: {  	v17 =	vand.u32 $0xFFFFFFFE, v53;
	v39 =	vld [tilespmem:s30+$0x14970]  }
0x2b9: {  	v17 =	vbroadcast v17, $0x0;
	v41 =	vld [tilespmem:s30+$0x14920]  }
0x2ba: {  	v28 =	vld [tilespmem:s30+$0x10500]  }
0x2bb: {  	v21 =	vld [tilespmem:s30+$0xC500]  }
0x2bc: {  	v20 =	vld.idx.msk [tilespmem:v47+s19+$0x0], $0xffff  }
0x2bd: {  	v42 =	vld [tilespmem:s30+$0x14940]  }
0x2be: {  	v19 =	vld.idx.msk [tilespmem:v49+s19+$0x0], $0xffff  }
0x2bf: {  	v17 =	vld.idx.msk [tilespmem:v17+s19+$0x0], $0xffff  }
0x2c0: {  	v31 =	vld [tilespmem:s30+$0xC940]  }
0x2c1: {  	v44 =	vld [tilespmem:s30+$0x10940]  }
0x2c2: {  	v33 =	vmul.f32 v21, v20;
	v45 =	vmul.f32 v23, v20;
	v46 =	vld [tilespmem:s30+$0xC950]  }
0x2c3: {  	v21 =	vmul.f32 v18, v20;
	v18 =	vmul.f32 v25, v20;
	v47 =	vld [tilespmem:s30+$0x10950]  }
0x2c4: {  	v48 =	vmul.f32 v26, v19;
	v26 =	vmul.f32 v29, v20;
	v49 =	vld [tilespmem:s30+$0xC960]  }
0x2c5: {  	v35 =	vmul.f32 v30, v20;
	v23 =	vmul.f32 v28, v19;
	v30 =	vld [tilespmem:s30+$0x10960]  }
0x2c6: {  	v25 =	vmul.f32 v22, v17;
	v50 =	vmul.f32 v31, v20;
	v51 =	vld [tilespmem:s30+$0xC970]  }
0x2c7: {  	v29 =	vadd.f32 v23, v33;
	v23 =	vmul.f32 v54, v17;
	v46 =	vmul.f32 v46, v20;
	v52 =	vld [tilespmem:s30+$0x14960]  }
0x2c8: {  	v53 =	vmul.f32 v24, v20;
	v33 =	vmul.f32 v43, v19;
	v43 =	vld [tilespmem:s30+$0x10970]  }
0x2c9: {  	v22 =	vmul.f32 v40, v19;
	v54 =	vld [tilespmem:s30+$0x14500];
	v24 =	vmul.f32 v49, v20  }
0x2ca: {  	v40 =	vmul.f32 v44, v19;
	v28 =	vld [tilespmem:s30+$0x14510];
	v44 =	vmul.f32 v30, v19  }
0x2cb: {  	v31 =	vmul.f32 v27, v19;
	v22 =	vadd.f32 v22, v45;
	v49 =	vld [tilespmem:s30+$0xC520];
	v45 =	vmul.f32 v51, v20  }
0x2cc: {  	v30 =	vmul.f32 v38, v20;
	v51 =	vmul.f32 v36, v19;
	v36 =	vld [tilespmem:s30+$0x14530];
	v24 =	vadd.f32 v44, v24  }
0x2cd: {  	v44 =	vadd.f32 v40, v50;
	v27 =	vmul.f32 v52, v17;
	v38 =	vld [tilespmem:s30+$0x14520];
	v40 =	vmul.f32 v43, v19  }
0x2ce: {  	v47 =	vmul.f32 v47, v19;
	v43 =	vmul.f32 v34, v20;
	v50 =	vld [tilespmem:s30+$0x14950]  }
0x2cf: {  	v52 =	vmul.f32 v32, v19;
	v34 =	vmul.f32 v41, v17;
	v55 =	vld [tilespmem:s30+$0x10570];
	v32 =	vadd.f32 v40, v45  }
0x2d0: {  	v47 =	vadd.f32 v47, v46;
	v41 =	vmul.f32 v42, v17;
	v40 =	vmul.f32 v49, v20;
	v49 =	vld [tilespmem:s30+$0x10900]  }
.Ltmp2:
0x2d1: {  	v42 =	vadd.f32 v48, v43;
	v43 =	vmul.f32 v36, v17;
	v45 =	vld [tilespmem:s30+$0x14900];
	v36 =	vmul.f32 v39, v17;
	(pc) =	sbr.rel @p0 .LBB2_7-.Ltmp2, $4  }
0x2d2: {  	v46 =	vadd.f32 v51, v40;
	v48 =	vmul.f32 v38, v17;
	v40 =	vld [tilespmem:s30+$0xC540];
	v51 =	vadd.f32 v41, v44  }
0x2d3: {  	v39 =	vmul.f32 v37, v19;
	v43 =	vadd.f32 v43, v42;
	v38 =	vld [tilespmem:s30+$0xC570];
	v50 =	vmul.f32 v50, v17  }
0x2d4: {  	v37 =	vadd.f32 v52, v53;
	v41 =	vadd.f32 v48, v46;
	v42 =	vld [tilespmem:s30+$0x14540];
	v44 =	vmul.f32 v55, v19;
	[tilespmem:s30+$0x18940] =	vst v51  }
0x2d5: {  	s0 =	sadd.s32 $0x80, s0;
	s2 =	sadd.s32 $0x100, s2;
	s11 =	smov.u32 s7;
	v46 =	vmul.f32 v54, v17;
	[tilespmem:s30+$0x18530] =	vst v43;
	v43 =	vld [tilespmem:s30+$0x10550];
	v48 =	vmul.f32 v49, v19;
	v47 =	vadd.f32 v50, v47  }
0x2d6: {  	v26 =	vadd.f32 v33, v26;
	[tilespmem:s30+$0x18520] =	vst v41;
	v59 =	vadd.f32 v36, v32  }
0x2d7: {  	v45 =	vmul.f32 v45, v17;
	v21 =	vadd.f32 v39, v21;
	v61 =	vadd.f32 v34, v22;
	[tilespmem:s30+$0x18950] =	vst v47  }
0x2d8: {  	v49 =	vld [tilespmem:s30+$0x14930];
	v28 =	vmul.f32 v28, v17;
	v16 =	vmul.f32 v16, v19;
	v62 =	vadd.f32 v27, v24;
	[tilespmem:s30+$0x18970] =	vst v59  }
0x2d9: {  	v54 =	vld [tilespmem:s30+$0x14560];
	v35 =	vadd.f32 v48, v35;
	v55 =	vmul.f32 v40, v20;
	v29 =	vadd.f32 v46, v29;
	[tilespmem:s30+$0x18920] =	vst v61  }
0x2da: {  	v38 =	vmul.f32 v38, v20;
	v25 =	vadd.f32 v25, v26;
	v21 =	vadd.f32 v28, v21;
	[tilespmem:s30+$0x18960] =	vst v62  }
0x2db: {  	v16 =	vadd.f32 v16, v30;
	v57 =	vmul.f32 v42, v17;
	[tilespmem:s30+$0x18500] =	vst v29;
	v20 =	vadd.f32 v31, v55  }
0x2dc: {  	v35 =	vadd.f32 v45, v35;
	v56 =	vadd.f32 v44, v38;
	[tilespmem:s30+$0x18910] =	vst v25  }
0x2dd: {  	v58 =	vmul.f32 v43, v19;
	[tilespmem:s30+$0x18510] =	vst v21;
	v20 =	vadd.f32 v57, v20;
	v60 =	vmul.f32 v49, v17  }
0x2de: {  	[tilespmem:s30+$0x18900] =	vst v35;
	v63 =	vmul.f32 v54, v17;
	v23 =	vadd.f32 v23, v56  }
0x2df: {  	v15 =	vmul.f32 v15, v17;
	v18 =	vadd.f32 v58, v18;
	[tilespmem:s30+$0x18540] =	vst v20;
	v16 =	vadd.f32 v60, v16  }
0x2e0: {  	v17 =	vadd.f32 v63, v37;
	[tilespmem:s30+$0x18570] =	vst v23  }
0x2e1: {  	s28 =	sadd.s32 $0x1, s28;
	v15 =	vadd.f32 v15, v18;
	[tilespmem:s30+$0x18930] =	vst v16  }
0x2e2: {  	s0 =	sshll.u32 s29, $0x5;
	p0 =	sne.s32 s28, $0x8;
	[tilespmem:s30+$0x18560] =	vst v17  }
.Ltmp3:
0x2e3: {  	s0 =	sadd.s32 s6, s0;
	[tilespmem:s30+$0x18550] =	vst v15;
	(pc) =	sbr.rel @p0 .LBB2_2-.Ltmp3, $4  }
0x2e4: {  	[hbm4b:s0+s3] =	stream.linear.scatter [tilespmem:s25], [sflag:$0x3], $0x4000, $0x38;
	[tilespmem:$0x1C500] =	vst v63  }
0x2e5: {  	_ =	swait.ge [sflag:s13], $0x4000  }
0x2e6: {  	[sflag:s13] =	ssyncset.done $0x0  }
0x2e7: {  	[sflag:s13] =	ssyncadd.s32 $0xFFFFC000  }
0x2e8: {  	s2 =	rddreg [dreg:$0x7]  }
0x2e9: {  	s0 =	rddreg [dreg:$0x6];
	s2 =	sadd.s32 $0x1, s2  }
0x2ea: {  	p0 =	sne.s32 s2, s0  }
.Ltmp4:
0x2eb: {  	_ = 	snop;
	(pc) =	sbr.rel @p0 .LBB2_1-.Ltmp4, $1  }
0x2ec: {  	_ =	sdelay $0x3  }
0x2ed: {  	_ =	sfence.sel $0x180000  }
0x2ee: {  	[bflag:$0x0] =	sbarrier.arrive $0xFFFF  }
0x2ef: {  	_ =	strace $0x90000047  }
0x2f0: {  	s0 =	stileid.u32;
	[bflag:$0x2] =	sbarrier.arrive $0xFFFF  }
0x2f1: {  	p0 =	sne.s32 s0, $0x0;
	s0 =	rddreg [dreg:$0x2]  }
0x2f2: {  	s0 =	sadd.s32 @!p0 $0x100000, s0  }
0x2f3: {  	[sflag:s0] =	ssyncadd.tile.s32 @!p0 $0x1;
	_ =	shalt  }
.Lfunc_end2:
_tile_overlayer_lowered:
.L_overlay_start_2:
0x2f4: {  	(tag) =	ssettag $0x2  }
0x2f5: {  	s0 =	rddreg [dreg:$0x0];
	s2 =	stileid.u32  }
0x2f6: {  	s1 =	rddreg [dreg:$0x1];
	p0 =	sne.s32 s2, $0x0  }
0x2f7: {  	s3 =	rddreg [dreg:$0x2];
	[bflag:$0x3] =	sbarrier.arrive $0xFFFF;
	s2 =	simm.s32 @!p0 $0x1C03  }
0x2f8: {  	[timem:s3], [sflag:s2] =	dma.local @!p0 [hbm:s0], s1  }
0x2f9: {  	s0 =	simm.s32 @!p0 $0x3  }
0x2fa: {  	_ =	swait.ge @!p0 [sflag:s0], s1  }
0x2fb: {  	s1 =	ssub.s32 @!p0 $0x0, s1;
	[sflag:s0] =	ssyncset.done @!p0 $0x0  }
0x2fc: {  	[sflag:s0] =	ssyncadd.s32 @!p0 s1  }
0x2fd: {  	[bflag:$0x3] =	sbarrier.arrive $0xFFFF  }
0x2fe: {  	_ =	shalt  }

</sc_bundles>
